<compile_context>
chip_gen: v7x
topology: tpu7x:2x2x1
jax: 0.10.2.dev20260603
libtpu: 0.0.44.dev20260713+nightly
codegen_flags: <defaults>
</compile_context>

<pallas_src>
import jax
import jax.numpy as jnp
from jax import lax
from jax.experimental import pallas as pl
from jax.experimental.pallas import tpu as pltpu
from jax.experimental.pallas import tpu_sc as plsc

NC = 2
NS = 16
LANES = 16
NW = NC * NS

LDEG = 16
ZB = 80
K = 80
NSLOT = 5
LOOKAHEAD = 3
RB = 2000


def _make_sc_aggregate(n, d, e, with_deg, fused_tail):
    dh = d // NC
    ew = e // NS
    k = K
    nch = ew // k
    nb = n // ZB
    tmax = -(-nb // NS)

    mesh = plsc.VectorSubcoreMesh(core_axis_name="c", subcore_axis_name="s")

    out_type = [jax.ShapeDtypeStruct((n, d), jnp.float32)]
    scratch = [
        pltpu.VMEM((nch, k), jnp.int32),
        pltpu.VMEM((nch, k), jnp.int32),
        pltpu.VMEM((NSLOT, k, dh), jnp.float32),
        pltpu.VMEM((ZB, dh), jnp.float32),
        pltpu.SemaphoreType.DMA((NSLOT,)),
        pltpu.SemaphoreType.DMA((NSLOT,)),
        pltpu.SemaphoreType.DMA((2,)),
        pltpu.VMEM_SHARED((n + 8, dh), jnp.float32),
    ]
    if with_deg:
        out_type.append(jax.ShapeDtypeStruct((n, d), jnp.float32))
        scratch += [
            pltpu.VMEM((k, LDEG), jnp.float32),
            pltpu.VMEM((ZB, LDEG), jnp.float32),
            pltpu.VMEM_SHARED((n + 8, LDEG), jnp.float32),
        ]
    if fused_tail:
        scratch += [
            pltpu.VMEM((ZB, dh), jnp.float32),
            pltpu.VMEM((ZB, LDEG), jnp.float32),
        ]

    def body(table, eiw, *refs):
        hrp = dinvp = None
        if fused_tail:
            hrp, dinvp = refs[:2]
            refs = refs[2:]
        if with_deg:
            (out, dego, srcv, dstv, bufs, zbuf, gsem, ssem, isem, acc,
             ones, zdeg, dacc) = refs
        else:
            if fused_tail:
                (out, srcv, dstv, bufs, zbuf, gsem, ssem, isem, acc,
                 hbuf, dvbuf) = refs
            else:
                out, srcv, dstv, bufs, zbuf, gsem, ssem, isem, acc = refs
        c = lax.axis_index("c")
        s = lax.axis_index("s")
        z16 = jnp.zeros((LANES,), jnp.float32)

        pltpu.async_copy(eiw.at[0, s], srcv, isem.at[0])
        pltpu.async_copy(eiw.at[1, s], dstv, isem.at[1])

        @pl.loop(0, ZB)
        def _(r):
            @pl.loop(0, dh, step=LANES)
            def _(cc):
                zbuf[r, pl.ds(cc, LANES)] = z16

        @pl.loop(0, tmax)
        def _(t):
            bid = s + t * NS

            @pl.when(bid < nb)
            def _():
                pltpu.sync_copy(zbuf, acc.at[pl.ds(bid * ZB, ZB)])

        if with_deg:
            o16 = jnp.ones((LANES,), jnp.float32)

            @pl.loop(0, ZB)
            def _(r):
                zdeg[r, pl.ds(0, LDEG)] = z16

            @pl.loop(0, k)
            def _(r):
                ones[r, pl.ds(0, LDEG)] = o16

            @pl.loop(0, tmax)
            def _(t):
                bid = s + t * NS

                @pl.when(bid < nb)
                def _():
                    pltpu.sync_copy(zdeg, dacc.at[pl.ds(bid * ZB, ZB)])

        pltpu.make_async_copy(eiw.at[0, s], srcv, isem.at[0]).wait()
        pltpu.make_async_copy(eiw.at[1, s], dstv, isem.at[1]).wait()

        @pl.loop(0, nch)
        def _(r):
            for q in range(k // LANES):
                sl = pl.ds(q * LANES, LANES)
                srcv[r, sl] = srcv[r, sl] * 2 + c

        plsc.subcore_barrier()

        def start_gather(i, b):
            pltpu.async_copy(table.at[srcv.at[i]], bufs.at[b], gsem.at[b])

        def wait_gather(i, b):
            pltpu.make_async_copy(table.at[srcv.at[i]], bufs.at[b],
                                  gsem.at[b]).wait()

        def start_scatter(i, b):
            pltpu.async_copy(bufs.at[b], acc.at[dstv.at[i]], ssem.at[b],
                             add=True)

        def wait_scatter(i, b):
            pltpu.make_async_copy(bufs.at[b], acc.at[dstv.at[i]],
                                  ssem.at[b]).wait()

        for b in range(LOOKAHEAD):
            start_gather(b, b)

        @pl.loop(0, nch, step=NSLOT)
        def _(j):
            for b in range(NSLOT):
                i = j + b
                bl = (b + LOOKAHEAD) % NSLOT

                @pl.when(i + LOOKAHEAD < nch)
                def _():
                    @pl.when(i + LOOKAHEAD - NSLOT >= 0)
                    def _():
                        wait_scatter(i + LOOKAHEAD - NSLOT, bl)

                    start_gather(i + LOOKAHEAD, bl)

                wait_gather(i, b)
                start_scatter(i, b)
                if with_deg:
                    @pl.when(lax.rem(i, 2) == c)
                    def _():
                        pltpu.sync_copy(ones, dacc.at[dstv.at[i]], add=True)

        for b in range(NSLOT):
            i = nch - NSLOT + b
            wait_scatter(i, b)

        plsc.subcore_barrier()

        if fused_tail:
            @pl.loop(0, tmax)
            def _(t):
                bid = s + t * NS

                @pl.when(bid < nb)
                def _():
                    r0 = bid * ZB
                    pltpu.sync_copy(acc.at[pl.ds(r0, ZB)], zbuf)
                    pltpu.sync_copy(
                        hrp.at[pl.ds(r0, ZB), pl.ds(c * dh, dh)], hbuf)
                    pltpu.sync_copy(
                        dinvp.at[pl.ds(r0, ZB), pl.ds(0, LDEG)], dvbuf)

                    @pl.loop(0, ZB)
                    def _(r):
                        dinv = dvbuf[r, pl.ds(0, LANES)]
                        for q in range(dh // LANES):
                            sl = pl.ds(q * LANES, LANES)
                            zbuf[r, sl] = zbuf[r, sl] * dinv + hbuf[r, sl]

                    pltpu.sync_copy(
                        zbuf, out.at[pl.ds(r0, ZB), pl.ds(c * dh, dh)])
        else:
            @pl.loop(0, tmax)
            def _(t):
                bid = s + t * NS

                @pl.when(bid < nb)
                def _():
                    pltpu.sync_copy(
                        acc.at[pl.ds(bid * ZB, ZB)],
                        out.at[pl.ds(bid * ZB, ZB), pl.ds(c * dh, dh)])

        if with_deg:
            @pl.loop(0, tmax)
            def _(t):
                bid = s + t * NS

                @pl.when(bid < nb)
                def _():
                    pltpu.sync_copy(
                        dacc.at[pl.ds(bid * ZB, ZB)],
                        dego.at[pl.ds(bid * ZB, ZB),
                                pl.ds(c * LDEG, LDEG)])

    return pl.kernel(
        body, out_type=out_type, mesh=mesh, scratch_types=scratch,
        compiler_params=pltpu.CompilerParams(use_tc_tiling_on_sc=False))


def _mm_in(x, wcat, bcat, d):
    n = x.shape[0]
    d_in = x.shape[1]

    def body(x_ref, w_ref, b_ref, o1_ref, o2_ref):
        h = jnp.dot(x_ref[...], w_ref[...],
                    preferred_element_type=jnp.float32,
                    precision=lax.Precision.DEFAULT) + b_ref[...]
        o1_ref[...] = h[:, :d]
        o2_ref[...] = h[:, d:]

    return pl.pallas_call(
        body,
        grid=(n // RB,),
        in_specs=[pl.BlockSpec((RB, d_in), lambda i: (i, 0)),
                  pl.BlockSpec(wcat.shape, lambda i: (0, 0)),
                  pl.BlockSpec(bcat.shape, lambda i: (0, 0))],
        out_specs=[pl.BlockSpec((RB, d), lambda i: (i, 0)),
                   pl.BlockSpec((RB, d), lambda i: (i, 0))],
        out_shape=[jax.ShapeDtypeStruct((n, d), jnp.float32),
                   jax.ShapeDtypeStruct((n, d), jnp.float32)],
    )(x, wcat, bcat)


def _mid(aggp, degp, xr, wcat, bcat, d):
    n, d_in = xr.shape

    def body(a_ref, g_ref, xr_ref, w_ref, b_ref, o1_ref, o2_ref, o3_ref):
        deg = (jnp.max(g_ref[:, :LDEG], axis=1, keepdims=True)
               + jnp.max(g_ref[:, LDEG:2 * LDEG], axis=1, keepdims=True))
        dinv = 1.0 / jnp.maximum(deg, 1.0)
        h = jnp.maximum(a_ref[...] * dinv + xr_ref[...], 0.0)
        hcat = jnp.dot(h, w_ref[...],
                       preferred_element_type=jnp.float32,
                       precision=lax.Precision.DEFAULT) + b_ref[...]
        o1_ref[...] = hcat[:, :d]
        o2_ref[...] = hcat[:, d:]
        o3_ref[...] = jnp.broadcast_to(dinv, (RB, d))

    return pl.pallas_call(
        body,
        grid=(n // RB,),
        in_specs=[pl.BlockSpec((RB, d_in), lambda i: (i, 0)),
                  pl.BlockSpec((RB, d_in), lambda i: (i, 0)),
                  pl.BlockSpec((RB, d_in), lambda i: (i, 0)),
                  pl.BlockSpec(wcat.shape, lambda i: (0, 0)),
                  pl.BlockSpec(bcat.shape, lambda i: (0, 0))],
        out_specs=[pl.BlockSpec((RB, d), lambda i: (i, 0)),
                   pl.BlockSpec((RB, d), lambda i: (i, 0)),
                   pl.BlockSpec((RB, d), lambda i: (i, 0))],
        out_shape=[jax.ShapeDtypeStruct((n, d), jnp.float32),
                   jax.ShapeDtypeStruct((n, d), jnp.float32),
                   jax.ShapeDtypeStruct((n, d), jnp.float32)],
    )(aggp, degp, xr, wcat, bcat)


def kernel(x, edge_index, W1_l, W1_r, b1, W2_l, W2_r, b2):
    n, d_in = x.shape
    e = edge_index.shape[1]
    d_hid = W1_l.shape[0]
    d_out = W2_l.shape[0]

    ei = edge_index.astype(jnp.int32)
    grp = K * NSLOT
    ewp = -(-(-(-e // NS)) // grp) * grp
    ep = ewp * NS
    pad = ep - e
    if pad:
        src_flat = jnp.concatenate([ei[0], jnp.zeros((pad,), jnp.int32)])
        dst_flat = jnp.concatenate([ei[1], jnp.full((pad,), n, jnp.int32)])
        eiw = jnp.stack([src_flat, dst_flat]).reshape(2, NS, ewp // K, K)
    else:
        eiw = ei.reshape(2, NS, ewp // K, K)

    w1cat = jnp.concatenate([W1_l.T, W1_r.T], axis=1)
    b1cat = jnp.concatenate([jnp.zeros_like(b1), b1]).reshape(1, 2 * d_hid)
    w2cat = jnp.concatenate([W2_l.T, W2_r.T], axis=1)
    b2cat = jnp.concatenate([jnp.zeros_like(b2), b2]).reshape(1, 2 * d_out)

    agg1 = _make_sc_aggregate(n, d_hid, ep, with_deg=True, fused_tail=False)
    agg2 = _make_sc_aggregate(n, d_out, ep, with_deg=False, fused_tail=True)

    xl, xr = _mm_in(x, w1cat, b1cat, d_hid)
    aggp1, degp = agg1(xl.reshape(NC * n, d_hid // NC), eiw)
    hl, hrp, dinvp = _mid(aggp1, degp, xr, w2cat, b2cat, d_out)
    out = agg2(hl.reshape(NC * n, d_out // NC), eiw, hrp, dinvp)
    if isinstance(out, (list, tuple)):
        out = out[0]
    return out

# --- scband reference (transcript-rebuilt; emitter-appended) ---
"""Pipeline reference for scband-graph-sagemodel-33964601376800 (READ-ONLY COPY).

The authoritative reference and input builder live on the scoring server;
editing this copy changes nothing except your own understanding.
"""

import jax, jax.numpy as jnp
import numpy as np

N = 10000
E = 320000
D_IN = 128
D_HID = 128
D_OUT = 128


def _sage_conv(x, edge_index, W_l, W_r, b):
    # PyG SAGEConv with mean aggregation:
    #   out = lin_l(mean_{j in N(i)} x_j) + lin_r(x_i)
    # lin_l carries the bias, lin_r has no bias.
    src = edge_index[0]
    dst = edge_index[1]
    msgs = jnp.take(x, src, axis=0)                      # gather: [E, d]
    agg = jnp.zeros((x.shape[0], x.shape[1]), dtype=x.dtype).at[dst].add(msgs)  # scatter-add
    deg = jnp.zeros((x.shape[0],), dtype=x.dtype).at[dst].add(1.0)
    deg = jnp.maximum(deg, 1.0)
    agg = agg / deg[:, None]                             # mean aggregation
    return agg @ W_l.T + b + x @ W_r.T


def setup_inputs(seed: int = 0) -> dict:
    key = jax.random.key(seed)
    k_x, k_e, k1, k2, k3, k4 = jax.random.split(key, 6)
    x = jax.random.normal(k_x, (N, D_IN), dtype=jnp.float32)
    edge_index = jax.random.randint(k_e, (2, E), 0, N, dtype=jnp.int64)
    s1 = 1.0 / np.sqrt(D_IN)
    s2 = 1.0 / np.sqrt(D_HID)
    W1_l = jax.random.uniform(k1, (D_HID, D_IN), dtype=jnp.float32, minval=-s1, maxval=s1)
    W1_r = jax.random.uniform(k2, (D_HID, D_IN), dtype=jnp.float32, minval=-s1, maxval=s1)
    b1 = jnp.zeros((D_HID,), dtype=jnp.float32)
    W2_l = jax.random.uniform(k3, (D_OUT, D_HID), dtype=jnp.float32, minval=-s2, maxval=s2)
    W2_r = jax.random.uniform(k4, (D_OUT, D_HID), dtype=jnp.float32, minval=-s2, maxval=s2)
    b2 = jnp.zeros((D_OUT,), dtype=jnp.float32)
    return {"x": x, "edge_index": edge_index,
            "W1_l": W1_l, "W1_r": W1_r, "b1": b1,
            "W2_l": W2_l, "W2_r": W2_r, "b2": b2}


def reference(x, edge_index, W1_l, W1_r, b1, W2_l, W2_r, b2):
    h = _sage_conv(x, edge_index, W1_l, W1_r, b1)
    h = jax.nn.relu(h)
    # Dropout(p=0.5) is identity in eval mode.
    out = _sage_conv(h, edge_index, W2_l, W2_r, b2)
    return out

if __name__ == "__main__":
    import jax
    _d = setup_inputs()
    print(jax.jit(kernel)(*tuple(_d.values())))

</pallas_src>

<mosaic_0001>
#map = affine_map<(d0, d1) -> (0, 0)>
#map1 = affine_map<(d0, d1) -> (0, 0, 0, 0)>
module attributes {stable_mosaic.version = 14 : i64} {
  func.func @body(%arg0: i32, %arg1: i32, %arg2: memref<20000x64xf32, #tpu.memory_space<hbm>>, %arg3: memref<2x16x250x80xi32, #tpu.memory_space<hbm>>, %arg4: memref<10000x128xf32, #tpu.memory_space<hbm>>, %arg5: memref<10000x128xf32, #tpu.memory_space<hbm>>, %arg6: memref<250x80xi32, #tpu.memory_space<vmem>>, %arg7: memref<250x80xi32, #tpu.memory_space<vmem>>, %arg8: memref<5x80x64xf32, #tpu.memory_space<vmem>>, %arg9: memref<80x64xf32, #tpu.memory_space<vmem>>, %arg10: memref<5x!tpu.dma_semaphore, #tpu.memory_space<semaphore_mem>>, %arg11: memref<5x!tpu.dma_semaphore, #tpu.memory_space<semaphore_mem>>, %arg12: memref<2x!tpu.dma_semaphore, #tpu.memory_space<semaphore_mem>>, %arg13: memref<10008x64xf32, #tpu.memory_space<vmem_shared>>, %arg14: memref<80x16xf32, #tpu.memory_space<vmem>>, %arg15: memref<80x16xf32, #tpu.memory_space<vmem>>, %arg16: memref<10008x16xf32, #tpu.memory_space<vmem_shared>>) attributes {dimension_semantics = [#tpu.dimension_semantics<core_parallel>, #tpu.dimension_semantics<subcore_parallel>], iteration_bounds = array<i64: 2, 16>, scalar_prefetch = 0 : i64, scratch_operands = 11 : i64, tpu.core_type = #tpu.core_type<sc_vector_subcore>, window_params = [{transform_indices = #map}, {transform_indices = #map1}, {transform_indices = #map}, {transform_indices = #map}]} {
    %broadcast_in_dim3A = arith.constant 0.000000e+00 : f32
    %broadcast_in_dim3A_0 = vector.broadcast %broadcast_in_dim3A : f32 to vector<16xf32>
    %dma_start3A = arith.constant 0 : i32
    %dma_start3A_1 = arith.constant 0 : i32
    %dma_start3A_2 = arith.constant 0 : i32
    %dma_start3A_3 = arith.constant 0 : i32
    %dma_start3A_4 = tpu.memref_slice %arg3[%dma_start3A, %arg1, %dma_start3A_2, %dma_start3A_3] : memref<2x16x250x80xi32, #tpu.memory_space<hbm>> -> memref<1x1x250x80xi32, #tpu.memory_space<hbm>>
    %dma_start3A_5 = tpu.memref_squeeze %dma_start3A_4 : memref<1x1x250x80xi32, #tpu.memory_space<hbm>> -> memref<250x80xi32, #tpu.memory_space<hbm>>
    %dma_start3A_6 = tpu.memref_slice %arg12[%dma_start3A_1] : memref<2x!tpu.dma_semaphore, #tpu.memory_space<semaphore_mem>> -> memref<1x!tpu.dma_semaphore, #tpu.memory_space<semaphore_mem>>
    %dma_start3A_7 = tpu.memref_squeeze %dma_start3A_6 : memref<1x!tpu.dma_semaphore, #tpu.memory_space<semaphore_mem>> -> memref<!tpu.dma_semaphore, #tpu.memory_space<semaphore_mem>>
    %dma_start3A_8 = arith.constant 0 : i32
    %dma_start3A_9 = arith.constant 0 : i32
    %dma_start3A_10 = tpu.memref_slice %arg3[%dma_start3A, %arg1, %dma_start3A_8, %dma_start3A_9] : memref<2x16x250x80xi32, #tpu.memory_space<hbm>> -> memref<1x1x250x80xi32, #tpu.memory_space<hbm>>
    %dma_start3A_11 = tpu.memref_squeeze %dma_start3A_10 : memref<1x1x250x80xi32, #tpu.memory_space<hbm>> -> memref<250x80xi32, #tpu.memory_space<hbm>>
    tpu.enqueue_dma source(%dma_start3A_11 : memref<250x80xi32, #tpu.memory_space<hbm>>) target(%arg6 : memref<250x80xi32, #tpu.memory_space<vmem>>) target_semaphore(%dma_start3A_7 : memref<!tpu.dma_semaphore, #tpu.memory_space<semaphore_mem>>)
    %dma_start3A_12 = arith.constant 1 : i32
    %dma_start3A_13 = arith.constant 1 : i32
    %dma_start3A_14 = arith.constant 0 : i32
    %dma_start3A_15 = arith.constant 0 : i32
    %dma_start3A_16 = tpu.memref_slice %arg3[%dma_start3A_12, %arg1, %dma_start3A_14, %dma_start3A_15] : memref<2x16x250x80xi32, #tpu.memory_space<hbm>> -> memref<1x1x250x80xi32, #tpu.memory_space<hbm>>
    %dma_start3A_17 = tpu.memref_squeeze %dma_start3A_16 : memref<1x1x250x80xi32, #tpu.memory_space<hbm>> -> memref<250x80xi32, #tpu.memory_space<hbm>>
    %dma_start3A_18 = tpu.memref_slice %arg12[%dma_start3A_13] : memref<2x!tpu.dma_semaphore, #tpu.memory_space<semaphore_mem>> -> memref<1x!tpu.dma_semaphore, #tpu.memory_space<semaphore_mem>>
    %dma_start3A_19 = tpu.memref_squeeze %dma_start3A_18 : memref<1x!tpu.dma_semaphore, #tpu.memory_space<semaphore_mem>> -> memref<!tpu.dma_semaphore, #tpu.memory_space<semaphore_mem>>
    %dma_start3A_20 = arith.constant 0 : i32
    %dma_start3A_21 = arith.constant 0 : i32
    %dma_start3A_22 = tpu.memref_slice %arg3[%dma_start3A_12, %arg1, %dma_start3A_20, %dma_start3A_21] : memref<2x16x250x80xi32, #tpu.memory_space<hbm>> -> memref<1x1x250x80xi32, #tpu.memory_space<hbm>>
    %dma_start3A_23 = tpu.memref_squeeze %dma_start3A_22 : memref<1x1x250x80xi32, #tpu.memory_space<hbm>> -> memref<250x80xi32, #tpu.memory_space<hbm>>
    tpu.enqueue_dma source(%dma_start3A_23 : memref<250x80xi32, #tpu.memory_space<hbm>>) target(%arg7 : memref<250x80xi32, #tpu.memory_space<vmem>>) target_semaphore(%dma_start3A_19 : memref<!tpu.dma_semaphore, #tpu.memory_space<semaphore_mem>>)
    %scan3A = arith.constant 0 : i32
    %scan3A_24 = arith.constant 80 : i32
    %scan3A_25 = arith.addi %scan3A, %scan3A_24 : i32
    %scan3A_26 = arith.constant 1 : i32
    scf.for %scan3A_214 = %scan3A to %scan3A_25 step %scan3A_26  : i32 {
      %mul3A = arith.constant 1 : i32
      %mul3A_215 = arith.muli %scan3A_214, %mul3A : i32
      %add3A = arith.constant 0 : i32
      %add3A_216 = arith.addi %add3A, %mul3A_215 : i32
      %scan3A_217 = arith.constant 0 : i32
      %scan3A_218 = arith.constant 4 : i32
      %scan3A_219 = arith.addi %scan3A_217, %scan3A_218 : i32
      %scan3A_220 = arith.constant 1 : i32
      scf.for %scan3A_222 = %scan3A_217 to %scan3A_219 step %scan3A_220  : i32 {
        %mul3A_223 = arith.constant 16 : i32
        %mul3A_224 = arith.muli %scan3A_222, %mul3A_223 : i32
        %add3A_225 = arith.constant 0 : i32
        %add3A_226 = arith.addi %add3A_225, %mul3A_224 : i32
        %swap3A = arith.index_cast %add3A_216 : i32 to index
        %swap3A_227 = arith.index_cast %add3A_226 : i32 to index
        %swap3A_228 = tpu.vector_load %arg9[%swap3A, %swap3A_227] {strides = array<i32>} : memref<80x64xf32, #tpu.memory_space<vmem>>, vector<1x16xf32>,
        %swap3A_229 = vector.shape_cast %swap3A_228 : vector<1x16xf32> to vector<16xf32>
        %swap3A_230 = vector.shape_cast %broadcast_in_dim3A_0 : vector<16xf32> to vector<1x16xf32>
        tpu.vector_store %arg9[%swap3A, %swap3A_227], %swap3A_230 {strides = array<i32>} : memref<80x64xf32, #tpu.memory_space<vmem>>, vector<1x16xf32>,
      }
      %scan3A_221 = arith.constant 4 : i32
    }
    %scan3A_27 = arith.constant 80 : i32
    %scan3A_28 = arith.constant 0 : i32
    %scan3A_29 = arith.constant 8 : i32
    %scan3A_30 = arith.addi %scan3A_28, %scan3A_29 : i32
    %scan3A_31 = arith.constant 1 : i32
    scf.for %scan3A_214 = %scan3A_28 to %scan3A_30 step %scan3A_31  : i32 {
      %mul3A = arith.constant 1 : i32
      %mul3A_215 = arith.muli %scan3A_214, %mul3A : i32
      %add3A = arith.constant 0 : i32
      %add3A_216 = arith.addi %add3A, %mul3A_215 : i32
      %mul3A_217 = arith.constant 16 : i32
      %mul3A_218 = arith.muli %add3A_216, %mul3A_217 : i32
      %add3A_219 = arith.addi %arg1, %mul3A_218 : i32
      %lt3A = arith.constant 125 : i32
      %lt3A_220 = arith.cmpi slt, %add3A_219, %lt3A : i32
      %convert_element_type3A = arith.extui %lt3A_220 : i1 to i32
      %cond3A = arith.constant 0 : i32
      %cond3A_221 = arith.cmpi ne, %convert_element_type3A, %cond3A : i32
      scf.if %cond3A_221 {
        %mul3A_222 = arith.constant 80 : i32
        %mul3A_223 = arith.muli %add3A_219, %mul3A_222 : i32
        "tpu.region"() ({
          %run_scoped3A = tpu.sem_alloc : memref<!tpu.dma_semaphore, #tpu.memory_space<semaphore_mem>>
          %dma_start3A_224 = arith.constant 0 : i32
          %dma_start3A_225 = tpu.memref_slice %arg13[%mul3A_223, %dma_start3A_224] : memref<10008x64xf32, #tpu.memory_space<vmem_shared>> -> memref<80x64xf32, #tpu.memory_space<vmem_shared>>
          %dma_start3A_226 = arith.constant 0 : i32
          %dma_start3A_227 = tpu.memref_slice %arg13[%mul3A_223, %dma_start3A_226] : memref<10008x64xf32, #tpu.memory_space<vmem_shared>> -> memref<80x64xf32, #tpu.memory_space<vmem_shared>>
          tpu.enqueue_dma source(%arg9 : memref<80x64xf32, #tpu.memory_space<vmem>>) target(%dma_start3A_227 : memref<80x64xf32, #tpu.memory_space<vmem_shared>>) target_semaphore(%run_scoped3A : memref<!tpu.dma_semaphore, #tpu.memory_space<semaphore_mem>>)
          %dma_wait3A_228 = arith.constant 0 : i32
          %dma_wait3A_229 = tpu.memref_slice %arg13[%mul3A_223, %dma_wait3A_228] : memref<10008x64xf32, #tpu.memory_space<vmem_shared>> -> memref<80x64xf32, #tpu.memory_space<vmem_shared>>
          %dma_wait3A_230 = arith.constant 0 : i32
          %dma_wait3A_231 = tpu.memref_slice %arg13[%mul3A_223, %dma_wait3A_230] : memref<10008x64xf32, #tpu.memory_space<vmem_shared>> -> memref<80x64xf32, #tpu.memory_space<vmem_shared>>
          tpu.wait_dma2 semaphore(%run_scoped3A : memref<!tpu.dma_semaphore, #tpu.memory_space<semaphore_mem>>) src(%arg9 : memref<80x64xf32, #tpu.memory_space<vmem>>) dst(%dma_wait3A_231 : memref<80x64xf32, #tpu.memory_space<vmem_shared>>)
          tpu.yield
        }) : () -> ()
      } else {
      }
    }
    %scan3A_32 = arith.constant 8 : i32
    %broadcast_in_dim3A_33 = arith.constant 1.000000e+00 : f32
    %broadcast_in_dim3A_34 = vector.broadcast %broadcast_in_dim3A_33 : f32 to vector<16xf32>
    %scan3A_35 = arith.constant 0 : i32
    %scan3A_36 = arith.constant 80 : i32
    %scan3A_37 = arith.addi %scan3A_35, %scan3A_36 : i32
    %scan3A_38 = arith.constant 1 : i32
    scf.for %scan3A_214 = %scan3A_35 to %scan3A_37 step %scan3A_38  : i32 {
      %mul3A = arith.constant 1 : i32
      %mul3A_215 = arith.muli %scan3A_214, %mul3A : i32
      %add3A = arith.constant 0 : i32
      %add3A_216 = arith.addi %add3A, %mul3A_215 : i32
      %swap3A = arith.index_cast %add3A_216 : i32 to index
      %swap3A_217 = arith.constant 0 : index
      %swap3A_218 = tpu.vector_load %arg15[%swap3A, %swap3A_217] {strides = array<i32>} : memref<80x16xf32, #tpu.memory_space<vmem>>, vector<1x16xf32>,
      %swap3A_219 = vector.shape_cast %swap3A_218 : vector<1x16xf32> to vector<16xf32>
      %swap3A_220 = vector.shape_cast %broadcast_in_dim3A_0 : vector<16xf32> to vector<1x16xf32>
      tpu.vector_store %arg15[%swap3A, %swap3A_217], %swap3A_220 {strides = array<i32>} : memref<80x16xf32, #tpu.memory_space<vmem>>, vector<1x16xf32>,
    }
    %scan3A_39 = arith.constant 80 : i32
    %scan3A_40 = arith.constant 0 : i32
    %scan3A_41 = arith.constant 80 : i32
    %scan3A_42 = arith.addi %scan3A_40, %scan3A_41 : i32
    %scan3A_43 = arith.constant 1 : i32
    scf.for %scan3A_214 = %scan3A_40 to %scan3A_42 step %scan3A_43  : i32 {
      %mul3A = arith.constant 1 : i32
      %mul3A_215 = arith.muli %scan3A_214, %mul3A : i32
      %add3A = arith.constant 0 : i32
      %add3A_216 = arith.addi %add3A, %mul3A_215 : i32
      %swap3A = arith.index_cast %add3A_216 : i32 to index
      %swap3A_217 = arith.constant 0 : index
      %swap3A_218 = tpu.vector_load %arg14[%swap3A, %swap3A_217] {strides = array<i32>} : memref<80x16xf32, #tpu.memory_space<vmem>>, vector<1x16xf32>,
      %swap3A_219 = vector.shape_cast %swap3A_218 : vector<1x16xf32> to vector<16xf32>
      %swap3A_220 = vector.shape_cast %broadcast_in_dim3A_34 : vector<16xf32> to vector<1x16xf32>
      tpu.vector_store %arg14[%swap3A, %swap3A_217], %swap3A_220 {strides = array<i32>} : memref<80x16xf32, #tpu.memory_space<vmem>>, vector<1x16xf32>,
    }
    %scan3A_44 = arith.constant 80 : i32
    %scan3A_45 = arith.constant 0 : i32
    %scan3A_46 = arith.constant 8 : i32
    %scan3A_47 = arith.addi %scan3A_45, %scan3A_46 : i32
    %scan3A_48 = arith.constant 1 : i32
    scf.for %scan3A_214 = %scan3A_45 to %scan3A_47 step %scan3A_48  : i32 {
      %mul3A = arith.constant 1 : i32
      %mul3A_215 = arith.muli %scan3A_214, %mul3A : i32
      %add3A = arith.constant 0 : i32
      %add3A_216 = arith.addi %add3A, %mul3A_215 : i32
      %mul3A_217 = arith.constant 16 : i32
      %mul3A_218 = arith.muli %add3A_216, %mul3A_217 : i32
      %add3A_219 = arith.addi %arg1, %mul3A_218 : i32
      %lt3A = arith.constant 125 : i32
      %lt3A_220 = arith.cmpi slt, %add3A_219, %lt3A : i32
      %convert_element_type3A = arith.extui %lt3A_220 : i1 to i32
      %cond3A = arith.constant 0 : i32
      %cond3A_221 = arith.cmpi ne, %convert_element_type3A, %cond3A : i32
      scf.if %cond3A_221 {
        %mul3A_222 = arith.constant 80 : i32
        %mul3A_223 = arith.muli %add3A_219, %mul3A_222 : i32
        "tpu.region"() ({
          %run_scoped3A = tpu.sem_alloc : memref<!tpu.dma_semaphore, #tpu.memory_space<semaphore_mem>>
          %dma_start3A_224 = arith.constant 0 : i32
          %dma_start3A_225 = tpu.memref_slice %arg16[%mul3A_223, %dma_start3A_224] : memref<10008x16xf32, #tpu.memory_space<vmem_shared>> -> memref<80x16xf32, #tpu.memory_space<vmem_shared>>
          %dma_start3A_226 = arith.constant 0 : i32
          %dma_start3A_227 = tpu.memref_slice %arg16[%mul3A_223, %dma_start3A_226] : memref<10008x16xf32, #tpu.memory_space<vmem_shared>> -> memref<80x16xf32, #tpu.memory_space<vmem_shared>>
          tpu.enqueue_dma source(%arg15 : memref<80x16xf32, #tpu.memory_space<vmem>>) target(%dma_start3A_227 : memref<80x16xf32, #tpu.memory_space<vmem_shared>>) target_semaphore(%run_scoped3A : memref<!tpu.dma_semaphore, #tpu.memory_space<semaphore_mem>>)
          %dma_wait3A_228 = arith.constant 0 : i32
          %dma_wait3A_229 = tpu.memref_slice %arg16[%mul3A_223, %dma_wait3A_228] : memref<10008x16xf32, #tpu.memory_space<vmem_shared>> -> memref<80x16xf32, #tpu.memory_space<vmem_shared>>
          %dma_wait3A_230 = arith.constant 0 : i32
          %dma_wait3A_231 = tpu.memref_slice %arg16[%mul3A_223, %dma_wait3A_230] : memref<10008x16xf32, #tpu.memory_space<vmem_shared>> -> memref<80x16xf32, #tpu.memory_space<vmem_shared>>
          tpu.wait_dma2 semaphore(%run_scoped3A : memref<!tpu.dma_semaphore, #tpu.memory_space<semaphore_mem>>) src(%arg15 : memref<80x16xf32, #tpu.memory_space<vmem>>) dst(%dma_wait3A_231 : memref<80x16xf32, #tpu.memory_space<vmem_shared>>)
          tpu.yield
        }) : () -> ()
      } else {
      }
    }
    %scan3A_49 = arith.constant 8 : i32
    %dma_wait3A = arith.constant 0 : i32
    %dma_wait3A_50 = arith.constant 0 : i32
    %dma_wait3A_51 = arith.constant 0 : i32
    %dma_wait3A_52 = arith.constant 0 : i32
    %dma_wait3A_53 = tpu.memref_slice %arg3[%dma_wait3A, %arg1, %dma_wait3A_51, %dma_wait3A_52] : memref<2x16x250x80xi32, #tpu.memory_space<hbm>> -> memref<1x1x250x80xi32, #tpu.memory_space<hbm>>
    %dma_wait3A_54 = tpu.memref_squeeze %dma_wait3A_53 : memref<1x1x250x80xi32, #tpu.memory_space<hbm>> -> memref<250x80xi32, #tpu.memory_space<hbm>>
    %dma_wait3A_55 = tpu.memref_slice %arg12[%dma_wait3A_50] : memref<2x!tpu.dma_semaphore, #tpu.memory_space<semaphore_mem>> -> memref<1x!tpu.dma_semaphore, #tpu.memory_space<semaphore_mem>>
    %dma_wait3A_56 = tpu.memref_squeeze %dma_wait3A_55 : memref<1x!tpu.dma_semaphore, #tpu.memory_space<semaphore_mem>> -> memref<!tpu.dma_semaphore, #tpu.memory_space<semaphore_mem>>
    %dma_wait3A_57 = arith.constant 0 : i32
    %dma_wait3A_58 = arith.constant 0 : i32
    %dma_wait3A_59 = tpu.memref_slice %arg3[%dma_wait3A, %arg1, %dma_wait3A_57, %dma_wait3A_58] : memref<2x16x250x80xi32, #tpu.memory_space<hbm>> -> memref<1x1x250x80xi32, #tpu.memory_space<hbm>>
    %dma_wait3A_60 = tpu.memref_squeeze %dma_wait3A_59 : memref<1x1x250x80xi32, #tpu.memory_space<hbm>> -> memref<250x80xi32, #tpu.memory_space<hbm>>
    tpu.wait_dma2 semaphore(%dma_wait3A_56 : memref<!tpu.dma_semaphore, #tpu.memory_space<semaphore_mem>>) src(%dma_wait3A_60 : memref<250x80xi32, #tpu.memory_space<hbm>>) dst(%arg6 : memref<250x80xi32, #tpu.memory_space<vmem>>)
    %dma_wait3A_61 = arith.constant 1 : i32
    %dma_wait3A_62 = arith.constant 1 : i32
    %dma_wait3A_63 = arith.constant 0 : i32
    %dma_wait3A_64 = arith.constant 0 : i32
    %dma_wait3A_65 = tpu.memref_slice %arg3[%dma_wait3A_61, %arg1, %dma_wait3A_63, %dma_wait3A_64] : memref<2x16x250x80xi32, #tpu.memory_space<hbm>> -> memref<1x1x250x80xi32, #tpu.memory_space<hbm>>
    %dma_wait3A_66 = tpu.memref_squeeze %dma_wait3A_65 : memref<1x1x250x80xi32, #tpu.memory_space<hbm>> -> memref<250x80xi32, #tpu.memory_space<hbm>>
    %dma_wait3A_67 = tpu.memref_slice %arg12[%dma_wait3A_62] : memref<2x!tpu.dma_semaphore, #tpu.memory_space<semaphore_mem>> -> memref<1x!tpu.dma_semaphore, #tpu.memory_space<semaphore_mem>>
    %dma_wait3A_68 = tpu.memref_squeeze %dma_wait3A_67 : memref<1x!tpu.dma_semaphore, #tpu.memory_space<semaphore_mem>> -> memref<!tpu.dma_semaphore, #tpu.memory_space<semaphore_mem>>
    %dma_wait3A_69 = arith.constant 0 : i32
    %dma_wait3A_70 = arith.constant 0 : i32
    %dma_wait3A_71 = tpu.memref_slice %arg3[%dma_wait3A_61, %arg1, %dma_wait3A_69, %dma_wait3A_70] : memref<2x16x250x80xi32, #tpu.memory_space<hbm>> -> memref<1x1x250x80xi32, #tpu.memory_space<hbm>>
    %dma_wait3A_72 = tpu.memref_squeeze %dma_wait3A_71 : memref<1x1x250x80xi32, #tpu.memory_space<hbm>> -> memref<250x80xi32, #tpu.memory_space<hbm>>
    tpu.wait_dma2 semaphore(%dma_wait3A_68 : memref<!tpu.dma_semaphore, #tpu.memory_space<semaphore_mem>>) src(%dma_wait3A_72 : memref<250x80xi32, #tpu.memory_space<hbm>>) dst(%arg7 : memref<250x80xi32, #tpu.memory_space<vmem>>)
    %scan3A_73 = arith.constant 0 : i32
    %scan3A_74 = arith.constant 250 : i32
    %scan3A_75 = arith.addi %scan3A_73, %scan3A_74 : i32
    %scan3A_76 = arith.constant 1 : i32
    scf.for %scan3A_214 = %scan3A_73 to %scan3A_75 step %scan3A_76  : i32 {
      %mul3A = arith.constant 1 : i32
      %mul3A_215 = arith.muli %scan3A_214, %mul3A : i32
      %add3A = arith.constant 0 : i32
      %add3A_216 = arith.addi %add3A, %mul3A_215 : i32
      %get3A = arith.index_cast %add3A_216 : i32 to index
      %get3A_217 = arith.constant 0 : index
      %get3A_218 = tpu.vector_load %arg6[%get3A, %get3A_217] {strides = array<i32>} : memref<250x80xi32, #tpu.memory_space<vmem>>, vector<1x16xi32>,
      %get3A_219 = vector.shape_cast %get3A_218 : vector<1x16xi32> to vector<16xi32>
      %mul3A_220 = arith.constant 2 : i32
      %mul3A_221 = vector.broadcast %mul3A_220 : i32 to vector<16xi32>
      %mul3A_222 = arith.muli %get3A_219, %mul3A_221 : vector<16xi32>
      %add3A_223 = vector.broadcast %arg0 : i32 to vector<16xi32>
      %add3A_224 = arith.addi %mul3A_222, %add3A_223 : vector<16xi32>
      %swap3A = arith.index_cast %add3A_216 : i32 to index
      %swap3A_225 = arith.constant 0 : index
      %swap3A_226 = tpu.vector_load %arg6[%swap3A, %swap3A_225] {strides = array<i32>} : memref<250x80xi32, #tpu.memory_space<vmem>>, vector<1x16xi32>,
      %swap3A_227 = vector.shape_cast %swap3A_226 : vector<1x16xi32> to vector<16xi32>
      %swap3A_228 = vector.shape_cast %add3A_224 : vector<16xi32> to vector<1x16xi32>
      tpu.vector_store %arg6[%swap3A, %swap3A_225], %swap3A_228 {strides = array<i32>} : memref<250x80xi32, #tpu.memory_space<vmem>>, vector<1x16xi32>,
      %get3A_229 = arith.index_cast %add3A_216 : i32 to index
      %get3A_230 = arith.constant 16 : index
      %get3A_231 = tpu.vector_load %arg6[%get3A_229, %get3A_230] {strides = array<i32>} : memref<250x80xi32, #tpu.memory_space<vmem>>, vector<1x16xi32>,
      %get3A_232 = vector.shape_cast %get3A_231 : vector<1x16xi32> to vector<16xi32>
      %mul3A_233 = arith.constant 2 : i32
      %mul3A_234 = vector.broadcast %mul3A_233 : i32 to vector<16xi32>
      %mul3A_235 = arith.muli %get3A_232, %mul3A_234 : vector<16xi32>
      %add3A_236 = vector.broadcast %arg0 : i32 to vector<16xi32>
      %add3A_237 = arith.addi %mul3A_235, %add3A_236 : vector<16xi32>
      %swap3A_238 = arith.index_cast %add3A_216 : i32 to index
      %swap3A_239 = arith.constant 16 : index
      %swap3A_240 = tpu.vector_load %arg6[%swap3A_238, %swap3A_239] {strides = array<i32>} : memref<250x80xi32, #tpu.memory_space<vmem>>, vector<1x16xi32>,
      %swap3A_241 = vector.shape_cast %swap3A_240 : vector<1x16xi32> to vector<16xi32>
      %swap3A_242 = vector.shape_cast %add3A_237 : vector<16xi32> to vector<1x16xi32>
      tpu.vector_store %arg6[%swap3A_238, %swap3A_239], %swap3A_242 {strides = array<i32>} : memref<250x80xi32, #tpu.memory_space<vmem>>, vector<1x16xi32>,
      %get3A_243 = arith.index_cast %add3A_216 : i32 to index
      %get3A_244 = arith.constant 32 : index
      %get3A_245 = tpu.vector_load %arg6[%get3A_243, %get3A_244] {strides = array<i32>} : memref<250x80xi32, #tpu.memory_space<vmem>>, vector<1x16xi32>,
      %get3A_246 = vector.shape_cast %get3A_245 : vector<1x16xi32> to vector<16xi32>
      %mul3A_247 = arith.constant 2 : i32
      %mul3A_248 = vector.broadcast %mul3A_247 : i32 to vector<16xi32>
      %mul3A_249 = arith.muli %get3A_246, %mul3A_248 : vector<16xi32>
      %add3A_250 = vector.broadcast %arg0 : i32 to vector<16xi32>
      %add3A_251 = arith.addi %mul3A_249, %add3A_250 : vector<16xi32>
      %swap3A_252 = arith.index_cast %add3A_216 : i32 to index
      %swap3A_253 = arith.constant 32 : index
      %swap3A_254 = tpu.vector_load %arg6[%swap3A_252, %swap3A_253] {strides = array<i32>} : memref<250x80xi32, #tpu.memory_space<vmem>>, vector<1x16xi32>,
      %swap3A_255 = vector.shape_cast %swap3A_254 : vector<1x16xi32> to vector<16xi32>
      %swap3A_256 = vector.shape_cast %add3A_251 : vector<16xi32> to vector<1x16xi32>
      tpu.vector_store %arg6[%swap3A_252, %swap3A_253], %swap3A_256 {strides = array<i32>} : memref<250x80xi32, #tpu.memory_space<vmem>>, vector<1x16xi32>,
      %get3A_257 = arith.index_cast %add3A_216 : i32 to index
      %get3A_258 = arith.constant 48 : index
      %get3A_259 = tpu.vector_load %arg6[%get3A_257, %get3A_258] {strides = array<i32>} : memref<250x80xi32, #tpu.memory_space<vmem>>, vector<1x16xi32>,
      %get3A_260 = vector.shape_cast %get3A_259 : vector<1x16xi32> to vector<16xi32>
      %mul3A_261 = arith.constant 2 : i32
      %mul3A_262 = vector.broadcast %mul3A_261 : i32 to vector<16xi32>
      %mul3A_263 = arith.muli %get3A_260, %mul3A_262 : vector<16xi32>
      %add3A_264 = vector.broadcast %arg0 : i32 to vector<16xi32>
      %add3A_265 = arith.addi %mul3A_263, %add3A_264 : vector<16xi32>
      %swap3A_266 = arith.index_cast %add3A_216 : i32 to index
      %swap3A_267 = arith.constant 48 : index
      %swap3A_268 = tpu.vector_load %arg6[%swap3A_266, %swap3A_267] {strides = array<i32>} : memref<250x80xi32, #tpu.memory_space<vmem>>, vector<1x16xi32>,
      %swap3A_269 = vector.shape_cast %swap3A_268 : vector<1x16xi32> to vector<16xi32>
      %swap3A_270 = vector.shape_cast %add3A_265 : vector<16xi32> to vector<1x16xi32>
      tpu.vector_store %arg6[%swap3A_266, %swap3A_267], %swap3A_270 {strides = array<i32>} : memref<250x80xi32, #tpu.memory_space<vmem>>, vector<1x16xi32>,
      %get3A_271 = arith.index_cast %add3A_216 : i32 to index
      %get3A_272 = arith.constant 64 : index
      %get3A_273 = tpu.vector_load %arg6[%get3A_271, %get3A_272] {strides = array<i32>} : memref<250x80xi32, #tpu.memory_space<vmem>>, vector<1x16xi32>,
      %get3A_274 = vector.shape_cast %get3A_273 : vector<1x16xi32> to vector<16xi32>
      %mul3A_275 = arith.constant 2 : i32
      %mul3A_276 = vector.broadcast %mul3A_275 : i32 to vector<16xi32>
      %mul3A_277 = arith.muli %get3A_274, %mul3A_276 : vector<16xi32>
      %add3A_278 = vector.broadcast %arg0 : i32 to vector<16xi32>
      %add3A_279 = arith.addi %mul3A_277, %add3A_278 : vector<16xi32>
      %swap3A_280 = arith.index_cast %add3A_216 : i32 to index
      %swap3A_281 = arith.constant 64 : index
      %swap3A_282 = tpu.vector_load %arg6[%swap3A_280, %swap3A_281] {strides = array<i32>} : memref<250x80xi32, #tpu.memory_space<vmem>>, vector<1x16xi32>,
      %swap3A_283 = vector.shape_cast %swap3A_282 : vector<1x16xi32> to vector<16xi32>
      %swap3A_284 = vector.shape_cast %add3A_279 : vector<16xi32> to vector<1x16xi32>
      tpu.vector_store %arg6[%swap3A_280, %swap3A_281], %swap3A_284 {strides = array<i32>} : memref<250x80xi32, #tpu.memory_space<vmem>>, vector<1x16xi32>,
    }
    %scan3A_77 = arith.constant 250 : i32
    %barrier3A = arith.constant 0 : index
    tpu.barrier barrier_id(%barrier3A)
    %dma_start3A_78 = arith.constant 0 : i32
    %dma_start3A_79 = arith.constant 0 : i32
    %dma_start3A_80 = arith.constant 0 : i32
    %dma_start3A_81 = arith.constant 0 : i32
    %dma_start3A_82 = arith.constant 0 : i32
    %dma_start3A_83 = tpu.memref_slice %arg8[%dma_start3A_79, %dma_start3A_81, %dma_start3A_82] : memref<5x80x64xf32, #tpu.memory_space<vmem>> -> memref<1x80x64xf32, #tpu.memory_space<vmem>>
    %dma_start3A_84 = tpu.memref_squeeze %dma_start3A_83 : memref<1x80x64xf32, #tpu.memory_space<vmem>> -> memref<80x64xf32, #tpu.memory_space<vmem>>
    %dma_start3A_85 = arith.constant 0 : i32
    %dma_start3A_86 = tpu.memref_slice %arg6[%dma_start3A_78, %dma_start3A_85] : memref<250x80xi32, #tpu.memory_space<vmem>> -> memref<1x80xi32, #tpu.memory_space<vmem>>
    %dma_start3A_87 = tpu.memref_squeeze %dma_start3A_86 : memref<1x80xi32, #tpu.memory_space<vmem>> -> memref<80xi32, #tpu.memory_space<vmem>>
    %dma_start3A_88 = arith.constant 0 : i32
    %dma_start3A_89 = arith.constant 0 : i32
    %dma_start3A_90 = tpu.memref_slice %arg2[%dma_start3A_88, %dma_start3A_89] : memref<20000x64xf32, #tpu.memory_space<hbm>> -> memref<20000x64xf32, #tpu.memory_space<hbm>>
    %dma_start3A_91 = tpu.memref_slice %arg10[%dma_start3A_80] : memref<5x!tpu.dma_semaphore, #tpu.memory_space<semaphore_mem>> -> memref<1x!tpu.dma_semaphore, #tpu.memory_space<semaphore_mem>>
    %dma_start3A_92 = tpu.memref_squeeze %dma_start3A_91 : memref<1x!tpu.dma_semaphore, #tpu.memory_space<semaphore_mem>> -> memref<!tpu.dma_semaphore, #tpu.memory_space<semaphore_mem>>
    tpu.enqueue_indirect_dma source(%dma_start3A_90 : memref<20000x64xf32, #tpu.memory_space<hbm>>) target(%dma_start3A_84 : memref<80x64xf32, #tpu.memory_space<vmem>>) offsets(%dma_start3A_87 : memref<80xi32, #tpu.memory_space<vmem>>) semaphore(%dma_start3A_92 : memref<!tpu.dma_semaphore, #tpu.memory_space<semaphore_mem>>)
    %dma_start3A_93 = arith.constant 1 : i32
    %dma_start3A_94 = arith.constant 1 : i32
    %dma_start3A_95 = arith.constant 1 : i32
    %dma_start3A_96 = arith.constant 0 : i32
    %dma_start3A_97 = arith.constant 0 : i32
    %dma_start3A_98 = tpu.memref_slice %arg8[%dma_start3A_94, %dma_start3A_96, %dma_start3A_97] : memref<5x80x64xf32, #tpu.memory_space<vmem>> -> memref<1x80x64xf32, #tpu.memory_space<vmem>>
    %dma_start3A_99 = tpu.memref_squeeze %dma_start3A_98 : memref<1x80x64xf32, #tpu.memory_space<vmem>> -> memref<80x64xf32, #tpu.memory_space<vmem>>
    %dma_start3A_100 = arith.constant 0 : i32
    %dma_start3A_101 = tpu.memref_slice %arg6[%dma_start3A_93, %dma_start3A_100] : memref<250x80xi32, #tpu.memory_space<vmem>> -> memref<1x80xi32, #tpu.memory_space<vmem>>
    %dma_start3A_102 = tpu.memref_squeeze %dma_start3A_101 : memref<1x80xi32, #tpu.memory_space<vmem>> -> memref<80xi32, #tpu.memory_space<vmem>>
    %dma_start3A_103 = arith.constant 0 : i32
    %dma_start3A_104 = arith.constant 0 : i32
    %dma_start3A_105 = tpu.memref_slice %arg2[%dma_start3A_103, %dma_start3A_104] : memref<20000x64xf32, #tpu.memory_space<hbm>> -> memref<20000x64xf32, #tpu.memory_space<hbm>>
    %dma_start3A_106 = tpu.memref_slice %arg10[%dma_start3A_95] : memref<5x!tpu.dma_semaphore, #tpu.memory_space<semaphore_mem>> -> memref<1x!tpu.dma_semaphore, #tpu.memory_space<semaphore_mem>>
    %dma_start3A_107 = tpu.memref_squeeze %dma_start3A_106 : memref<1x!tpu.dma_semaphore, #tpu.memory_space<semaphore_mem>> -> memref<!tpu.dma_semaphore, #tpu.memory_space<semaphore_mem>>
    tpu.enqueue_indirect_dma source(%dma_start3A_105 : memref<20000x64xf32, #tpu.memory_space<hbm>>) target(%dma_start3A_99 : memref<80x64xf32, #tpu.memory_space<vmem>>) offsets(%dma_start3A_102 : memref<80xi32, #tpu.memory_space<vmem>>) semaphore(%dma_start3A_107 : memref<!tpu.dma_semaphore, #tpu.memory_space<semaphore_mem>>)
    %dma_start3A_108 = arith.constant 2 : i32
    %dma_start3A_109 = arith.constant 2 : i32
    %dma_start3A_110 = arith.constant 2 : i32
    %dma_start3A_111 = arith.constant 0 : i32
    %dma_start3A_112 = arith.constant 0 : i32
    %dma_start3A_113 = tpu.memref_slice %arg8[%dma_start3A_109, %dma_start3A_111, %dma_start3A_112] : memref<5x80x64xf32, #tpu.memory_space<vmem>> -> memref<1x80x64xf32, #tpu.memory_space<vmem>>
    %dma_start3A_114 = tpu.memref_squeeze %dma_start3A_113 : memref<1x80x64xf32, #tpu.memory_space<vmem>> -> memref<80x64xf32, #tpu.memory_space<vmem>>
    %dma_start3A_115 = arith.constant 0 : i32
    %dma_start3A_116 = tpu.memref_slice %arg6[%dma_start3A_108, %dma_start3A_115] : memref<250x80xi32, #tpu.memory_space<vmem>> -> memref<1x80xi32, #tpu.memory_space<vmem>>
    %dma_start3A_117 = tpu.memref_squeeze %dma_start3A_116 : memref<1x80xi32, #tpu.memory_space<vmem>> -> memref<80xi32, #tpu.memory_space<vmem>>
    %dma_start3A_118 = arith.constant 0 : i32
    %dma_start3A_119 = arith.constant 0 : i32
    %dma_start3A_120 = tpu.memref_slice %arg2[%dma_start3A_118, %dma_start3A_119] : memref<20000x64xf32, #tpu.memory_space<hbm>> -> memref<20000x64xf32, #tpu.memory_space<hbm>>
    %dma_start3A_121 = tpu.memref_slice %arg10[%dma_start3A_110] : memref<5x!tpu.dma_semaphore, #tpu.memory_space<semaphore_mem>> -> memref<1x!tpu.dma_semaphore, #tpu.memory_space<semaphore_mem>>
    %dma_start3A_122 = tpu.memref_squeeze %dma_start3A_121 : memref<1x!tpu.dma_semaphore, #tpu.memory_space<semaphore_mem>> -> memref<!tpu.dma_semaphore, #tpu.memory_space<semaphore_mem>>
    tpu.enqueue_indirect_dma source(%dma_start3A_120 : memref<20000x64xf32, #tpu.memory_space<hbm>>) target(%dma_start3A_114 : memref<80x64xf32, #tpu.memory_space<vmem>>) offsets(%dma_start3A_117 : memref<80xi32, #tpu.memory_space<vmem>>) semaphore(%dma_start3A_122 : memref<!tpu.dma_semaphore, #tpu.memory_space<semaphore_mem>>)
    %scan3A_123 = arith.constant 0 : i32
    %scan3A_124 = arith.constant 50 : i32
    %scan3A_125 = arith.addi %scan3A_123, %scan3A_124 : i32
    %scan3A_126 = arith.constant 1 : i32
    scf.for %scan3A_214 = %scan3A_123 to %scan3A_125 step %scan3A_126  : i32 {
      %mul3A = arith.constant 5 : i32
      %mul3A_215 = arith.muli %scan3A_214, %mul3A : i32
      %add3A = arith.constant 0 : i32
      %add3A_216 = arith.addi %add3A, %mul3A_215 : i32
      %add3A_217 = arith.constant 0 : i32
      %add3A_218 = arith.addi %add3A_216, %add3A_217 : i32
      %add3A_219 = arith.constant 3 : i32
      %add3A_220 = arith.addi %add3A_218, %add3A_219 : i32
      %lt3A = arith.constant 250 : i32
      %lt3A_221 = arith.cmpi slt, %add3A_220, %lt3A : i32
      %convert_element_type3A = arith.extui %lt3A_221 : i1 to i32
      %cond3A = arith.constant 0 : i32
      %cond3A_222 = arith.cmpi ne, %convert_element_type3A, %cond3A : i32
      scf.if %cond3A_222 {
        %add3A_427 = arith.constant 3 : i32
        %add3A_428 = arith.addi %add3A_218, %add3A_427 : i32
        %sub3A = arith.constant 5 : i32
        %sub3A_429 = arith.subi %add3A_428, %sub3A : i32
        %ge3A = arith.constant 0 : i32
        %ge3A_430 = arith.cmpi sge, %sub3A_429, %ge3A : i32
        %convert_element_type3A_431 = arith.extui %ge3A_430 : i1 to i32
        %cond3A_432 = arith.constant 0 : i32
        %cond3A_433 = arith.cmpi ne, %convert_element_type3A_431, %cond3A_432 : i32
        scf.if %cond3A_433 {
          %add3A_450 = arith.constant 3 : i32
          %add3A_451 = arith.addi %add3A_218, %add3A_450 : i32
          %sub3A_452 = arith.constant 5 : i32
          %sub3A_453 = arith.subi %add3A_451, %sub3A_452 : i32
          %dma_wait3A_454 = arith.constant 3 : i32
          %dma_wait3A_455 = arith.constant 3 : i32
          %dma_wait3A_456 = arith.constant 0 : i32
          %dma_wait3A_457 = arith.constant 0 : i32
          %dma_wait3A_458 = tpu.memref_slice %arg8[%dma_wait3A_454, %dma_wait3A_456, %dma_wait3A_457] : memref<5x80x64xf32, #tpu.memory_space<vmem>> -> memref<1x80x64xf32, #tpu.memory_space<vmem>>
          %dma_wait3A_459 = tpu.memref_squeeze %dma_wait3A_458 : memref<1x80x64xf32, #tpu.memory_space<vmem>> -> memref<80x64xf32, #tpu.memory_space<vmem>>
          %dma_wait3A_460 = arith.constant 0 : i32
          %dma_wait3A_461 = tpu.memref_slice %arg7[%sub3A_453, %dma_wait3A_460] : memref<250x80xi32, #tpu.memory_space<vmem>> -> memref<1x80xi32, #tpu.memory_space<vmem>>
          %dma_wait3A_462 = tpu.memref_squeeze %dma_wait3A_461 : memref<1x80xi32, #tpu.memory_space<vmem>> -> memref<80xi32, #tpu.memory_space<vmem>>
          %dma_wait3A_463 = arith.constant 0 : i32
          %dma_wait3A_464 = arith.constant 0 : i32
          %dma_wait3A_465 = tpu.memref_slice %arg13[%dma_wait3A_463, %dma_wait3A_464] : memref<10008x64xf32, #tpu.memory_space<vmem_shared>> -> memref<10008x64xf32, #tpu.memory_space<vmem_shared>>
          %dma_wait3A_466 = tpu.memref_slice %arg11[%dma_wait3A_455] : memref<5x!tpu.dma_semaphore, #tpu.memory_space<semaphore_mem>> -> memref<1x!tpu.dma_semaphore, #tpu.memory_space<semaphore_mem>>
          %dma_wait3A_467 = tpu.memref_squeeze %dma_wait3A_466 : memref<1x!tpu.dma_semaphore, #tpu.memory_space<semaphore_mem>> -> memref<!tpu.dma_semaphore, #tpu.memory_space<semaphore_mem>>
          tpu.wait_indirect_dma semaphore(%dma_wait3A_467 : memref<!tpu.dma_semaphore, #tpu.memory_space<semaphore_mem>>) src(%dma_wait3A_459 : memref<80x64xf32, #tpu.memory_space<vmem>>) dst(%dma_wait3A_465 : memref<10008x64xf32, #tpu.memory_space<vmem_shared>>)
        } else {
        }
        %add3A_434 = arith.constant 3 : i32
        %add3A_435 = arith.addi %add3A_218, %add3A_434 : i32
        %dma_start3A_436 = arith.constant 3 : i32
        %dma_start3A_437 = arith.constant 3 : i32
        %dma_start3A_438 = arith.constant 0 : i32
        %dma_start3A_439 = arith.constant 0 : i32
        %dma_start3A_440 = tpu.memref_slice %arg8[%dma_start3A_436, %dma_start3A_438, %dma_start3A_439] : memref<5x80x64xf32, #tpu.memory_space<vmem>> -> memref<1x80x64xf32, #tpu.memory_space<vmem>>
        %dma_start3A_441 = tpu.memref_squeeze %dma_start3A_440 : memref<1x80x64xf32, #tpu.memory_space<vmem>> -> memref<80x64xf32, #tpu.memory_space<vmem>>
        %dma_start3A_442 = arith.constant 0 : i32
        %dma_start3A_443 = tpu.memref_slice %arg6[%add3A_435, %dma_start3A_442] : memref<250x80xi32, #tpu.memory_space<vmem>> -> memref<1x80xi32, #tpu.memory_space<vmem>>
        %dma_start3A_444 = tpu.memref_squeeze %dma_start3A_443 : memref<1x80xi32, #tpu.memory_space<vmem>> -> memref<80xi32, #tpu.memory_space<vmem>>
        %dma_start3A_445 = arith.constant 0 : i32
        %dma_start3A_446 = arith.constant 0 : i32
        %dma_start3A_447 = tpu.memref_slice %arg2[%dma_start3A_445, %dma_start3A_446] : memref<20000x64xf32, #tpu.memory_space<hbm>> -> memref<20000x64xf32, #tpu.memory_space<hbm>>
        %dma_start3A_448 = tpu.memref_slice %arg10[%dma_start3A_437] : memref<5x!tpu.dma_semaphore, #tpu.memory_space<semaphore_mem>> -> memref<1x!tpu.dma_semaphore, #tpu.memory_space<semaphore_mem>>
        %dma_start3A_449 = tpu.memref_squeeze %dma_start3A_448 : memref<1x!tpu.dma_semaphore, #tpu.memory_space<semaphore_mem>> -> memref<!tpu.dma_semaphore, #tpu.memory_space<semaphore_mem>>
        tpu.enqueue_indirect_dma source(%dma_start3A_447 : memref<20000x64xf32, #tpu.memory_space<hbm>>) target(%dma_start3A_441 : memref<80x64xf32, #tpu.memory_space<vmem>>) offsets(%dma_start3A_444 : memref<80xi32, #tpu.memory_space<vmem>>) semaphore(%dma_start3A_449 : memref<!tpu.dma_semaphore, #tpu.memory_space<semaphore_mem>>)
      } else {
      }
      %dma_wait3A_223 = arith.constant 0 : i32
      %dma_wait3A_224 = arith.constant 0 : i32
      %dma_wait3A_225 = arith.constant 0 : i32
      %dma_wait3A_226 = arith.constant 0 : i32
      %dma_wait3A_227 = tpu.memref_slice %arg8[%dma_wait3A_223, %dma_wait3A_225, %dma_wait3A_226] : memref<5x80x64xf32, #tpu.memory_space<vmem>> -> memref<1x80x64xf32, #tpu.memory_space<vmem>>
      %dma_wait3A_228 = tpu.memref_squeeze %dma_wait3A_227 : memref<1x80x64xf32, #tpu.memory_space<vmem>> -> memref<80x64xf32, #tpu.memory_space<vmem>>
      %dma_wait3A_229 = arith.constant 0 : i32
      %dma_wait3A_230 = tpu.memref_slice %arg6[%add3A_218, %dma_wait3A_229] : memref<250x80xi32, #tpu.memory_space<vmem>> -> memref<1x80xi32, #tpu.memory_space<vmem>>
      %dma_wait3A_231 = tpu.memref_squeeze %dma_wait3A_230 : memref<1x80xi32, #tpu.memory_space<vmem>> -> memref<80xi32, #tpu.memory_space<vmem>>
      %dma_wait3A_232 = arith.constant 0 : i32
      %dma_wait3A_233 = arith.constant 0 : i32
      %dma_wait3A_234 = tpu.memref_slice %arg2[%dma_wait3A_232, %dma_wait3A_233] : memref<20000x64xf32, #tpu.memory_space<hbm>> -> memref<20000x64xf32, #tpu.memory_space<hbm>>
      %dma_wait3A_235 = tpu.memref_slice %arg10[%dma_wait3A_224] : memref<5x!tpu.dma_semaphore, #tpu.memory_space<semaphore_mem>> -> memref<1x!tpu.dma_semaphore, #tpu.memory_space<semaphore_mem>>
      %dma_wait3A_236 = tpu.memref_squeeze %dma_wait3A_235 : memref<1x!tpu.dma_semaphore, #tpu.memory_space<semaphore_mem>> -> memref<!tpu.dma_semaphore, #tpu.memory_space<semaphore_mem>>
      tpu.wait_indirect_dma semaphore(%dma_wait3A_236 : memref<!tpu.dma_semaphore, #tpu.memory_space<semaphore_mem>>) src(%dma_wait3A_234 : memref<20000x64xf32, #tpu.memory_space<hbm>>) dst(%dma_wait3A_228 : memref<80x64xf32, #tpu.memory_space<vmem>>)
      %dma_start3A_237 = arith.constant 0 : i32
      %dma_start3A_238 = arith.constant 0 : i32
      %dma_start3A_239 = arith.constant 0 : i32
      %dma_start3A_240 = arith.constant 0 : i32
      %dma_start3A_241 = tpu.memref_slice %arg8[%dma_start3A_237, %dma_start3A_239, %dma_start3A_240] : memref<5x80x64xf32, #tpu.memory_space<vmem>> -> memref<1x80x64xf32, #tpu.memory_space<vmem>>
      %dma_start3A_242 = tpu.memref_squeeze %dma_start3A_241 : memref<1x80x64xf32, #tpu.memory_space<vmem>> -> memref<80x64xf32, #tpu.memory_space<vmem>>
      %dma_start3A_243 = arith.constant 0 : i32
      %dma_start3A_244 = tpu.memref_slice %arg7[%add3A_218, %dma_start3A_243] : memref<250x80xi32, #tpu.memory_space<vmem>> -> memref<1x80xi32, #tpu.memory_space<vmem>>
      %dma_start3A_245 = tpu.memref_squeeze %dma_start3A_244 : memref<1x80xi32, #tpu.memory_space<vmem>> -> memref<80xi32, #tpu.memory_space<vmem>>
      %dma_start3A_246 = arith.constant 0 : i32
      %dma_start3A_247 = arith.constant 0 : i32
      %dma_start3A_248 = tpu.memref_slice %arg13[%dma_start3A_246, %dma_start3A_247] : memref<10008x64xf32, #tpu.memory_space<vmem_shared>> -> memref<10008x64xf32, #tpu.memory_space<vmem_shared>>
      %dma_start3A_249 = tpu.memref_slice %arg11[%dma_start3A_238] : memref<5x!tpu.dma_semaphore, #tpu.memory_space<semaphore_mem>> -> memref<1x!tpu.dma_semaphore, #tpu.memory_space<semaphore_mem>>
      %dma_start3A_250 = tpu.memref_squeeze %dma_start3A_249 : memref<1x!tpu.dma_semaphore, #tpu.memory_space<semaphore_mem>> -> memref<!tpu.dma_semaphore, #tpu.memory_space<semaphore_mem>>
      tpu.enqueue_indirect_dma source(%dma_start3A_242 : memref<80x64xf32, #tpu.memory_space<vmem>>) target(%dma_start3A_248 : memref<10008x64xf32, #tpu.memory_space<vmem_shared>>) offsets(%dma_start3A_245 : memref<80xi32, #tpu.memory_space<vmem>>) semaphore(%dma_start3A_250 : memref<!tpu.dma_semaphore, #tpu.memory_space<semaphore_mem>>) {add = true}
      %rem3A = arith.constant 2 : i32
      %rem3A_251 = arith.remsi %add3A_218, %rem3A : i32
      %eq3A = arith.cmpi eq, %rem3A_251, %arg0 : i32
      %convert_element_type3A_252 = arith.extui %eq3A : i1 to i32
      %cond3A_253 = arith.constant 0 : i32
      %cond3A_254 = arith.cmpi ne, %convert_element_type3A_252, %cond3A_253 : i32
      scf.if %cond3A_254 {
        "tpu.region"() ({
          %run_scoped3A = tpu.sem_alloc : memref<!tpu.dma_semaphore, #tpu.memory_space<semaphore_mem>>
          %dma_start3A_427 = arith.constant 0 : i32
          %dma_start3A_428 = tpu.memref_slice %arg7[%add3A_218, %dma_start3A_427] : memref<250x80xi32, #tpu.memory_space<vmem>> -> memref<1x80xi32, #tpu.memory_space<vmem>>
          %dma_start3A_429 = tpu.memref_squeeze %dma_start3A_428 : memref<1x80xi32, #tpu.memory_space<vmem>> -> memref<80xi32, #tpu.memory_space<vmem>>
          %dma_start3A_430 = arith.constant 0 : i32
          %dma_start3A_431 = arith.constant 0 : i32
          %dma_start3A_432 = tpu.memref_slice %arg16[%dma_start3A_430, %dma_start3A_431] : memref<10008x16xf32, #tpu.memory_space<vmem_shared>> -> memref<10008x16xf32, #tpu.memory_space<vmem_shared>>
          tpu.enqueue_indirect_dma source(%arg14 : memref<80x16xf32, #tpu.memory_space<vmem>>) target(%dma_start3A_432 : memref<10008x16xf32, #tpu.memory_space<vmem_shared>>) offsets(%dma_start3A_429 : memref<80xi32, #tpu.memory_space<vmem>>) semaphore(%run_scoped3A : memref<!tpu.dma_semaphore, #tpu.memory_space<semaphore_mem>>) {add = true}
          %dma_wait3A_433 = arith.constant 0 : i32
          %dma_wait3A_434 = tpu.memref_slice %arg7[%add3A_218, %dma_wait3A_433] : memref<250x80xi32, #tpu.memory_space<vmem>> -> memref<1x80xi32, #tpu.memory_space<vmem>>
          %dma_wait3A_435 = tpu.memref_squeeze %dma_wait3A_434 : memref<1x80xi32, #tpu.memory_space<vmem>> -> memref<80xi32, #tpu.memory_space<vmem>>
          %dma_wait3A_436 = arith.constant 0 : i32
          %dma_wait3A_437 = arith.constant 0 : i32
          %dma_wait3A_438 = tpu.memref_slice %arg16[%dma_wait3A_436, %dma_wait3A_437] : memref<10008x16xf32, #tpu.memory_space<vmem_shared>> -> memref<10008x16xf32, #tpu.memory_space<vmem_shared>>
          tpu.wait_indirect_dma semaphore(%run_scoped3A : memref<!tpu.dma_semaphore, #tpu.memory_space<semaphore_mem>>) src(%arg14 : memref<80x16xf32, #tpu.memory_space<vmem>>) dst(%dma_wait3A_438 : memref<10008x16xf32, #tpu.memory_space<vmem_shared>>)
          tpu.yield
        }) : () -> ()
      } else {
      }
      %add3A_255 = arith.constant 1 : i32
      %add3A_256 = arith.addi %add3A_216, %add3A_255 : i32
      %add3A_257 = arith.constant 3 : i32
      %add3A_258 = arith.addi %add3A_256, %add3A_257 : i32
      %lt3A_259 = arith.constant 250 : i32
      %lt3A_260 = arith.cmpi slt, %add3A_258, %lt3A_259 : i32
      %convert_element_type3A_261 = arith.extui %lt3A_260 : i1 to i32
      %cond3A_262 = arith.constant 0 : i32
      %cond3A_263 = arith.cmpi ne, %convert_element_type3A_261, %cond3A_262 : i32
      scf.if %cond3A_263 {
        %add3A_427 = arith.constant 3 : i32
        %add3A_428 = arith.addi %add3A_256, %add3A_427 : i32
        %sub3A = arith.constant 5 : i32
        %sub3A_429 = arith.subi %add3A_428, %sub3A : i32
        %ge3A = arith.constant 0 : i32
        %ge3A_430 = arith.cmpi sge, %sub3A_429, %ge3A : i32
        %convert_element_type3A_431 = arith.extui %ge3A_430 : i1 to i32
        %cond3A_432 = arith.constant 0 : i32
        %cond3A_433 = arith.cmpi ne, %convert_element_type3A_431, %cond3A_432 : i32
        scf.if %cond3A_433 {
          %add3A_450 = arith.constant 3 : i32
          %add3A_451 = arith.addi %add3A_256, %add3A_450 : i32
          %sub3A_452 = arith.constant 5 : i32
          %sub3A_453 = arith.subi %add3A_451, %sub3A_452 : i32
          %dma_wait3A_454 = arith.constant 4 : i32
          %dma_wait3A_455 = arith.constant 4 : i32
          %dma_wait3A_456 = arith.constant 0 : i32
          %dma_wait3A_457 = arith.constant 0 : i32
          %dma_wait3A_458 = tpu.memref_slice %arg8[%dma_wait3A_454, %dma_wait3A_456, %dma_wait3A_457] : memref<5x80x64xf32, #tpu.memory_space<vmem>> -> memref<1x80x64xf32, #tpu.memory_space<vmem>>
          %dma_wait3A_459 = tpu.memref_squeeze %dma_wait3A_458 : memref<1x80x64xf32, #tpu.memory_space<vmem>> -> memref<80x64xf32, #tpu.memory_space<vmem>>
          %dma_wait3A_460 = arith.constant 0 : i32
          %dma_wait3A_461 = tpu.memref_slice %arg7[%sub3A_453, %dma_wait3A_460] : memref<250x80xi32, #tpu.memory_space<vmem>> -> memref<1x80xi32, #tpu.memory_space<vmem>>
          %dma_wait3A_462 = tpu.memref_squeeze %dma_wait3A_461 : memref<1x80xi32, #tpu.memory_space<vmem>> -> memref<80xi32, #tpu.memory_space<vmem>>
          %dma_wait3A_463 = arith.constant 0 : i32
          %dma_wait3A_464 = arith.constant 0 : i32
          %dma_wait3A_465 = tpu.memref_slice %arg13[%dma_wait3A_463, %dma_wait3A_464] : memref<10008x64xf32, #tpu.memory_space<vmem_shared>> -> memref<10008x64xf32, #tpu.memory_space<vmem_shared>>
          %dma_wait3A_466 = tpu.memref_slice %arg11[%dma_wait3A_455] : memref<5x!tpu.dma_semaphore, #tpu.memory_space<semaphore_mem>> -> memref<1x!tpu.dma_semaphore, #tpu.memory_space<semaphore_mem>>
          %dma_wait3A_467 = tpu.memref_squeeze %dma_wait3A_466 : memref<1x!tpu.dma_semaphore, #tpu.memory_space<semaphore_mem>> -> memref<!tpu.dma_semaphore, #tpu.memory_space<semaphore_mem>>
          tpu.wait_indirect_dma semaphore(%dma_wait3A_467 : memref<!tpu.dma_semaphore, #tpu.memory_space<semaphore_mem>>) src(%dma_wait3A_459 : memref<80x64xf32, #tpu.memory_space<vmem>>) dst(%dma_wait3A_465 : memref<10008x64xf32, #tpu.memory_space<vmem_shared>>)
        } else {
        }
        %add3A_434 = arith.constant 3 : i32
        %add3A_435 = arith.addi %add3A_256, %add3A_434 : i32
        %dma_start3A_436 = arith.constant 4 : i32
        %dma_start3A_437 = arith.constant 4 : i32
        %dma_start3A_438 = arith.constant 0 : i32
        %dma_start3A_439 = arith.constant 0 : i32
        %dma_start3A_440 = tpu.memref_slice %arg8[%dma_start3A_436, %dma_start3A_438, %dma_start3A_439] : memref<5x80x64xf32, #tpu.memory_space<vmem>> -> memref<1x80x64xf32, #tpu.memory_space<vmem>>
        %dma_start3A_441 = tpu.memref_squeeze %dma_start3A_440 : memref<1x80x64xf32, #tpu.memory_space<vmem>> -> memref<80x64xf32, #tpu.memory_space<vmem>>
        %dma_start3A_442 = arith.constant 0 : i32
        %dma_start3A_443 = tpu.memref_slice %arg6[%add3A_435, %dma_start3A_442] : memref<250x80xi32, #tpu.memory_space<vmem>> -> memref<1x80xi32, #tpu.memory_space<vmem>>
        %dma_start3A_444 = tpu.memref_squeeze %dma_start3A_443 : memref<1x80xi32, #tpu.memory_space<vmem>> -> memref<80xi32, #tpu.memory_space<vmem>>
        %dma_start3A_445 = arith.constant 0 : i32
        %dma_start3A_446 = arith.constant 0 : i32
        %dma_start3A_447 = tpu.memref_slice %arg2[%dma_start3A_445, %dma_start3A_446] : memref<20000x64xf32, #tpu.memory_space<hbm>> -> memref<20000x64xf32, #tpu.memory_space<hbm>>
        %dma_start3A_448 = tpu.memref_slice %arg10[%dma_start3A_437] : memref<5x!tpu.dma_semaphore, #tpu.memory_space<semaphore_mem>> -> memref<1x!tpu.dma_semaphore, #tpu.memory_space<semaphore_mem>>
        %dma_start3A_449 = tpu.memref_squeeze %dma_start3A_448 : memref<1x!tpu.dma_semaphore, #tpu.memory_space<semaphore_mem>> -> memref<!tpu.dma_semaphore, #tpu.memory_space<semaphore_mem>>
        tpu.enqueue_indirect_dma source(%dma_start3A_447 : memref<20000x64xf32, #tpu.memory_space<hbm>>) target(%dma_start3A_441 : memref<80x64xf32, #tpu.memory_space<vmem>>) offsets(%dma_start3A_444 : memref<80xi32, #tpu.memory_space<vmem>>) semaphore(%dma_start3A_449 : memref<!tpu.dma_semaphore, #tpu.memory_space<semaphore_mem>>)
      } else {
      }
      %dma_wait3A_264 = arith.constant 1 : i32
      %dma_wait3A_265 = arith.constant 1 : i32
      %dma_wait3A_266 = arith.constant 0 : i32
      %dma_wait3A_267 = arith.constant 0 : i32
      %dma_wait3A_268 = tpu.memref_slice %arg8[%dma_wait3A_264, %dma_wait3A_266, %dma_wait3A_267] : memref<5x80x64xf32, #tpu.memory_space<vmem>> -> memref<1x80x64xf32, #tpu.memory_space<vmem>>
      %dma_wait3A_269 = tpu.memref_squeeze %dma_wait3A_268 : memref<1x80x64xf32, #tpu.memory_space<vmem>> -> memref<80x64xf32, #tpu.memory_space<vmem>>
      %dma_wait3A_270 = arith.constant 0 : i32
      %dma_wait3A_271 = tpu.memref_slice %arg6[%add3A_256, %dma_wait3A_270] : memref<250x80xi32, #tpu.memory_space<vmem>> -> memref<1x80xi32, #tpu.memory_space<vmem>>
      %dma_wait3A_272 = tpu.memref_squeeze %dma_wait3A_271 : memref<1x80xi32, #tpu.memory_space<vmem>> -> memref<80xi32, #tpu.memory_space<vmem>>
      %dma_wait3A_273 = arith.constant 0 : i32
      %dma_wait3A_274 = arith.constant 0 : i32
      %dma_wait3A_275 = tpu.memref_slice %arg2[%dma_wait3A_273, %dma_wait3A_274] : memref<20000x64xf32, #tpu.memory_space<hbm>> -> memref<20000x64xf32, #tpu.memory_space<hbm>>
      %dma_wait3A_276 = tpu.memref_slice %arg10[%dma_wait3A_265] : memref<5x!tpu.dma_semaphore, #tpu.memory_space<semaphore_mem>> -> memref<1x!tpu.dma_semaphore, #tpu.memory_space<semaphore_mem>>
      %dma_wait3A_277 = tpu.memref_squeeze %dma_wait3A_276 : memref<1x!tpu.dma_semaphore, #tpu.memory_space<semaphore_mem>> -> memref<!tpu.dma_semaphore, #tpu.memory_space<semaphore_mem>>
      tpu.wait_indirect_dma semaphore(%dma_wait3A_277 : memref<!tpu.dma_semaphore, #tpu.memory_space<semaphore_mem>>) src(%dma_wait3A_275 : memref<20000x64xf32, #tpu.memory_space<hbm>>) dst(%dma_wait3A_269 : memref<80x64xf32, #tpu.memory_space<vmem>>)
      %dma_start3A_278 = arith.constant 1 : i32
      %dma_start3A_279 = arith.constant 1 : i32
      %dma_start3A_280 = arith.constant 0 : i32
      %dma_start3A_281 = arith.constant 0 : i32
      %dma_start3A_282 = tpu.memref_slice %arg8[%dma_start3A_278, %dma_start3A_280, %dma_start3A_281] : memref<5x80x64xf32, #tpu.memory_space<vmem>> -> memref<1x80x64xf32, #tpu.memory_space<vmem>>
      %dma_start3A_283 = tpu.memref_squeeze %dma_start3A_282 : memref<1x80x64xf32, #tpu.memory_space<vmem>> -> memref<80x64xf32, #tpu.memory_space<vmem>>
      %dma_start3A_284 = arith.constant 0 : i32
      %dma_start3A_285 = tpu.memref_slice %arg7[%add3A_256, %dma_start3A_284] : memref<250x80xi32, #tpu.memory_space<vmem>> -> memref<1x80xi32, #tpu.memory_space<vmem>>
      %dma_start3A_286 = tpu.memref_squeeze %dma_start3A_285 : memref<1x80xi32, #tpu.memory_space<vmem>> -> memref<80xi32, #tpu.memory_space<vmem>>
      %dma_start3A_287 = arith.constant 0 : i32
      %dma_start3A_288 = arith.constant 0 : i32
      %dma_start3A_289 = tpu.memref_slice %arg13[%dma_start3A_287, %dma_start3A_288] : memref<10008x64xf32, #tpu.memory_space<vmem_shared>> -> memref<10008x64xf32, #tpu.memory_space<vmem_shared>>
      %dma_start3A_290 = tpu.memref_slice %arg11[%dma_start3A_279] : memref<5x!tpu.dma_semaphore, #tpu.memory_space<semaphore_mem>> -> memref<1x!tpu.dma_semaphore, #tpu.memory_space<semaphore_mem>>
      %dma_start3A_291 = tpu.memref_squeeze %dma_start3A_290 : memref<1x!tpu.dma_semaphore, #tpu.memory_space<semaphore_mem>> -> memref<!tpu.dma_semaphore, #tpu.memory_space<semaphore_mem>>
      tpu.enqueue_indirect_dma source(%dma_start3A_283 : memref<80x64xf32, #tpu.memory_space<vmem>>) target(%dma_start3A_289 : memref<10008x64xf32, #tpu.memory_space<vmem_shared>>) offsets(%dma_start3A_286 : memref<80xi32, #tpu.memory_space<vmem>>) semaphore(%dma_start3A_291 : memref<!tpu.dma_semaphore, #tpu.memory_space<semaphore_mem>>) {add = true}
      %rem3A_292 = arith.constant 2 : i32
      %rem3A_293 = arith.remsi %add3A_256, %rem3A_292 : i32
      %eq3A_294 = arith.cmpi eq, %rem3A_293, %arg0 : i32
      %convert_element_type3A_295 = arith.extui %eq3A_294 : i1 to i32
      %cond3A_296 = arith.constant 0 : i32
      %cond3A_297 = arith.cmpi ne, %convert_element_type3A_295, %cond3A_296 : i32
      scf.if %cond3A_297 {
        "tpu.region"() ({
          %run_scoped3A = tpu.sem_alloc : memref<!tpu.dma_semaphore, #tpu.memory_space<semaphore_mem>>
          %dma_start3A_427 = arith.constant 0 : i32
          %dma_start3A_428 = tpu.memref_slice %arg7[%add3A_256, %dma_start3A_427] : memref<250x80xi32, #tpu.memory_space<vmem>> -> memref<1x80xi32, #tpu.memory_space<vmem>>
          %dma_start3A_429 = tpu.memref_squeeze %dma_start3A_428 : memref<1x80xi32, #tpu.memory_space<vmem>> -> memref<80xi32, #tpu.memory_space<vmem>>
          %dma_start3A_430 = arith.constant 0 : i32
          %dma_start3A_431 = arith.constant 0 : i32
          %dma_start3A_432 = tpu.memref_slice %arg16[%dma_start3A_430, %dma_start3A_431] : memref<10008x16xf32, #tpu.memory_space<vmem_shared>> -> memref<10008x16xf32, #tpu.memory_space<vmem_shared>>
          tpu.enqueue_indirect_dma source(%arg14 : memref<80x16xf32, #tpu.memory_space<vmem>>) target(%dma_start3A_432 : memref<10008x16xf32, #tpu.memory_space<vmem_shared>>) offsets(%dma_start3A_429 : memref<80xi32, #tpu.memory_space<vmem>>) semaphore(%run_scoped3A : memref<!tpu.dma_semaphore, #tpu.memory_space<semaphore_mem>>) {add = true}
          %dma_wait3A_433 = arith.constant 0 : i32
          %dma_wait3A_434 = tpu.memref_slice %arg7[%add3A_256, %dma_wait3A_433] : memref<250x80xi32, #tpu.memory_space<vmem>> -> memref<1x80xi32, #tpu.memory_space<vmem>>
          %dma_wait3A_435 = tpu.memref_squeeze %dma_wait3A_434 : memref<1x80xi32, #tpu.memory_space<vmem>> -> memref<80xi32, #tpu.memory_space<vmem>>
          %dma_wait3A_436 = arith.constant 0 : i32
          %dma_wait3A_437 = arith.constant 0 : i32
          %dma_wait3A_438 = tpu.memref_slice %arg16[%dma_wait3A_436, %dma_wait3A_437] : memref<10008x16xf32, #tpu.memory_space<vmem_shared>> -> memref<10008x16xf32, #tpu.memory_space<vmem_shared>>
          tpu.wait_indirect_dma semaphore(%run_scoped3A : memref<!tpu.dma_semaphore, #tpu.memory_space<semaphore_mem>>) src(%arg14 : memref<80x16xf32, #tpu.memory_space<vmem>>) dst(%dma_wait3A_438 : memref<10008x16xf32, #tpu.memory_space<vmem_shared>>)
          tpu.yield
        }) : () -> ()
      } else {
      }
      %add3A_298 = arith.constant 2 : i32
      %add3A_299 = arith.addi %add3A_216, %add3A_298 : i32
      %add3A_300 = arith.constant 3 : i32
      %add3A_301 = arith.addi %add3A_299, %add3A_300 : i32
      %lt3A_302 = arith.constant 250 : i32
      %lt3A_303 = arith.cmpi slt, %add3A_301, %lt3A_302 : i32
      %convert_element_type3A_304 = arith.extui %lt3A_303 : i1 to i32
      %cond3A_305 = arith.constant 0 : i32
      %cond3A_306 = arith.cmpi ne, %convert_element_type3A_304, %cond3A_305 : i32
      scf.if %cond3A_306 {
        %add3A_427 = arith.constant 3 : i32
        %add3A_428 = arith.addi %add3A_299, %add3A_427 : i32
        %sub3A = arith.constant 5 : i32
        %sub3A_429 = arith.subi %add3A_428, %sub3A : i32
        %ge3A = arith.constant 0 : i32
        %ge3A_430 = arith.cmpi sge, %sub3A_429, %ge3A : i32
        %convert_element_type3A_431 = arith.extui %ge3A_430 : i1 to i32
        %cond3A_432 = arith.constant 0 : i32
        %cond3A_433 = arith.cmpi ne, %convert_element_type3A_431, %cond3A_432 : i32
        scf.if %cond3A_433 {
          %add3A_450 = arith.constant 3 : i32
          %add3A_451 = arith.addi %add3A_299, %add3A_450 : i32
          %sub3A_452 = arith.constant 5 : i32
          %sub3A_453 = arith.subi %add3A_451, %sub3A_452 : i32
          %dma_wait3A_454 = arith.constant 0 : i32
          %dma_wait3A_455 = arith.constant 0 : i32
          %dma_wait3A_456 = arith.constant 0 : i32
          %dma_wait3A_457 = arith.constant 0 : i32
          %dma_wait3A_458 = tpu.memref_slice %arg8[%dma_wait3A_454, %dma_wait3A_456, %dma_wait3A_457] : memref<5x80x64xf32, #tpu.memory_space<vmem>> -> memref<1x80x64xf32, #tpu.memory_space<vmem>>
          %dma_wait3A_459 = tpu.memref_squeeze %dma_wait3A_458 : memref<1x80x64xf32, #tpu.memory_space<vmem>> -> memref<80x64xf32, #tpu.memory_space<vmem>>
          %dma_wait3A_460 = arith.constant 0 : i32
          %dma_wait3A_461 = tpu.memref_slice %arg7[%sub3A_453, %dma_wait3A_460] : memref<250x80xi32, #tpu.memory_space<vmem>> -> memref<1x80xi32, #tpu.memory_space<vmem>>
          %dma_wait3A_462 = tpu.memref_squeeze %dma_wait3A_461 : memref<1x80xi32, #tpu.memory_space<vmem>> -> memref<80xi32, #tpu.memory_space<vmem>>
          %dma_wait3A_463 = arith.constant 0 : i32
          %dma_wait3A_464 = arith.constant 0 : i32
          %dma_wait3A_465 = tpu.memref_slice %arg13[%dma_wait3A_463, %dma_wait3A_464] : memref<10008x64xf32, #tpu.memory_space<vmem_shared>> -> memref<10008x64xf32, #tpu.memory_space<vmem_shared>>
          %dma_wait3A_466 = tpu.memref_slice %arg11[%dma_wait3A_455] : memref<5x!tpu.dma_semaphore, #tpu.memory_space<semaphore_mem>> -> memref<1x!tpu.dma_semaphore, #tpu.memory_space<semaphore_mem>>
          %dma_wait3A_467 = tpu.memref_squeeze %dma_wait3A_466 : memref<1x!tpu.dma_semaphore, #tpu.memory_space<semaphore_mem>> -> memref<!tpu.dma_semaphore, #tpu.memory_space<semaphore_mem>>
          tpu.wait_indirect_dma semaphore(%dma_wait3A_467 : memref<!tpu.dma_semaphore, #tpu.memory_space<semaphore_mem>>) src(%dma_wait3A_459 : memref<80x64xf32, #tpu.memory_space<vmem>>) dst(%dma_wait3A_465 : memref<10008x64xf32, #tpu.memory_space<vmem_shared>>)
        } else {
        }
        %add3A_434 = arith.constant 3 : i32
        %add3A_435 = arith.addi %add3A_299, %add3A_434 : i32
        %dma_start3A_436 = arith.constant 0 : i32
        %dma_start3A_437 = arith.constant 0 : i32
        %dma_start3A_438 = arith.constant 0 : i32
        %dma_start3A_439 = arith.constant 0 : i32
        %dma_start3A_440 = tpu.memref_slice %arg8[%dma_start3A_436, %dma_start3A_438, %dma_start3A_439] : memref<5x80x64xf32, #tpu.memory_space<vmem>> -> memref<1x80x64xf32, #tpu.memory_space<vmem>>
        %dma_start3A_441 = tpu.memref_squeeze %dma_start3A_440 : memref<1x80x64xf32, #tpu.memory_space<vmem>> -> memref<80x64xf32, #tpu.memory_space<vmem>>
        %dma_start3A_442 = arith.constant 0 : i32
        %dma_start3A_443 = tpu.memref_slice %arg6[%add3A_435, %dma_start3A_442] : memref<250x80xi32, #tpu.memory_space<vmem>> -> memref<1x80xi32, #tpu.memory_space<vmem>>
        %dma_start3A_444 = tpu.memref_squeeze %dma_start3A_443 : memref<1x80xi32, #tpu.memory_space<vmem>> -> memref<80xi32, #tpu.memory_space<vmem>>
        %dma_start3A_445 = arith.constant 0 : i32
        %dma_start3A_446 = arith.constant 0 : i32
        %dma_start3A_447 = tpu.memref_slice %arg2[%dma_start3A_445, %dma_start3A_446] : memref<20000x64xf32, #tpu.memory_space<hbm>> -> memref<20000x64xf32, #tpu.memory_space<hbm>>
        %dma_start3A_448 = tpu.memref_slice %arg10[%dma_start3A_437] : memref<5x!tpu.dma_semaphore, #tpu.memory_space<semaphore_mem>> -> memref<1x!tpu.dma_semaphore, #tpu.memory_space<semaphore_mem>>
        %dma_start3A_449 = tpu.memref_squeeze %dma_start3A_448 : memref<1x!tpu.dma_semaphore, #tpu.memory_space<semaphore_mem>> -> memref<!tpu.dma_semaphore, #tpu.memory_space<semaphore_mem>>
        tpu.enqueue_indirect_dma source(%dma_start3A_447 : memref<20000x64xf32, #tpu.memory_space<hbm>>) target(%dma_start3A_441 : memref<80x64xf32, #tpu.memory_space<vmem>>) offsets(%dma_start3A_444 : memref<80xi32, #tpu.memory_space<vmem>>) semaphore(%dma_start3A_449 : memref<!tpu.dma_semaphore, #tpu.memory_space<semaphore_mem>>)
      } else {
      }
      %dma_wait3A_307 = arith.constant 2 : i32
      %dma_wait3A_308 = arith.constant 2 : i32
      %dma_wait3A_309 = arith.constant 0 : i32
      %dma_wait3A_310 = arith.constant 0 : i32
      %dma_wait3A_311 = tpu.memref_slice %arg8[%dma_wait3A_307, %dma_wait3A_309, %dma_wait3A_310] : memref<5x80x64xf32, #tpu.memory_space<vmem>> -> memref<1x80x64xf32, #tpu.memory_space<vmem>>
      %dma_wait3A_312 = tpu.memref_squeeze %dma_wait3A_311 : memref<1x80x64xf32, #tpu.memory_space<vmem>> -> memref<80x64xf32, #tpu.memory_space<vmem>>
      %dma_wait3A_313 = arith.constant 0 : i32
      %dma_wait3A_314 = tpu.memref_slice %arg6[%add3A_299, %dma_wait3A_313] : memref<250x80xi32, #tpu.memory_space<vmem>> -> memref<1x80xi32, #tpu.memory_space<vmem>>
      %dma_wait3A_315 = tpu.memref_squeeze %dma_wait3A_314 : memref<1x80xi32, #tpu.memory_space<vmem>> -> memref<80xi32, #tpu.memory_space<vmem>>
      %dma_wait3A_316 = arith.constant 0 : i32
      %dma_wait3A_317 = arith.constant 0 : i32
      %dma_wait3A_318 = tpu.memref_slice %arg2[%dma_wait3A_316, %dma_wait3A_317] : memref<20000x64xf32, #tpu.memory_space<hbm>> -> memref<20000x64xf32, #tpu.memory_space<hbm>>
      %dma_wait3A_319 = tpu.memref_slice %arg10[%dma_wait3A_308] : memref<5x!tpu.dma_semaphore, #tpu.memory_space<semaphore_mem>> -> memref<1x!tpu.dma_semaphore, #tpu.memory_space<semaphore_mem>>
      %dma_wait3A_320 = tpu.memref_squeeze %dma_wait3A_319 : memref<1x!tpu.dma_semaphore, #tpu.memory_space<semaphore_mem>> -> memref<!tpu.dma_semaphore, #tpu.memory_space<semaphore_mem>>
      tpu.wait_indirect_dma semaphore(%dma_wait3A_320 : memref<!tpu.dma_semaphore, #tpu.memory_space<semaphore_mem>>) src(%dma_wait3A_318 : memref<20000x64xf32, #tpu.memory_space<hbm>>) dst(%dma_wait3A_312 : memref<80x64xf32, #tpu.memory_space<vmem>>)
      %dma_start3A_321 = arith.constant 2 : i32
      %dma_start3A_322 = arith.constant 2 : i32
      %dma_start3A_323 = arith.constant 0 : i32
      %dma_start3A_324 = arith.constant 0 : i32
      %dma_start3A_325 = tpu.memref_slice %arg8[%dma_start3A_321, %dma_start3A_323, %dma_start3A_324] : memref<5x80x64xf32, #tpu.memory_space<vmem>> -> memref<1x80x64xf32, #tpu.memory_space<vmem>>
      %dma_start3A_326 = tpu.memref_squeeze %dma_start3A_325 : memref<1x80x64xf32, #tpu.memory_space<vmem>> -> memref<80x64xf32, #tpu.memory_space<vmem>>
      %dma_start3A_327 = arith.constant 0 : i32
      %dma_start3A_328 = tpu.memref_slice %arg7[%add3A_299, %dma_start3A_327] : memref<250x80xi32, #tpu.memory_space<vmem>> -> memref<1x80xi32, #tpu.memory_space<vmem>>
      %dma_start3A_329 = tpu.memref_squeeze %dma_start3A_328 : memref<1x80xi32, #tpu.memory_space<vmem>> -> memref<80xi32, #tpu.memory_space<vmem>>
      %dma_start3A_330 = arith.constant 0 : i32
      %dma_start3A_331 = arith.constant 0 : i32
      %dma_start3A_332 = tpu.memref_slice %arg13[%dma_start3A_330, %dma_start3A_331] : memref<10008x64xf32, #tpu.memory_space<vmem_shared>> -> memref<10008x64xf32, #tpu.memory_space<vmem_shared>>
      %dma_start3A_333 = tpu.memref_slice %arg11[%dma_start3A_322] : memref<5x!tpu.dma_semaphore, #tpu.memory_space<semaphore_mem>> -> memref<1x!tpu.dma_semaphore, #tpu.memory_space<semaphore_mem>>
      %dma_start3A_334 = tpu.memref_squeeze %dma_start3A_333 : memref<1x!tpu.dma_semaphore, #tpu.memory_space<semaphore_mem>> -> memref<!tpu.dma_semaphore, #tpu.memory_space<semaphore_mem>>
      tpu.enqueue_indirect_dma source(%dma_start3A_326 : memref<80x64xf32, #tpu.memory_space<vmem>>) target(%dma_start3A_332 : memref<10008x64xf32, #tpu.memory_space<vmem_shared>>) offsets(%dma_start3A_329 : memref<80xi32, #tpu.memory_space<vmem>>) semaphore(%dma_start3A_334 : memref<!tpu.dma_semaphore, #tpu.memory_space<semaphore_mem>>) {add = true}
      %rem3A_335 = arith.constant 2 : i32
      %rem3A_336 = arith.remsi %add3A_299, %rem3A_335 : i32
      %eq3A_337 = arith.cmpi eq, %rem3A_336, %arg0 : i32
      %convert_element_type3A_338 = arith.extui %eq3A_337 : i1 to i32
      %cond3A_339 = arith.constant 0 : i32
      %cond3A_340 = arith.cmpi ne, %convert_element_type3A_338, %cond3A_339 : i32
      scf.if %cond3A_340 {
        "tpu.region"() ({
          %run_scoped3A = tpu.sem_alloc : memref<!tpu.dma_semaphore, #tpu.memory_space<semaphore_mem>>
          %dma_start3A_427 = arith.constant 0 : i32
          %dma_start3A_428 = tpu.memref_slice %arg7[%add3A_299, %dma_start3A_427] : memref<250x80xi32, #tpu.memory_space<vmem>> -> memref<1x80xi32, #tpu.memory_space<vmem>>
          %dma_start3A_429 = tpu.memref_squeeze %dma_start3A_428 : memref<1x80xi32, #tpu.memory_space<vmem>> -> memref<80xi32, #tpu.memory_space<vmem>>
          %dma_start3A_430 = arith.constant 0 : i32
          %dma_start3A_431 = arith.constant 0 : i32
          %dma_start3A_432 = tpu.memref_slice %arg16[%dma_start3A_430, %dma_start3A_431] : memref<10008x16xf32, #tpu.memory_space<vmem_shared>> -> memref<10008x16xf32, #tpu.memory_space<vmem_shared>>
          tpu.enqueue_indirect_dma source(%arg14 : memref<80x16xf32, #tpu.memory_space<vmem>>) target(%dma_start3A_432 : memref<10008x16xf32, #tpu.memory_space<vmem_shared>>) offsets(%dma_start3A_429 : memref<80xi32, #tpu.memory_space<vmem>>) semaphore(%run_scoped3A : memref<!tpu.dma_semaphore, #tpu.memory_space<semaphore_mem>>) {add = true}
          %dma_wait3A_433 = arith.constant 0 : i32
          %dma_wait3A_434 = tpu.memref_slice %arg7[%add3A_299, %dma_wait3A_433] : memref<250x80xi32, #tpu.memory_space<vmem>> -> memref<1x80xi32, #tpu.memory_space<vmem>>
          %dma_wait3A_435 = tpu.memref_squeeze %dma_wait3A_434 : memref<1x80xi32, #tpu.memory_space<vmem>> -> memref<80xi32, #tpu.memory_space<vmem>>
          %dma_wait3A_436 = arith.constant 0 : i32
          %dma_wait3A_437 = arith.constant 0 : i32
          %dma_wait3A_438 = tpu.memref_slice %arg16[%dma_wait3A_436, %dma_wait3A_437] : memref<10008x16xf32, #tpu.memory_space<vmem_shared>> -> memref<10008x16xf32, #tpu.memory_space<vmem_shared>>
          tpu.wait_indirect_dma semaphore(%run_scoped3A : memref<!tpu.dma_semaphore, #tpu.memory_space<semaphore_mem>>) src(%arg14 : memref<80x16xf32, #tpu.memory_space<vmem>>) dst(%dma_wait3A_438 : memref<10008x16xf32, #tpu.memory_space<vmem_shared>>)
          tpu.yield
        }) : () -> ()
      } else {
      }
      %add3A_341 = arith.constant 3 : i32
      %add3A_342 = arith.addi %add3A_216, %add3A_341 : i32
      %add3A_343 = arith.constant 3 : i32
      %add3A_344 = arith.addi %add3A_342, %add3A_343 : i32
      %lt3A_345 = arith.constant 250 : i32
      %lt3A_346 = arith.cmpi slt, %add3A_344, %lt3A_345 : i32
      %convert_element_type3A_347 = arith.extui %lt3A_346 : i1 to i32
      %cond3A_348 = arith.constant 0 : i32
      %cond3A_349 = arith.cmpi ne, %convert_element_type3A_347, %cond3A_348 : i32
      scf.if %cond3A_349 {
        %add3A_427 = arith.constant 3 : i32
        %add3A_428 = arith.addi %add3A_342, %add3A_427 : i32
        %sub3A = arith.constant 5 : i32
        %sub3A_429 = arith.subi %add3A_428, %sub3A : i32
        %ge3A = arith.constant 0 : i32
        %ge3A_430 = arith.cmpi sge, %sub3A_429, %ge3A : i32
        %convert_element_type3A_431 = arith.extui %ge3A_430 : i1 to i32
        %cond3A_432 = arith.constant 0 : i32
        %cond3A_433 = arith.cmpi ne, %convert_element_type3A_431, %cond3A_432 : i32
        scf.if %cond3A_433 {
          %add3A_450 = arith.constant 3 : i32
          %add3A_451 = arith.addi %add3A_342, %add3A_450 : i32
          %sub3A_452 = arith.constant 5 : i32
          %sub3A_453 = arith.subi %add3A_451, %sub3A_452 : i32
          %dma_wait3A_454 = arith.constant 1 : i32
          %dma_wait3A_455 = arith.constant 1 : i32
          %dma_wait3A_456 = arith.constant 0 : i32
          %dma_wait3A_457 = arith.constant 0 : i32
          %dma_wait3A_458 = tpu.memref_slice %arg8[%dma_wait3A_454, %dma_wait3A_456, %dma_wait3A_457] : memref<5x80x64xf32, #tpu.memory_space<vmem>> -> memref<1x80x64xf32, #tpu.memory_space<vmem>>
          %dma_wait3A_459 = tpu.memref_squeeze %dma_wait3A_458 : memref<1x80x64xf32, #tpu.memory_space<vmem>> -> memref<80x64xf32, #tpu.memory_space<vmem>>
          %dma_wait3A_460 = arith.constant 0 : i32
          %dma_wait3A_461 = tpu.memref_slice %arg7[%sub3A_453, %dma_wait3A_460] : memref<250x80xi32, #tpu.memory_space<vmem>> -> memref<1x80xi32, #tpu.memory_space<vmem>>
          %dma_wait3A_462 = tpu.memref_squeeze %dma_wait3A_461 : memref<1x80xi32, #tpu.memory_space<vmem>> -> memref<80xi32, #tpu.memory_space<vmem>>
          %dma_wait3A_463 = arith.constant 0 : i32
          %dma_wait3A_464 = arith.constant 0 : i32
          %dma_wait3A_465 = tpu.memref_slice %arg13[%dma_wait3A_463, %dma_wait3A_464] : memref<10008x64xf32, #tpu.memory_space<vmem_shared>> -> memref<10008x64xf32, #tpu.memory_space<vmem_shared>>
          %dma_wait3A_466 = tpu.memref_slice %arg11[%dma_wait3A_455] : memref<5x!tpu.dma_semaphore, #tpu.memory_space<semaphore_mem>> -> memref<1x!tpu.dma_semaphore, #tpu.memory_space<semaphore_mem>>
          %dma_wait3A_467 = tpu.memref_squeeze %dma_wait3A_466 : memref<1x!tpu.dma_semaphore, #tpu.memory_space<semaphore_mem>> -> memref<!tpu.dma_semaphore, #tpu.memory_space<semaphore_mem>>
          tpu.wait_indirect_dma semaphore(%dma_wait3A_467 : memref<!tpu.dma_semaphore, #tpu.memory_space<semaphore_mem>>) src(%dma_wait3A_459 : memref<80x64xf32, #tpu.memory_space<vmem>>) dst(%dma_wait3A_465 : memref<10008x64xf32, #tpu.memory_space<vmem_shared>>)
        } else {
        }
        %add3A_434 = arith.constant 3 : i32
        %add3A_435 = arith.addi %add3A_342, %add3A_434 : i32
        %dma_start3A_436 = arith.constant 1 : i32
        %dma_start3A_437 = arith.constant 1 : i32
        %dma_start3A_438 = arith.constant 0 : i32
        %dma_start3A_439 = arith.constant 0 : i32
        %dma_start3A_440 = tpu.memref_slice %arg8[%dma_start3A_436, %dma_start3A_438, %dma_start3A_439] : memref<5x80x64xf32, #tpu.memory_space<vmem>> -> memref<1x80x64xf32, #tpu.memory_space<vmem>>
        %dma_start3A_441 = tpu.memref_squeeze %dma_start3A_440 : memref<1x80x64xf32, #tpu.memory_space<vmem>> -> memref<80x64xf32, #tpu.memory_space<vmem>>
        %dma_start3A_442 = arith.constant 0 : i32
        %dma_start3A_443 = tpu.memref_slice %arg6[%add3A_435, %dma_start3A_442] : memref<250x80xi32, #tpu.memory_space<vmem>> -> memref<1x80xi32, #tpu.memory_space<vmem>>
        %dma_start3A_444 = tpu.memref_squeeze %dma_start3A_443 : memref<1x80xi32, #tpu.memory_space<vmem>> -> memref<80xi32, #tpu.memory_space<vmem>>
        %dma_start3A_445 = arith.constant 0 : i32
        %dma_start3A_446 = arith.constant 0 : i32
        %dma_start3A_447 = tpu.memref_slice %arg2[%dma_start3A_445, %dma_start3A_446] : memref<20000x64xf32, #tpu.memory_space<hbm>> -> memref<20000x64xf32, #tpu.memory_space<hbm>>
        %dma_start3A_448 = tpu.memref_slice %arg10[%dma_start3A_437] : memref<5x!tpu.dma_semaphore, #tpu.memory_space<semaphore_mem>> -> memref<1x!tpu.dma_semaphore, #tpu.memory_space<semaphore_mem>>
        %dma_start3A_449 = tpu.memref_squeeze %dma_start3A_448 : memref<1x!tpu.dma_semaphore, #tpu.memory_space<semaphore_mem>> -> memref<!tpu.dma_semaphore, #tpu.memory_space<semaphore_mem>>
        tpu.enqueue_indirect_dma source(%dma_start3A_447 : memref<20000x64xf32, #tpu.memory_space<hbm>>) target(%dma_start3A_441 : memref<80x64xf32, #tpu.memory_space<vmem>>) offsets(%dma_start3A_444 : memref<80xi32, #tpu.memory_space<vmem>>) semaphore(%dma_start3A_449 : memref<!tpu.dma_semaphore, #tpu.memory_space<semaphore_mem>>)
      } else {
      }
      %dma_wait3A_350 = arith.constant 3 : i32
      %dma_wait3A_351 = arith.constant 3 : i32
      %dma_wait3A_352 = arith.constant 0 : i32
      %dma_wait3A_353 = arith.constant 0 : i32
      %dma_wait3A_354 = tpu.memref_slice %arg8[%dma_wait3A_350, %dma_wait3A_352, %dma_wait3A_353] : memref<5x80x64xf32, #tpu.memory_space<vmem>> -> memref<1x80x64xf32, #tpu.memory_space<vmem>>
      %dma_wait3A_355 = tpu.memref_squeeze %dma_wait3A_354 : memref<1x80x64xf32, #tpu.memory_space<vmem>> -> memref<80x64xf32, #tpu.memory_space<vmem>>
      %dma_wait3A_356 = arith.constant 0 : i32
      %dma_wait3A_357 = tpu.memref_slice %arg6[%add3A_342, %dma_wait3A_356] : memref<250x80xi32, #tpu.memory_space<vmem>> -> memref<1x80xi32, #tpu.memory_space<vmem>>
      %dma_wait3A_358 = tpu.memref_squeeze %dma_wait3A_357 : memref<1x80xi32, #tpu.memory_space<vmem>> -> memref<80xi32, #tpu.memory_space<vmem>>
      %dma_wait3A_359 = arith.constant 0 : i32
      %dma_wait3A_360 = arith.constant 0 : i32
      %dma_wait3A_361 = tpu.memref_slice %arg2[%dma_wait3A_359, %dma_wait3A_360] : memref<20000x64xf32, #tpu.memory_space<hbm>> -> memref<20000x64xf32, #tpu.memory_space<hbm>>
      %dma_wait3A_362 = tpu.memref_slice %arg10[%dma_wait3A_351] : memref<5x!tpu.dma_semaphore, #tpu.memory_space<semaphore_mem>> -> memref<1x!tpu.dma_semaphore, #tpu.memory_space<semaphore_mem>>
      %dma_wait3A_363 = tpu.memref_squeeze %dma_wait3A_362 : memref<1x!tpu.dma_semaphore, #tpu.memory_space<semaphore_mem>> -> memref<!tpu.dma_semaphore, #tpu.memory_space<semaphore_mem>>
      tpu.wait_indirect_dma semaphore(%dma_wait3A_363 : memref<!tpu.dma_semaphore, #tpu.memory_space<semaphore_mem>>) src(%dma_wait3A_361 : memref<20000x64xf32, #tpu.memory_space<hbm>>) dst(%dma_wait3A_355 : memref<80x64xf32, #tpu.memory_space<vmem>>)
      %dma_start3A_364 = arith.constant 3 : i32
      %dma_start3A_365 = arith.constant 3 : i32
      %dma_start3A_366 = arith.constant 0 : i32
      %dma_start3A_367 = arith.constant 0 : i32
      %dma_start3A_368 = tpu.memref_slice %arg8[%dma_start3A_364, %dma_start3A_366, %dma_start3A_367] : memref<5x80x64xf32, #tpu.memory_space<vmem>> -> memref<1x80x64xf32, #tpu.memory_space<vmem>>
      %dma_start3A_369 = tpu.memref_squeeze %dma_start3A_368 : memref<1x80x64xf32, #tpu.memory_space<vmem>> -> memref<80x64xf32, #tpu.memory_space<vmem>>
      %dma_start3A_370 = arith.constant 0 : i32
      %dma_start3A_371 = tpu.memref_slice %arg7[%add3A_342, %dma_start3A_370] : memref<250x80xi32, #tpu.memory_space<vmem>> -> memref<1x80xi32, #tpu.memory_space<vmem>>
      %dma_start3A_372 = tpu.memref_squeeze %dma_start3A_371 : memref<1x80xi32, #tpu.memory_space<vmem>> -> memref<80xi32, #tpu.memory_space<vmem>>
      %dma_start3A_373 = arith.constant 0 : i32
      %dma_start3A_374 = arith.constant 0 : i32
      %dma_start3A_375 = tpu.memref_slice %arg13[%dma_start3A_373, %dma_start3A_374] : memref<10008x64xf32, #tpu.memory_space<vmem_shared>> -> memref<10008x64xf32, #tpu.memory_space<vmem_shared>>
      %dma_start3A_376 = tpu.memref_slice %arg11[%dma_start3A_365] : memref<5x!tpu.dma_semaphore, #tpu.memory_space<semaphore_mem>> -> memref<1x!tpu.dma_semaphore, #tpu.memory_space<semaphore_mem>>
      %dma_start3A_377 = tpu.memref_squeeze %dma_start3A_376 : memref<1x!tpu.dma_semaphore, #tpu.memory_space<semaphore_mem>> -> memref<!tpu.dma_semaphore, #tpu.memory_space<semaphore_mem>>
      tpu.enqueue_indirect_dma source(%dma_start3A_369 : memref<80x64xf32, #tpu.memory_space<vmem>>) target(%dma_start3A_375 : memref<10008x64xf32, #tpu.memory_space<vmem_shared>>) offsets(%dma_start3A_372 : memref<80xi32, #tpu.memory_space<vmem>>) semaphore(%dma_start3A_377 : memref<!tpu.dma_semaphore, #tpu.memory_space<semaphore_mem>>) {add = true}
      %rem3A_378 = arith.constant 2 : i32
      %rem3A_379 = arith.remsi %add3A_342, %rem3A_378 : i32
      %eq3A_380 = arith.cmpi eq, %rem3A_379, %arg0 : i32
      %convert_element_type3A_381 = arith.extui %eq3A_380 : i1 to i32
      %cond3A_382 = arith.constant 0 : i32
      %cond3A_383 = arith.cmpi ne, %convert_element_type3A_381, %cond3A_382 : i32
      scf.if %cond3A_383 {
        "tpu.region"() ({
          %run_scoped3A = tpu.sem_alloc : memref<!tpu.dma_semaphore, #tpu.memory_space<semaphore_mem>>
          %dma_start3A_427 = arith.constant 0 : i32
          %dma_start3A_428 = tpu.memref_slice %arg7[%add3A_342, %dma_start3A_427] : memref<250x80xi32, #tpu.memory_space<vmem>> -> memref<1x80xi32, #tpu.memory_space<vmem>>
          %dma_start3A_429 = tpu.memref_squeeze %dma_start3A_428 : memref<1x80xi32, #tpu.memory_space<vmem>> -> memref<80xi32, #tpu.memory_space<vmem>>
          %dma_start3A_430 = arith.constant 0 : i32
          %dma_start3A_431 = arith.constant 0 : i32
          %dma_start3A_432 = tpu.memref_slice %arg16[%dma_start3A_430, %dma_start3A_431] : memref<10008x16xf32, #tpu.memory_space<vmem_shared>> -> memref<10008x16xf32, #tpu.memory_space<vmem_shared>>
          tpu.enqueue_indirect_dma source(%arg14 : memref<80x16xf32, #tpu.memory_space<vmem>>) target(%dma_start3A_432 : memref<10008x16xf32, #tpu.memory_space<vmem_shared>>) offsets(%dma_start3A_429 : memref<80xi32, #tpu.memory_space<vmem>>) semaphore(%run_scoped3A : memref<!tpu.dma_semaphore, #tpu.memory_space<semaphore_mem>>) {add = true}
          %dma_wait3A_433 = arith.constant 0 : i32
          %dma_wait3A_434 = tpu.memref_slice %arg7[%add3A_342, %dma_wait3A_433] : memref<250x80xi32, #tpu.memory_space<vmem>> -> memref<1x80xi32, #tpu.memory_space<vmem>>
          %dma_wait3A_435 = tpu.memref_squeeze %dma_wait3A_434 : memref<1x80xi32, #tpu.memory_space<vmem>> -> memref<80xi32, #tpu.memory_space<vmem>>
          %dma_wait3A_436 = arith.constant 0 : i32
          %dma_wait3A_437 = arith.constant 0 : i32
          %dma_wait3A_438 = tpu.memref_slice %arg16[%dma_wait3A_436, %dma_wait3A_437] : memref<10008x16xf32, #tpu.memory_space<vmem_shared>> -> memref<10008x16xf32, #tpu.memory_space<vmem_shared>>
          tpu.wait_indirect_dma semaphore(%run_scoped3A : memref<!tpu.dma_semaphore, #tpu.memory_space<semaphore_mem>>) src(%arg14 : memref<80x16xf32, #tpu.memory_space<vmem>>) dst(%dma_wait3A_438 : memref<10008x16xf32, #tpu.memory_space<vmem_shared>>)
          tpu.yield
        }) : () -> ()
      } else {
      }
      %add3A_384 = arith.constant 4 : i32
      %add3A_385 = arith.addi %add3A_216, %add3A_384 : i32
      %add3A_386 = arith.constant 3 : i32
      %add3A_387 = arith.addi %add3A_385, %add3A_386 : i32
      %lt3A_388 = arith.constant 250 : i32
      %lt3A_389 = arith.cmpi slt, %add3A_387, %lt3A_388 : i32
      %convert_element_type3A_390 = arith.extui %lt3A_389 : i1 to i32
      %cond3A_391 = arith.constant 0 : i32
      %cond3A_392 = arith.cmpi ne, %convert_element_type3A_390, %cond3A_391 : i32
      scf.if %cond3A_392 {
        %add3A_427 = arith.constant 3 : i32
        %add3A_428 = arith.addi %add3A_385, %add3A_427 : i32
        %sub3A = arith.constant 5 : i32
        %sub3A_429 = arith.subi %add3A_428, %sub3A : i32
        %ge3A = arith.constant 0 : i32
        %ge3A_430 = arith.cmpi sge, %sub3A_429, %ge3A : i32
        %convert_element_type3A_431 = arith.extui %ge3A_430 : i1 to i32
        %cond3A_432 = arith.constant 0 : i32
        %cond3A_433 = arith.cmpi ne, %convert_element_type3A_431, %cond3A_432 : i32
        scf.if %cond3A_433 {
          %add3A_450 = arith.constant 3 : i32
          %add3A_451 = arith.addi %add3A_385, %add3A_450 : i32
          %sub3A_452 = arith.constant 5 : i32
          %sub3A_453 = arith.subi %add3A_451, %sub3A_452 : i32
          %dma_wait3A_454 = arith.constant 2 : i32
          %dma_wait3A_455 = arith.constant 2 : i32
          %dma_wait3A_456 = arith.constant 0 : i32
          %dma_wait3A_457 = arith.constant 0 : i32
          %dma_wait3A_458 = tpu.memref_slice %arg8[%dma_wait3A_454, %dma_wait3A_456, %dma_wait3A_457] : memref<5x80x64xf32, #tpu.memory_space<vmem>> -> memref<1x80x64xf32, #tpu.memory_space<vmem>>
          %dma_wait3A_459 = tpu.memref_squeeze %dma_wait3A_458 : memref<1x80x64xf32, #tpu.memory_space<vmem>> -> memref<80x64xf32, #tpu.memory_space<vmem>>
          %dma_wait3A_460 = arith.constant 0 : i32
          %dma_wait3A_461 = tpu.memref_slice %arg7[%sub3A_453, %dma_wait3A_460] : memref<250x80xi32, #tpu.memory_space<vmem>> -> memref<1x80xi32, #tpu.memory_space<vmem>>
          %dma_wait3A_462 = tpu.memref_squeeze %dma_wait3A_461 : memref<1x80xi32, #tpu.memory_space<vmem>> -> memref<80xi32, #tpu.memory_space<vmem>>
          %dma_wait3A_463 = arith.constant 0 : i32
          %dma_wait3A_464 = arith.constant 0 : i32
          %dma_wait3A_465 = tpu.memref_slice %arg13[%dma_wait3A_463, %dma_wait3A_464] : memref<10008x64xf32, #tpu.memory_space<vmem_shared>> -> memref<10008x64xf32, #tpu.memory_space<vmem_shared>>
          %dma_wait3A_466 = tpu.memref_slice %arg11[%dma_wait3A_455] : memref<5x!tpu.dma_semaphore, #tpu.memory_space<semaphore_mem>> -> memref<1x!tpu.dma_semaphore, #tpu.memory_space<semaphore_mem>>
          %dma_wait3A_467 = tpu.memref_squeeze %dma_wait3A_466 : memref<1x!tpu.dma_semaphore, #tpu.memory_space<semaphore_mem>> -> memref<!tpu.dma_semaphore, #tpu.memory_space<semaphore_mem>>
          tpu.wait_indirect_dma semaphore(%dma_wait3A_467 : memref<!tpu.dma_semaphore, #tpu.memory_space<semaphore_mem>>) src(%dma_wait3A_459 : memref<80x64xf32, #tpu.memory_space<vmem>>) dst(%dma_wait3A_465 : memref<10008x64xf32, #tpu.memory_space<vmem_shared>>)
        } else {
        }
        %add3A_434 = arith.constant 3 : i32
        %add3A_435 = arith.addi %add3A_385, %add3A_434 : i32
        %dma_start3A_436 = arith.constant 2 : i32
        %dma_start3A_437 = arith.constant 2 : i32
        %dma_start3A_438 = arith.constant 0 : i32
        %dma_start3A_439 = arith.constant 0 : i32
        %dma_start3A_440 = tpu.memref_slice %arg8[%dma_start3A_436, %dma_start3A_438, %dma_start3A_439] : memref<5x80x64xf32, #tpu.memory_space<vmem>> -> memref<1x80x64xf32, #tpu.memory_space<vmem>>
        %dma_start3A_441 = tpu.memref_squeeze %dma_start3A_440 : memref<1x80x64xf32, #tpu.memory_space<vmem>> -> memref<80x64xf32, #tpu.memory_space<vmem>>
        %dma_start3A_442 = arith.constant 0 : i32
        %dma_start3A_443 = tpu.memref_slice %arg6[%add3A_435, %dma_start3A_442] : memref<250x80xi32, #tpu.memory_space<vmem>> -> memref<1x80xi32, #tpu.memory_space<vmem>>
        %dma_start3A_444 = tpu.memref_squeeze %dma_start3A_443 : memref<1x80xi32, #tpu.memory_space<vmem>> -> memref<80xi32, #tpu.memory_space<vmem>>
        %dma_start3A_445 = arith.constant 0 : i32
        %dma_start3A_446 = arith.constant 0 : i32
        %dma_start3A_447 = tpu.memref_slice %arg2[%dma_start3A_445, %dma_start3A_446] : memref<20000x64xf32, #tpu.memory_space<hbm>> -> memref<20000x64xf32, #tpu.memory_space<hbm>>
        %dma_start3A_448 = tpu.memref_slice %arg10[%dma_start3A_437] : memref<5x!tpu.dma_semaphore, #tpu.memory_space<semaphore_mem>> -> memref<1x!tpu.dma_semaphore, #tpu.memory_space<semaphore_mem>>
        %dma_start3A_449 = tpu.memref_squeeze %dma_start3A_448 : memref<1x!tpu.dma_semaphore, #tpu.memory_space<semaphore_mem>> -> memref<!tpu.dma_semaphore, #tpu.memory_space<semaphore_mem>>
        tpu.enqueue_indirect_dma source(%dma_start3A_447 : memref<20000x64xf32, #tpu.memory_space<hbm>>) target(%dma_start3A_441 : memref<80x64xf32, #tpu.memory_space<vmem>>) offsets(%dma_start3A_444 : memref<80xi32, #tpu.memory_space<vmem>>) semaphore(%dma_start3A_449 : memref<!tpu.dma_semaphore, #tpu.memory_space<semaphore_mem>>)
      } else {
      }
      %dma_wait3A_393 = arith.constant 4 : i32
      %dma_wait3A_394 = arith.constant 4 : i32
      %dma_wait3A_395 = arith.constant 0 : i32
      %dma_wait3A_396 = arith.constant 0 : i32
      %dma_wait3A_397 = tpu.memref_slice %arg8[%dma_wait3A_393, %dma_wait3A_395, %dma_wait3A_396] : memref<5x80x64xf32, #tpu.memory_space<vmem>> -> memref<1x80x64xf32, #tpu.memory_space<vmem>>
      %dma_wait3A_398 = tpu.memref_squeeze %dma_wait3A_397 : memref<1x80x64xf32, #tpu.memory_space<vmem>> -> memref<80x64xf32, #tpu.memory_space<vmem>>
      %dma_wait3A_399 = arith.constant 0 : i32
      %dma_wait3A_400 = tpu.memref_slice %arg6[%add3A_385, %dma_wait3A_399] : memref<250x80xi32, #tpu.memory_space<vmem>> -> memref<1x80xi32, #tpu.memory_space<vmem>>
      %dma_wait3A_401 = tpu.memref_squeeze %dma_wait3A_400 : memref<1x80xi32, #tpu.memory_space<vmem>> -> memref<80xi32, #tpu.memory_space<vmem>>
      %dma_wait3A_402 = arith.constant 0 : i32
      %dma_wait3A_403 = arith.constant 0 : i32
      %dma_wait3A_404 = tpu.memref_slice %arg2[%dma_wait3A_402, %dma_wait3A_403] : memref<20000x64xf32, #tpu.memory_space<hbm>> -> memref<20000x64xf32, #tpu.memory_space<hbm>>
      %dma_wait3A_405 = tpu.memref_slice %arg10[%dma_wait3A_394] : memref<5x!tpu.dma_semaphore, #tpu.memory_space<semaphore_mem>> -> memref<1x!tpu.dma_semaphore, #tpu.memory_space<semaphore_mem>>
      %dma_wait3A_406 = tpu.memref_squeeze %dma_wait3A_405 : memref<1x!tpu.dma_semaphore, #tpu.memory_space<semaphore_mem>> -> memref<!tpu.dma_semaphore, #tpu.memory_space<semaphore_mem>>
      tpu.wait_indirect_dma semaphore(%dma_wait3A_406 : memref<!tpu.dma_semaphore, #tpu.memory_space<semaphore_mem>>) src(%dma_wait3A_404 : memref<20000x64xf32, #tpu.memory_space<hbm>>) dst(%dma_wait3A_398 : memref<80x64xf32, #tpu.memory_space<vmem>>)
      %dma_start3A_407 = arith.constant 4 : i32
      %dma_start3A_408 = arith.constant 4 : i32
      %dma_start3A_409 = arith.constant 0 : i32
      %dma_start3A_410 = arith.constant 0 : i32
      %dma_start3A_411 = tpu.memref_slice %arg8[%dma_start3A_407, %dma_start3A_409, %dma_start3A_410] : memref<5x80x64xf32, #tpu.memory_space<vmem>> -> memref<1x80x64xf32, #tpu.memory_space<vmem>>
      %dma_start3A_412 = tpu.memref_squeeze %dma_start3A_411 : memref<1x80x64xf32, #tpu.memory_space<vmem>> -> memref<80x64xf32, #tpu.memory_space<vmem>>
      %dma_start3A_413 = arith.constant 0 : i32
      %dma_start3A_414 = tpu.memref_slice %arg7[%add3A_385, %dma_start3A_413] : memref<250x80xi32, #tpu.memory_space<vmem>> -> memref<1x80xi32, #tpu.memory_space<vmem>>
      %dma_start3A_415 = tpu.memref_squeeze %dma_start3A_414 : memref<1x80xi32, #tpu.memory_space<vmem>> -> memref<80xi32, #tpu.memory_space<vmem>>
      %dma_start3A_416 = arith.constant 0 : i32
      %dma_start3A_417 = arith.constant 0 : i32
      %dma_start3A_418 = tpu.memref_slice %arg13[%dma_start3A_416, %dma_start3A_417] : memref<10008x64xf32, #tpu.memory_space<vmem_shared>> -> memref<10008x64xf32, #tpu.memory_space<vmem_shared>>
      %dma_start3A_419 = tpu.memref_slice %arg11[%dma_start3A_408] : memref<5x!tpu.dma_semaphore, #tpu.memory_space<semaphore_mem>> -> memref<1x!tpu.dma_semaphore, #tpu.memory_space<semaphore_mem>>
      %dma_start3A_420 = tpu.memref_squeeze %dma_start3A_419 : memref<1x!tpu.dma_semaphore, #tpu.memory_space<semaphore_mem>> -> memref<!tpu.dma_semaphore, #tpu.memory_space<semaphore_mem>>
      tpu.enqueue_indirect_dma source(%dma_start3A_412 : memref<80x64xf32, #tpu.memory_space<vmem>>) target(%dma_start3A_418 : memref<10008x64xf32, #tpu.memory_space<vmem_shared>>) offsets(%dma_start3A_415 : memref<80xi32, #tpu.memory_space<vmem>>) semaphore(%dma_start3A_420 : memref<!tpu.dma_semaphore, #tpu.memory_space<semaphore_mem>>) {add = true}
      %rem3A_421 = arith.constant 2 : i32
      %rem3A_422 = arith.remsi %add3A_385, %rem3A_421 : i32
      %eq3A_423 = arith.cmpi eq, %rem3A_422, %arg0 : i32
      %convert_element_type3A_424 = arith.extui %eq3A_423 : i1 to i32
      %cond3A_425 = arith.constant 0 : i32
      %cond3A_426 = arith.cmpi ne, %convert_element_type3A_424, %cond3A_425 : i32
      scf.if %cond3A_426 {
        "tpu.region"() ({
          %run_scoped3A = tpu.sem_alloc : memref<!tpu.dma_semaphore, #tpu.memory_space<semaphore_mem>>
          %dma_start3A_427 = arith.constant 0 : i32
          %dma_start3A_428 = tpu.memref_slice %arg7[%add3A_385, %dma_start3A_427] : memref<250x80xi32, #tpu.memory_space<vmem>> -> memref<1x80xi32, #tpu.memory_space<vmem>>
          %dma_start3A_429 = tpu.memref_squeeze %dma_start3A_428 : memref<1x80xi32, #tpu.memory_space<vmem>> -> memref<80xi32, #tpu.memory_space<vmem>>
          %dma_start3A_430 = arith.constant 0 : i32
          %dma_start3A_431 = arith.constant 0 : i32
          %dma_start3A_432 = tpu.memref_slice %arg16[%dma_start3A_430, %dma_start3A_431] : memref<10008x16xf32, #tpu.memory_space<vmem_shared>> -> memref<10008x16xf32, #tpu.memory_space<vmem_shared>>
          tpu.enqueue_indirect_dma source(%arg14 : memref<80x16xf32, #tpu.memory_space<vmem>>) target(%dma_start3A_432 : memref<10008x16xf32, #tpu.memory_space<vmem_shared>>) offsets(%dma_start3A_429 : memref<80xi32, #tpu.memory_space<vmem>>) semaphore(%run_scoped3A : memref<!tpu.dma_semaphore, #tpu.memory_space<semaphore_mem>>) {add = true}
          %dma_wait3A_433 = arith.constant 0 : i32
          %dma_wait3A_434 = tpu.memref_slice %arg7[%add3A_385, %dma_wait3A_433] : memref<250x80xi32, #tpu.memory_space<vmem>> -> memref<1x80xi32, #tpu.memory_space<vmem>>
          %dma_wait3A_435 = tpu.memref_squeeze %dma_wait3A_434 : memref<1x80xi32, #tpu.memory_space<vmem>> -> memref<80xi32, #tpu.memory_space<vmem>>
          %dma_wait3A_436 = arith.constant 0 : i32
          %dma_wait3A_437 = arith.constant 0 : i32
          %dma_wait3A_438 = tpu.memref_slice %arg16[%dma_wait3A_436, %dma_wait3A_437] : memref<10008x16xf32, #tpu.memory_space<vmem_shared>> -> memref<10008x16xf32, #tpu.memory_space<vmem_shared>>
          tpu.wait_indirect_dma semaphore(%run_scoped3A : memref<!tpu.dma_semaphore, #tpu.memory_space<semaphore_mem>>) src(%arg14 : memref<80x16xf32, #tpu.memory_space<vmem>>) dst(%dma_wait3A_438 : memref<10008x16xf32, #tpu.memory_space<vmem_shared>>)
          tpu.yield
        }) : () -> ()
      } else {
      }
    }
    %scan3A_127 = arith.constant 50 : i32
    %dma_wait3A_128 = arith.constant 0 : i32
    %dma_wait3A_129 = arith.constant 245 : i32
    %dma_wait3A_130 = arith.constant 0 : i32
    %dma_wait3A_131 = arith.constant 0 : i32
    %dma_wait3A_132 = arith.constant 0 : i32
    %dma_wait3A_133 = tpu.memref_slice %arg8[%dma_wait3A_128, %dma_wait3A_131, %dma_wait3A_132] : memref<5x80x64xf32, #tpu.memory_space<vmem>> -> memref<1x80x64xf32, #tpu.memory_space<vmem>>
    %dma_wait3A_134 = tpu.memref_squeeze %dma_wait3A_133 : memref<1x80x64xf32, #tpu.memory_space<vmem>> -> memref<80x64xf32, #tpu.memory_space<vmem>>
    %dma_wait3A_135 = arith.constant 0 : i32
    %dma_wait3A_136 = tpu.memref_slice %arg7[%dma_wait3A_129, %dma_wait3A_135] : memref<250x80xi32, #tpu.memory_space<vmem>> -> memref<1x80xi32, #tpu.memory_space<vmem>>
    %dma_wait3A_137 = tpu.memref_squeeze %dma_wait3A_136 : memref<1x80xi32, #tpu.memory_space<vmem>> -> memref<80xi32, #tpu.memory_space<vmem>>
    %dma_wait3A_138 = arith.constant 0 : i32
    %dma_wait3A_139 = arith.constant 0 : i32
    %dma_wait3A_140 = tpu.memref_slice %arg13[%dma_wait3A_138, %dma_wait3A_139] : memref<10008x64xf32, #tpu.memory_space<vmem_shared>> -> memref<10008x64xf32, #tpu.memory_space<vmem_shared>>
    %dma_wait3A_141 = tpu.memref_slice %arg11[%dma_wait3A_130] : memref<5x!tpu.dma_semaphore, #tpu.memory_space<semaphore_mem>> -> memref<1x!tpu.dma_semaphore, #tpu.memory_space<semaphore_mem>>
    %dma_wait3A_142 = tpu.memref_squeeze %dma_wait3A_141 : memref<1x!tpu.dma_semaphore, #tpu.memory_space<semaphore_mem>> -> memref<!tpu.dma_semaphore, #tpu.memory_space<semaphore_mem>>
    tpu.wait_indirect_dma semaphore(%dma_wait3A_142 : memref<!tpu.dma_semaphore, #tpu.memory_space<semaphore_mem>>) src(%dma_wait3A_134 : memref<80x64xf32, #tpu.memory_space<vmem>>) dst(%dma_wait3A_140 : memref<10008x64xf32, #tpu.memory_space<vmem_shared>>)
    %dma_wait3A_143 = arith.constant 1 : i32
    %dma_wait3A_144 = arith.constant 246 : i32
    %dma_wait3A_145 = arith.constant 1 : i32
    %dma_wait3A_146 = arith.constant 0 : i32
    %dma_wait3A_147 = arith.constant 0 : i32
    %dma_wait3A_148 = tpu.memref_slice %arg8[%dma_wait3A_143, %dma_wait3A_146, %dma_wait3A_147] : memref<5x80x64xf32, #tpu.memory_space<vmem>> -> memref<1x80x64xf32, #tpu.memory_space<vmem>>
    %dma_wait3A_149 = tpu.memref_squeeze %dma_wait3A_148 : memref<1x80x64xf32, #tpu.memory_space<vmem>> -> memref<80x64xf32, #tpu.memory_space<vmem>>
    %dma_wait3A_150 = arith.constant 0 : i32
    %dma_wait3A_151 = tpu.memref_slice %arg7[%dma_wait3A_144, %dma_wait3A_150] : memref<250x80xi32, #tpu.memory_space<vmem>> -> memref<1x80xi32, #tpu.memory_space<vmem>>
    %dma_wait3A_152 = tpu.memref_squeeze %dma_wait3A_151 : memref<1x80xi32, #tpu.memory_space<vmem>> -> memref<80xi32, #tpu.memory_space<vmem>>
    %dma_wait3A_153 = arith.constant 0 : i32
    %dma_wait3A_154 = arith.constant 0 : i32
    %dma_wait3A_155 = tpu.memref_slice %arg13[%dma_wait3A_153, %dma_wait3A_154] : memref<10008x64xf32, #tpu.memory_space<vmem_shared>> -> memref<10008x64xf32, #tpu.memory_space<vmem_shared>>
    %dma_wait3A_156 = tpu.memref_slice %arg11[%dma_wait3A_145] : memref<5x!tpu.dma_semaphore, #tpu.memory_space<semaphore_mem>> -> memref<1x!tpu.dma_semaphore, #tpu.memory_space<semaphore_mem>>
    %dma_wait3A_157 = tpu.memref_squeeze %dma_wait3A_156 : memref<1x!tpu.dma_semaphore, #tpu.memory_space<semaphore_mem>> -> memref<!tpu.dma_semaphore, #tpu.memory_space<semaphore_mem>>
    tpu.wait_indirect_dma semaphore(%dma_wait3A_157 : memref<!tpu.dma_semaphore, #tpu.memory_space<semaphore_mem>>) src(%dma_wait3A_149 : memref<80x64xf32, #tpu.memory_space<vmem>>) dst(%dma_wait3A_155 : memref<10008x64xf32, #tpu.memory_space<vmem_shared>>)
    %dma_wait3A_158 = arith.constant 2 : i32
    %dma_wait3A_159 = arith.constant 247 : i32
    %dma_wait3A_160 = arith.constant 2 : i32
    %dma_wait3A_161 = arith.constant 0 : i32
    %dma_wait3A_162 = arith.constant 0 : i32
    %dma_wait3A_163 = tpu.memref_slice %arg8[%dma_wait3A_158, %dma_wait3A_161, %dma_wait3A_162] : memref<5x80x64xf32, #tpu.memory_space<vmem>> -> memref<1x80x64xf32, #tpu.memory_space<vmem>>
    %dma_wait3A_164 = tpu.memref_squeeze %dma_wait3A_163 : memref<1x80x64xf32, #tpu.memory_space<vmem>> -> memref<80x64xf32, #tpu.memory_space<vmem>>
    %dma_wait3A_165 = arith.constant 0 : i32
    %dma_wait3A_166 = tpu.memref_slice %arg7[%dma_wait3A_159, %dma_wait3A_165] : memref<250x80xi32, #tpu.memory_space<vmem>> -> memref<1x80xi32, #tpu.memory_space<vmem>>
    %dma_wait3A_167 = tpu.memref_squeeze %dma_wait3A_166 : memref<1x80xi32, #tpu.memory_space<vmem>> -> memref<80xi32, #tpu.memory_space<vmem>>
    %dma_wait3A_168 = arith.constant 0 : i32
    %dma_wait3A_169 = arith.constant 0 : i32
    %dma_wait3A_170 = tpu.memref_slice %arg13[%dma_wait3A_168, %dma_wait3A_169] : memref<10008x64xf32, #tpu.memory_space<vmem_shared>> -> memref<10008x64xf32, #tpu.memory_space<vmem_shared>>
    %dma_wait3A_171 = tpu.memref_slice %arg11[%dma_wait3A_160] : memref<5x!tpu.dma_semaphore, #tpu.memory_space<semaphore_mem>> -> memref<1x!tpu.dma_semaphore, #tpu.memory_space<semaphore_mem>>
    %dma_wait3A_172 = tpu.memref_squeeze %dma_wait3A_171 : memref<1x!tpu.dma_semaphore, #tpu.memory_space<semaphore_mem>> -> memref<!tpu.dma_semaphore, #tpu.memory_space<semaphore_mem>>
    tpu.wait_indirect_dma semaphore(%dma_wait3A_172 : memref<!tpu.dma_semaphore, #tpu.memory_space<semaphore_mem>>) src(%dma_wait3A_164 : memref<80x64xf32, #tpu.memory_space<vmem>>) dst(%dma_wait3A_170 : memref<10008x64xf32, #tpu.memory_space<vmem_shared>>)
    %dma_wait3A_173 = arith.constant 3 : i32
    %dma_wait3A_174 = arith.constant 248 : i32
    %dma_wait3A_175 = arith.constant 3 : i32
    %dma_wait3A_176 = arith.constant 0 : i32
    %dma_wait3A_177 = arith.constant 0 : i32
    %dma_wait3A_178 = tpu.memref_slice %arg8[%dma_wait3A_173, %dma_wait3A_176, %dma_wait3A_177] : memref<5x80x64xf32, #tpu.memory_space<vmem>> -> memref<1x80x64xf32, #tpu.memory_space<vmem>>
    %dma_wait3A_179 = tpu.memref_squeeze %dma_wait3A_178 : memref<1x80x64xf32, #tpu.memory_space<vmem>> -> memref<80x64xf32, #tpu.memory_space<vmem>>
    %dma_wait3A_180 = arith.constant 0 : i32
    %dma_wait3A_181 = tpu.memref_slice %arg7[%dma_wait3A_174, %dma_wait3A_180] : memref<250x80xi32, #tpu.memory_space<vmem>> -> memref<1x80xi32, #tpu.memory_space<vmem>>
    %dma_wait3A_182 = tpu.memref_squeeze %dma_wait3A_181 : memref<1x80xi32, #tpu.memory_space<vmem>> -> memref<80xi32, #tpu.memory_space<vmem>>
    %dma_wait3A_183 = arith.constant 0 : i32
    %dma_wait3A_184 = arith.constant 0 : i32
    %dma_wait3A_185 = tpu.memref_slice %arg13[%dma_wait3A_183, %dma_wait3A_184] : memref<10008x64xf32, #tpu.memory_space<vmem_shared>> -> memref<10008x64xf32, #tpu.memory_space<vmem_shared>>
    %dma_wait3A_186 = tpu.memref_slice %arg11[%dma_wait3A_175] : memref<5x!tpu.dma_semaphore, #tpu.memory_space<semaphore_mem>> -> memref<1x!tpu.dma_semaphore, #tpu.memory_space<semaphore_mem>>
    %dma_wait3A_187 = tpu.memref_squeeze %dma_wait3A_186 : memref<1x!tpu.dma_semaphore, #tpu.memory_space<semaphore_mem>> -> memref<!tpu.dma_semaphore, #tpu.memory_space<semaphore_mem>>
    tpu.wait_indirect_dma semaphore(%dma_wait3A_187 : memref<!tpu.dma_semaphore, #tpu.memory_space<semaphore_mem>>) src(%dma_wait3A_179 : memref<80x64xf32, #tpu.memory_space<vmem>>) dst(%dma_wait3A_185 : memref<10008x64xf32, #tpu.memory_space<vmem_shared>>)
    %dma_wait3A_188 = arith.constant 4 : i32
    %dma_wait3A_189 = arith.constant 249 : i32
    %dma_wait3A_190 = arith.constant 4 : i32
    %dma_wait3A_191 = arith.constant 0 : i32
    %dma_wait3A_192 = arith.constant 0 : i32
    %dma_wait3A_193 = tpu.memref_slice %arg8[%dma_wait3A_188, %dma_wait3A_191, %dma_wait3A_192] : memref<5x80x64xf32, #tpu.memory_space<vmem>> -> memref<1x80x64xf32, #tpu.memory_space<vmem>>
    %dma_wait3A_194 = tpu.memref_squeeze %dma_wait3A_193 : memref<1x80x64xf32, #tpu.memory_space<vmem>> -> memref<80x64xf32, #tpu.memory_space<vmem>>
    %dma_wait3A_195 = arith.constant 0 : i32
    %dma_wait3A_196 = tpu.memref_slice %arg7[%dma_wait3A_189, %dma_wait3A_195] : memref<250x80xi32, #tpu.memory_space<vmem>> -> memref<1x80xi32, #tpu.memory_space<vmem>>
    %dma_wait3A_197 = tpu.memref_squeeze %dma_wait3A_196 : memref<1x80xi32, #tpu.memory_space<vmem>> -> memref<80xi32, #tpu.memory_space<vmem>>
    %dma_wait3A_198 = arith.constant 0 : i32
    %dma_wait3A_199 = arith.constant 0 : i32
    %dma_wait3A_200 = tpu.memref_slice %arg13[%dma_wait3A_198, %dma_wait3A_199] : memref<10008x64xf32, #tpu.memory_space<vmem_shared>> -> memref<10008x64xf32, #tpu.memory_space<vmem_shared>>
    %dma_wait3A_201 = tpu.memref_slice %arg11[%dma_wait3A_190] : memref<5x!tpu.dma_semaphore, #tpu.memory_space<semaphore_mem>> -> memref<1x!tpu.dma_semaphore, #tpu.memory_space<semaphore_mem>>
    %dma_wait3A_202 = tpu.memref_squeeze %dma_wait3A_201 : memref<1x!tpu.dma_semaphore, #tpu.memory_space<semaphore_mem>> -> memref<!tpu.dma_semaphore, #tpu.memory_space<semaphore_mem>>
    tpu.wait_indirect_dma semaphore(%dma_wait3A_202 : memref<!tpu.dma_semaphore, #tpu.memory_space<semaphore_mem>>) src(%dma_wait3A_194 : memref<80x64xf32, #tpu.memory_space<vmem>>) dst(%dma_wait3A_200 : memref<10008x64xf32, #tpu.memory_space<vmem_shared>>)
    %barrier3A_203 = arith.constant 0 : index
    tpu.barrier barrier_id(%barrier3A_203)
    %scan3A_204 = arith.constant 0 : i32
    %scan3A_205 = arith.constant 8 : i32
    %scan3A_206 = arith.addi %scan3A_204, %scan3A_205 : i32
    %scan3A_207 = arith.constant 1 : i32
    scf.for %scan3A_214 = %scan3A_204 to %scan3A_206 step %scan3A_207  : i32 {
      %mul3A = arith.constant 1 : i32
      %mul3A_215 = arith.muli %scan3A_214, %mul3A : i32
      %add3A = arith.constant 0 : i32
      %add3A_216 = arith.addi %add3A, %mul3A_215 : i32
      %mul3A_217 = arith.constant 16 : i32
      %mul3A_218 = arith.muli %add3A_216, %mul3A_217 : i32
      %add3A_219 = arith.addi %arg1, %mul3A_218 : i32
      %lt3A = arith.constant 125 : i32
      %lt3A_220 = arith.cmpi slt, %add3A_219, %lt3A : i32
      %convert_element_type3A = arith.extui %lt3A_220 : i1 to i32
      %cond3A = arith.constant 0 : i32
      %cond3A_221 = arith.cmpi ne, %convert_element_type3A, %cond3A : i32
      scf.if %cond3A_221 {
        %mul3A_222 = arith.constant 80 : i32
        %mul3A_223 = arith.muli %add3A_219, %mul3A_222 : i32
        %mul3A_224 = arith.constant 80 : i32
        %mul3A_225 = arith.muli %add3A_219, %mul3A_224 : i32
        %mul3A_226 = arith.constant 64 : i32
        %mul3A_227 = arith.muli %arg0, %mul3A_226 : i32
        "tpu.region"() ({
          %run_scoped3A = tpu.sem_alloc : memref<!tpu.dma_semaphore, #tpu.memory_space<semaphore_mem>>
          %dma_start3A_228 = tpu.memref_slice %arg4[%mul3A_225, %mul3A_227] : memref<10000x128xf32, #tpu.memory_space<hbm>> -> memref<80x64xf32, #tpu.memory_space<hbm>>
          %dma_start3A_229 = arith.constant 0 : i32
          %dma_start3A_230 = tpu.memref_slice %arg13[%mul3A_223, %dma_start3A_229] : memref<10008x64xf32, #tpu.memory_space<vmem_shared>> -> memref<80x64xf32, #tpu.memory_space<vmem_shared>>
          tpu.enqueue_dma source(%dma_start3A_230 : memref<80x64xf32, #tpu.memory_space<vmem_shared>>) target(%dma_start3A_228 : memref<80x64xf32, #tpu.memory_space<hbm>>) target_semaphore(%run_scoped3A : memref<!tpu.dma_semaphore, #tpu.memory_space<semaphore_mem>>)
          %dma_wait3A_231 = tpu.memref_slice %arg4[%mul3A_225, %mul3A_227] : memref<10000x128xf32, #tpu.memory_space<hbm>> -> memref<80x64xf32, #tpu.memory_space<hbm>>
          %dma_wait3A_232 = arith.constant 0 : i32
          %dma_wait3A_233 = tpu.memref_slice %arg13[%mul3A_223, %dma_wait3A_232] : memref<10008x64xf32, #tpu.memory_space<vmem_shared>> -> memref<80x64xf32, #tpu.memory_space<vmem_shared>>
          tpu.wait_dma2 semaphore(%run_scoped3A : memref<!tpu.dma_semaphore, #tpu.memory_space<semaphore_mem>>) src(%dma_wait3A_233 : memref<80x64xf32, #tpu.memory_space<vmem_shared>>) dst(%dma_wait3A_231 : memref<80x64xf32, #tpu.memory_space<hbm>>)
          tpu.yield
        }) : () -> ()
      } else {
      }
    }
    %scan3A_208 = arith.constant 8 : i32
    %scan3A_209 = arith.constant 0 : i32
    %scan3A_210 = arith.constant 8 : i32
    %scan3A_211 = arith.addi %scan3A_209, %scan3A_210 : i32
    %scan3A_212 = arith.constant 1 : i32
    scf.for %scan3A_214 = %scan3A_209 to %scan3A_211 step %scan3A_212  : i32 {
      %mul3A = arith.constant 1 : i32
      %mul3A_215 = arith.muli %scan3A_214, %mul3A : i32
      %add3A = arith.constant 0 : i32
      %add3A_216 = arith.addi %add3A, %mul3A_215 : i32
      %mul3A_217 = arith.constant 16 : i32
      %mul3A_218 = arith.muli %add3A_216, %mul3A_217 : i32
      %add3A_219 = arith.addi %arg1, %mul3A_218 : i32
      %lt3A = arith.constant 125 : i32
      %lt3A_220 = arith.cmpi slt, %add3A_219, %lt3A : i32
      %convert_element_type3A = arith.extui %lt3A_220 : i1 to i32
      %cond3A = arith.constant 0 : i32
      %cond3A_221 = arith.cmpi ne, %convert_element_type3A, %cond3A : i32
      scf.if %cond3A_221 {
        %mul3A_222 = arith.constant 80 : i32
        %mul3A_223 = arith.muli %add3A_219, %mul3A_222 : i32
        %mul3A_224 = arith.constant 80 : i32
        %mul3A_225 = arith.muli %add3A_219, %mul3A_224 : i32
        %mul3A_226 = arith.constant 16 : i32
        %mul3A_227 = arith.muli %arg0, %mul3A_226 : i32
        "tpu.region"() ({
          %run_scoped3A = tpu.sem_alloc : memref<!tpu.dma_semaphore, #tpu.memory_space<semaphore_mem>>
          %dma_start3A_228 = tpu.memref_slice %arg5[%mul3A_225, %mul3A_227] : memref<10000x128xf32, #tpu.memory_space<hbm>> -> memref<80x16xf32, #tpu.memory_space<hbm>>
          %dma_start3A_229 = arith.constant 0 : i32
          %dma_start3A_230 = tpu.memref_slice %arg16[%mul3A_223, %dma_start3A_229] : memref<10008x16xf32, #tpu.memory_space<vmem_shared>> -> memref<80x16xf32, #tpu.memory_space<vmem_shared>>
          tpu.enqueue_dma source(%dma_start3A_230 : memref<80x16xf32, #tpu.memory_space<vmem_shared>>) target(%dma_start3A_228 : memref<80x16xf32, #tpu.memory_space<hbm>>) target_semaphore(%run_scoped3A : memref<!tpu.dma_semaphore, #tpu.memory_space<semaphore_mem>>)
          %dma_wait3A_231 = tpu.memref_slice %arg5[%mul3A_225, %mul3A_227] : memref<10000x128xf32, #tpu.memory_space<hbm>> -> memref<80x16xf32, #tpu.memory_space<hbm>>
          %dma_wait3A_232 = arith.constant 0 : i32
          %dma_wait3A_233 = tpu.memref_slice %arg16[%mul3A_223, %dma_wait3A_232] : memref<10008x16xf32, #tpu.memory_space<vmem_shared>> -> memref<80x16xf32, #tpu.memory_space<vmem_shared>>
          tpu.wait_dma2 semaphore(%run_scoped3A : memref<!tpu.dma_semaphore, #tpu.memory_space<semaphore_mem>>) src(%dma_wait3A_233 : memref<80x16xf32, #tpu.memory_space<vmem_shared>>) dst(%dma_wait3A_231 : memref<80x16xf32, #tpu.memory_space<hbm>>)
          tpu.yield
        }) : () -> ()
      } else {
      }
    }
    %scan3A_213 = arith.constant 8 : i32
    return
  }
}

#map = affine_map<(d0, d1) -> (0, 0)>
#map1 = affine_map<(d0, d1) -> (0, 0, 0, 0)>
module attributes {stable_mosaic.version = 14 : i64} {
  func.func @body(%arg0: i32, %arg1: i32, %arg2: memref<20000x64xf32, #tpu.memory_space<hbm>>, %arg3: memref<2x16x250x80xi32, #tpu.memory_space<hbm>>, %arg4: memref<10000x128xf32, #tpu.memory_space<hbm>>, %arg5: memref<10000x128xf32, #tpu.memory_space<hbm>>, %arg6: memref<10000x128xf32, #tpu.memory_space<hbm>>, %arg7: memref<250x80xi32, #tpu.memory_space<vmem>>, %arg8: memref<250x80xi32, #tpu.memory_space<vmem>>, %arg9: memref<5x80x64xf32, #tpu.memory_space<vmem>>, %arg10: memref<80x64xf32, #tpu.memory_space<vmem>>, %arg11: memref<5x!tpu.dma_semaphore, #tpu.memory_space<semaphore_mem>>, %arg12: memref<5x!tpu.dma_semaphore, #tpu.memory_space<semaphore_mem>>, %arg13: memref<2x!tpu.dma_semaphore, #tpu.memory_space<semaphore_mem>>, %arg14: memref<10008x64xf32, #tpu.memory_space<vmem_shared>>, %arg15: memref<80x64xf32, #tpu.memory_space<vmem>>, %arg16: memref<80x16xf32, #tpu.memory_space<vmem>>) attributes {dimension_semantics = [#tpu.dimension_semantics<core_parallel>, #tpu.dimension_semantics<subcore_parallel>], iteration_bounds = array<i64: 2, 16>, scalar_prefetch = 0 : i64, scratch_operands = 10 : i64, tpu.core_type = #tpu.core_type<sc_vector_subcore>, window_params = [{transform_indices = #map}, {transform_indices = #map1}, {transform_indices = #map}, {transform_indices = #map}, {transform_indices = #map}]} {
    %broadcast_in_dim3A = arith.constant 0.000000e+00 : f32
    %broadcast_in_dim3A_0 = vector.broadcast %broadcast_in_dim3A : f32 to vector<16xf32>
    %dma_start3A = arith.constant 0 : i32
    %dma_start3A_1 = arith.constant 0 : i32
    %dma_start3A_2 = arith.constant 0 : i32
    %dma_start3A_3 = arith.constant 0 : i32
    %dma_start3A_4 = tpu.memref_slice %arg3[%dma_start3A, %arg1, %dma_start3A_2, %dma_start3A_3] : memref<2x16x250x80xi32, #tpu.memory_space<hbm>> -> memref<1x1x250x80xi32, #tpu.memory_space<hbm>>
    %dma_start3A_5 = tpu.memref_squeeze %dma_start3A_4 : memref<1x1x250x80xi32, #tpu.memory_space<hbm>> -> memref<250x80xi32, #tpu.memory_space<hbm>>
    %dma_start3A_6 = tpu.memref_slice %arg13[%dma_start3A_1] : memref<2x!tpu.dma_semaphore, #tpu.memory_space<semaphore_mem>> -> memref<1x!tpu.dma_semaphore, #tpu.memory_space<semaphore_mem>>
    %dma_start3A_7 = tpu.memref_squeeze %dma_start3A_6 : memref<1x!tpu.dma_semaphore, #tpu.memory_space<semaphore_mem>> -> memref<!tpu.dma_semaphore, #tpu.memory_space<semaphore_mem>>
    %dma_start3A_8 = arith.constant 0 : i32
    %dma_start3A_9 = arith.constant 0 : i32
    %dma_start3A_10 = tpu.memref_slice %arg3[%dma_start3A, %arg1, %dma_start3A_8, %dma_start3A_9] : memref<2x16x250x80xi32, #tpu.memory_space<hbm>> -> memref<1x1x250x80xi32, #tpu.memory_space<hbm>>
    %dma_start3A_11 = tpu.memref_squeeze %dma_start3A_10 : memref<1x1x250x80xi32, #tpu.memory_space<hbm>> -> memref<250x80xi32, #tpu.memory_space<hbm>>
    tpu.enqueue_dma source(%dma_start3A_11 : memref<250x80xi32, #tpu.memory_space<hbm>>) target(%arg7 : memref<250x80xi32, #tpu.memory_space<vmem>>) target_semaphore(%dma_start3A_7 : memref<!tpu.dma_semaphore, #tpu.memory_space<semaphore_mem>>)
    %dma_start3A_12 = arith.constant 1 : i32
    %dma_start3A_13 = arith.constant 1 : i32
    %dma_start3A_14 = arith.constant 0 : i32
    %dma_start3A_15 = arith.constant 0 : i32
    %dma_start3A_16 = tpu.memref_slice %arg3[%dma_start3A_12, %arg1, %dma_start3A_14, %dma_start3A_15] : memref<2x16x250x80xi32, #tpu.memory_space<hbm>> -> memref<1x1x250x80xi32, #tpu.memory_space<hbm>>
    %dma_start3A_17 = tpu.memref_squeeze %dma_start3A_16 : memref<1x1x250x80xi32, #tpu.memory_space<hbm>> -> memref<250x80xi32, #tpu.memory_space<hbm>>
    %dma_start3A_18 = tpu.memref_slice %arg13[%dma_start3A_13] : memref<2x!tpu.dma_semaphore, #tpu.memory_space<semaphore_mem>> -> memref<1x!tpu.dma_semaphore, #tpu.memory_space<semaphore_mem>>
    %dma_start3A_19 = tpu.memref_squeeze %dma_start3A_18 : memref<1x!tpu.dma_semaphore, #tpu.memory_space<semaphore_mem>> -> memref<!tpu.dma_semaphore, #tpu.memory_space<semaphore_mem>>
    %dma_start3A_20 = arith.constant 0 : i32
    %dma_start3A_21 = arith.constant 0 : i32
    %dma_start3A_22 = tpu.memref_slice %arg3[%dma_start3A_12, %arg1, %dma_start3A_20, %dma_start3A_21] : memref<2x16x250x80xi32, #tpu.memory_space<hbm>> -> memref<1x1x250x80xi32, #tpu.memory_space<hbm>>
    %dma_start3A_23 = tpu.memref_squeeze %dma_start3A_22 : memref<1x1x250x80xi32, #tpu.memory_space<hbm>> -> memref<250x80xi32, #tpu.memory_space<hbm>>
    tpu.enqueue_dma source(%dma_start3A_23 : memref<250x80xi32, #tpu.memory_space<hbm>>) target(%arg8 : memref<250x80xi32, #tpu.memory_space<vmem>>) target_semaphore(%dma_start3A_19 : memref<!tpu.dma_semaphore, #tpu.memory_space<semaphore_mem>>)
    %scan3A = arith.constant 0 : i32
    %scan3A_24 = arith.constant 80 : i32
    %scan3A_25 = arith.addi %scan3A, %scan3A_24 : i32
    %scan3A_26 = arith.constant 1 : i32
    scf.for %scan3A_192 = %scan3A to %scan3A_25 step %scan3A_26  : i32 {
      %mul3A = arith.constant 1 : i32
      %mul3A_193 = arith.muli %scan3A_192, %mul3A : i32
      %add3A = arith.constant 0 : i32
      %add3A_194 = arith.addi %add3A, %mul3A_193 : i32
      %scan3A_195 = arith.constant 0 : i32
      %scan3A_196 = arith.constant 4 : i32
      %scan3A_197 = arith.addi %scan3A_195, %scan3A_196 : i32
      %scan3A_198 = arith.constant 1 : i32
      scf.for %scan3A_200 = %scan3A_195 to %scan3A_197 step %scan3A_198  : i32 {
        %mul3A_201 = arith.constant 16 : i32
        %mul3A_202 = arith.muli %scan3A_200, %mul3A_201 : i32
        %add3A_203 = arith.constant 0 : i32
        %add3A_204 = arith.addi %add3A_203, %mul3A_202 : i32
        %swap3A = arith.index_cast %add3A_194 : i32 to index
        %swap3A_205 = arith.index_cast %add3A_204 : i32 to index
        %swap3A_206 = tpu.vector_load %arg10[%swap3A, %swap3A_205] {strides = array<i32>} : memref<80x64xf32, #tpu.memory_space<vmem>>, vector<1x16xf32>,
        %swap3A_207 = vector.shape_cast %swap3A_206 : vector<1x16xf32> to vector<16xf32>
        %swap3A_208 = vector.shape_cast %broadcast_in_dim3A_0 : vector<16xf32> to vector<1x16xf32>
        tpu.vector_store %arg10[%swap3A, %swap3A_205], %swap3A_208 {strides = array<i32>} : memref<80x64xf32, #tpu.memory_space<vmem>>, vector<1x16xf32>,
      }
      %scan3A_199 = arith.constant 4 : i32
    }
    %scan3A_27 = arith.constant 80 : i32
    %scan3A_28 = arith.constant 0 : i32
    %scan3A_29 = arith.constant 8 : i32
    %scan3A_30 = arith.addi %scan3A_28, %scan3A_29 : i32
    %scan3A_31 = arith.constant 1 : i32
    scf.for %scan3A_192 = %scan3A_28 to %scan3A_30 step %scan3A_31  : i32 {
      %mul3A = arith.constant 1 : i32
      %mul3A_193 = arith.muli %scan3A_192, %mul3A : i32
      %add3A = arith.constant 0 : i32
      %add3A_194 = arith.addi %add3A, %mul3A_193 : i32
      %mul3A_195 = arith.constant 16 : i32
      %mul3A_196 = arith.muli %add3A_194, %mul3A_195 : i32
      %add3A_197 = arith.addi %arg1, %mul3A_196 : i32
      %lt3A = arith.constant 125 : i32
      %lt3A_198 = arith.cmpi slt, %add3A_197, %lt3A : i32
      %convert_element_type3A = arith.extui %lt3A_198 : i1 to i32
      %cond3A = arith.constant 0 : i32
      %cond3A_199 = arith.cmpi ne, %convert_element_type3A, %cond3A : i32
      scf.if %cond3A_199 {
        %mul3A_200 = arith.constant 80 : i32
        %mul3A_201 = arith.muli %add3A_197, %mul3A_200 : i32
        "tpu.region"() ({
          %run_scoped3A = tpu.sem_alloc : memref<!tpu.dma_semaphore, #tpu.memory_space<semaphore_mem>>
          %dma_start3A_202 = arith.constant 0 : i32
          %dma_start3A_203 = tpu.memref_slice %arg14[%mul3A_201, %dma_start3A_202] : memref<10008x64xf32, #tpu.memory_space<vmem_shared>> -> memref<80x64xf32, #tpu.memory_space<vmem_shared>>
          %dma_start3A_204 = arith.constant 0 : i32
          %dma_start3A_205 = tpu.memref_slice %arg14[%mul3A_201, %dma_start3A_204] : memref<10008x64xf32, #tpu.memory_space<vmem_shared>> -> memref<80x64xf32, #tpu.memory_space<vmem_shared>>
          tpu.enqueue_dma source(%arg10 : memref<80x64xf32, #tpu.memory_space<vmem>>) target(%dma_start3A_205 : memref<80x64xf32, #tpu.memory_space<vmem_shared>>) target_semaphore(%run_scoped3A : memref<!tpu.dma_semaphore, #tpu.memory_space<semaphore_mem>>)
          %dma_wait3A_206 = arith.constant 0 : i32
          %dma_wait3A_207 = tpu.memref_slice %arg14[%mul3A_201, %dma_wait3A_206] : memref<10008x64xf32, #tpu.memory_space<vmem_shared>> -> memref<80x64xf32, #tpu.memory_space<vmem_shared>>
          %dma_wait3A_208 = arith.constant 0 : i32
          %dma_wait3A_209 = tpu.memref_slice %arg14[%mul3A_201, %dma_wait3A_208] : memref<10008x64xf32, #tpu.memory_space<vmem_shared>> -> memref<80x64xf32, #tpu.memory_space<vmem_shared>>
          tpu.wait_dma2 semaphore(%run_scoped3A : memref<!tpu.dma_semaphore, #tpu.memory_space<semaphore_mem>>) src(%arg10 : memref<80x64xf32, #tpu.memory_space<vmem>>) dst(%dma_wait3A_209 : memref<80x64xf32, #tpu.memory_space<vmem_shared>>)
          tpu.yield
        }) : () -> ()
      } else {
      }
    }
    %scan3A_32 = arith.constant 8 : i32
    %dma_wait3A = arith.constant 0 : i32
    %dma_wait3A_33 = arith.constant 0 : i32
    %dma_wait3A_34 = arith.constant 0 : i32
    %dma_wait3A_35 = arith.constant 0 : i32
    %dma_wait3A_36 = tpu.memref_slice %arg3[%dma_wait3A, %arg1, %dma_wait3A_34, %dma_wait3A_35] : memref<2x16x250x80xi32, #tpu.memory_space<hbm>> -> memref<1x1x250x80xi32, #tpu.memory_space<hbm>>
    %dma_wait3A_37 = tpu.memref_squeeze %dma_wait3A_36 : memref<1x1x250x80xi32, #tpu.memory_space<hbm>> -> memref<250x80xi32, #tpu.memory_space<hbm>>
    %dma_wait3A_38 = tpu.memref_slice %arg13[%dma_wait3A_33] : memref<2x!tpu.dma_semaphore, #tpu.memory_space<semaphore_mem>> -> memref<1x!tpu.dma_semaphore, #tpu.memory_space<semaphore_mem>>
    %dma_wait3A_39 = tpu.memref_squeeze %dma_wait3A_38 : memref<1x!tpu.dma_semaphore, #tpu.memory_space<semaphore_mem>> -> memref<!tpu.dma_semaphore, #tpu.memory_space<semaphore_mem>>
    %dma_wait3A_40 = arith.constant 0 : i32
    %dma_wait3A_41 = arith.constant 0 : i32
    %dma_wait3A_42 = tpu.memref_slice %arg3[%dma_wait3A, %arg1, %dma_wait3A_40, %dma_wait3A_41] : memref<2x16x250x80xi32, #tpu.memory_space<hbm>> -> memref<1x1x250x80xi32, #tpu.memory_space<hbm>>
    %dma_wait3A_43 = tpu.memref_squeeze %dma_wait3A_42 : memref<1x1x250x80xi32, #tpu.memory_space<hbm>> -> memref<250x80xi32, #tpu.memory_space<hbm>>
    tpu.wait_dma2 semaphore(%dma_wait3A_39 : memref<!tpu.dma_semaphore, #tpu.memory_space<semaphore_mem>>) src(%dma_wait3A_43 : memref<250x80xi32, #tpu.memory_space<hbm>>) dst(%arg7 : memref<250x80xi32, #tpu.memory_space<vmem>>)
    %dma_wait3A_44 = arith.constant 1 : i32
    %dma_wait3A_45 = arith.constant 1 : i32
    %dma_wait3A_46 = arith.constant 0 : i32
    %dma_wait3A_47 = arith.constant 0 : i32
    %dma_wait3A_48 = tpu.memref_slice %arg3[%dma_wait3A_44, %arg1, %dma_wait3A_46, %dma_wait3A_47] : memref<2x16x250x80xi32, #tpu.memory_space<hbm>> -> memref<1x1x250x80xi32, #tpu.memory_space<hbm>>
    %dma_wait3A_49 = tpu.memref_squeeze %dma_wait3A_48 : memref<1x1x250x80xi32, #tpu.memory_space<hbm>> -> memref<250x80xi32, #tpu.memory_space<hbm>>
    %dma_wait3A_50 = tpu.memref_slice %arg13[%dma_wait3A_45] : memref<2x!tpu.dma_semaphore, #tpu.memory_space<semaphore_mem>> -> memref<1x!tpu.dma_semaphore, #tpu.memory_space<semaphore_mem>>
    %dma_wait3A_51 = tpu.memref_squeeze %dma_wait3A_50 : memref<1x!tpu.dma_semaphore, #tpu.memory_space<semaphore_mem>> -> memref<!tpu.dma_semaphore, #tpu.memory_space<semaphore_mem>>
    %dma_wait3A_52 = arith.constant 0 : i32
    %dma_wait3A_53 = arith.constant 0 : i32
    %dma_wait3A_54 = tpu.memref_slice %arg3[%dma_wait3A_44, %arg1, %dma_wait3A_52, %dma_wait3A_53] : memref<2x16x250x80xi32, #tpu.memory_space<hbm>> -> memref<1x1x250x80xi32, #tpu.memory_space<hbm>>
    %dma_wait3A_55 = tpu.memref_squeeze %dma_wait3A_54 : memref<1x1x250x80xi32, #tpu.memory_space<hbm>> -> memref<250x80xi32, #tpu.memory_space<hbm>>
    tpu.wait_dma2 semaphore(%dma_wait3A_51 : memref<!tpu.dma_semaphore, #tpu.memory_space<semaphore_mem>>) src(%dma_wait3A_55 : memref<250x80xi32, #tpu.memory_space<hbm>>) dst(%arg8 : memref<250x80xi32, #tpu.memory_space<vmem>>)
    %scan3A_56 = arith.constant 0 : i32
    %scan3A_57 = arith.constant 250 : i32
    %scan3A_58 = arith.addi %scan3A_56, %scan3A_57 : i32
    %scan3A_59 = arith.constant 1 : i32
    scf.for %scan3A_192 = %scan3A_56 to %scan3A_58 step %scan3A_59  : i32 {
      %mul3A = arith.constant 1 : i32
      %mul3A_193 = arith.muli %scan3A_192, %mul3A : i32
      %add3A = arith.constant 0 : i32
      %add3A_194 = arith.addi %add3A, %mul3A_193 : i32
      %get3A = arith.index_cast %add3A_194 : i32 to index
      %get3A_195 = arith.constant 0 : index
      %get3A_196 = tpu.vector_load %arg7[%get3A, %get3A_195] {strides = array<i32>} : memref<250x80xi32, #tpu.memory_space<vmem>>, vector<1x16xi32>,
      %get3A_197 = vector.shape_cast %get3A_196 : vector<1x16xi32> to vector<16xi32>
      %mul3A_198 = arith.constant 2 : i32
      %mul3A_199 = vector.broadcast %mul3A_198 : i32 to vector<16xi32>
      %mul3A_200 = arith.muli %get3A_197, %mul3A_199 : vector<16xi32>
      %add3A_201 = vector.broadcast %arg0 : i32 to vector<16xi32>
      %add3A_202 = arith.addi %mul3A_200, %add3A_201 : vector<16xi32>
      %swap3A = arith.index_cast %add3A_194 : i32 to index
      %swap3A_203 = arith.constant 0 : index
      %swap3A_204 = tpu.vector_load %arg7[%swap3A, %swap3A_203] {strides = array<i32>} : memref<250x80xi32, #tpu.memory_space<vmem>>, vector<1x16xi32>,
      %swap3A_205 = vector.shape_cast %swap3A_204 : vector<1x16xi32> to vector<16xi32>
      %swap3A_206 = vector.shape_cast %add3A_202 : vector<16xi32> to vector<1x16xi32>
      tpu.vector_store %arg7[%swap3A, %swap3A_203], %swap3A_206 {strides = array<i32>} : memref<250x80xi32, #tpu.memory_space<vmem>>, vector<1x16xi32>,
      %get3A_207 = arith.index_cast %add3A_194 : i32 to index
      %get3A_208 = arith.constant 16 : index
      %get3A_209 = tpu.vector_load %arg7[%get3A_207, %get3A_208] {strides = array<i32>} : memref<250x80xi32, #tpu.memory_space<vmem>>, vector<1x16xi32>,
      %get3A_210 = vector.shape_cast %get3A_209 : vector<1x16xi32> to vector<16xi32>
      %mul3A_211 = arith.constant 2 : i32
      %mul3A_212 = vector.broadcast %mul3A_211 : i32 to vector<16xi32>
      %mul3A_213 = arith.muli %get3A_210, %mul3A_212 : vector<16xi32>
      %add3A_214 = vector.broadcast %arg0 : i32 to vector<16xi32>
      %add3A_215 = arith.addi %mul3A_213, %add3A_214 : vector<16xi32>
      %swap3A_216 = arith.index_cast %add3A_194 : i32 to index
      %swap3A_217 = arith.constant 16 : index
      %swap3A_218 = tpu.vector_load %arg7[%swap3A_216, %swap3A_217] {strides = array<i32>} : memref<250x80xi32, #tpu.memory_space<vmem>>, vector<1x16xi32>,
      %swap3A_219 = vector.shape_cast %swap3A_218 : vector<1x16xi32> to vector<16xi32>
      %swap3A_220 = vector.shape_cast %add3A_215 : vector<16xi32> to vector<1x16xi32>
      tpu.vector_store %arg7[%swap3A_216, %swap3A_217], %swap3A_220 {strides = array<i32>} : memref<250x80xi32, #tpu.memory_space<vmem>>, vector<1x16xi32>,
      %get3A_221 = arith.index_cast %add3A_194 : i32 to index
      %get3A_222 = arith.constant 32 : index
      %get3A_223 = tpu.vector_load %arg7[%get3A_221, %get3A_222] {strides = array<i32>} : memref<250x80xi32, #tpu.memory_space<vmem>>, vector<1x16xi32>,
      %get3A_224 = vector.shape_cast %get3A_223 : vector<1x16xi32> to vector<16xi32>
      %mul3A_225 = arith.constant 2 : i32
      %mul3A_226 = vector.broadcast %mul3A_225 : i32 to vector<16xi32>
      %mul3A_227 = arith.muli %get3A_224, %mul3A_226 : vector<16xi32>
      %add3A_228 = vector.broadcast %arg0 : i32 to vector<16xi32>
      %add3A_229 = arith.addi %mul3A_227, %add3A_228 : vector<16xi32>
      %swap3A_230 = arith.index_cast %add3A_194 : i32 to index
      %swap3A_231 = arith.constant 32 : index
      %swap3A_232 = tpu.vector_load %arg7[%swap3A_230, %swap3A_231] {strides = array<i32>} : memref<250x80xi32, #tpu.memory_space<vmem>>, vector<1x16xi32>,
      %swap3A_233 = vector.shape_cast %swap3A_232 : vector<1x16xi32> to vector<16xi32>
      %swap3A_234 = vector.shape_cast %add3A_229 : vector<16xi32> to vector<1x16xi32>
      tpu.vector_store %arg7[%swap3A_230, %swap3A_231], %swap3A_234 {strides = array<i32>} : memref<250x80xi32, #tpu.memory_space<vmem>>, vector<1x16xi32>,
      %get3A_235 = arith.index_cast %add3A_194 : i32 to index
      %get3A_236 = arith.constant 48 : index
      %get3A_237 = tpu.vector_load %arg7[%get3A_235, %get3A_236] {strides = array<i32>} : memref<250x80xi32, #tpu.memory_space<vmem>>, vector<1x16xi32>,
      %get3A_238 = vector.shape_cast %get3A_237 : vector<1x16xi32> to vector<16xi32>
      %mul3A_239 = arith.constant 2 : i32
      %mul3A_240 = vector.broadcast %mul3A_239 : i32 to vector<16xi32>
      %mul3A_241 = arith.muli %get3A_238, %mul3A_240 : vector<16xi32>
      %add3A_242 = vector.broadcast %arg0 : i32 to vector<16xi32>
      %add3A_243 = arith.addi %mul3A_241, %add3A_242 : vector<16xi32>
      %swap3A_244 = arith.index_cast %add3A_194 : i32 to index
      %swap3A_245 = arith.constant 48 : index
      %swap3A_246 = tpu.vector_load %arg7[%swap3A_244, %swap3A_245] {strides = array<i32>} : memref<250x80xi32, #tpu.memory_space<vmem>>, vector<1x16xi32>,
      %swap3A_247 = vector.shape_cast %swap3A_246 : vector<1x16xi32> to vector<16xi32>
      %swap3A_248 = vector.shape_cast %add3A_243 : vector<16xi32> to vector<1x16xi32>
      tpu.vector_store %arg7[%swap3A_244, %swap3A_245], %swap3A_248 {strides = array<i32>} : memref<250x80xi32, #tpu.memory_space<vmem>>, vector<1x16xi32>,
      %get3A_249 = arith.index_cast %add3A_194 : i32 to index
      %get3A_250 = arith.constant 64 : index
      %get3A_251 = tpu.vector_load %arg7[%get3A_249, %get3A_250] {strides = array<i32>} : memref<250x80xi32, #tpu.memory_space<vmem>>, vector<1x16xi32>,
      %get3A_252 = vector.shape_cast %get3A_251 : vector<1x16xi32> to vector<16xi32>
      %mul3A_253 = arith.constant 2 : i32
      %mul3A_254 = vector.broadcast %mul3A_253 : i32 to vector<16xi32>
      %mul3A_255 = arith.muli %get3A_252, %mul3A_254 : vector<16xi32>
      %add3A_256 = vector.broadcast %arg0 : i32 to vector<16xi32>
      %add3A_257 = arith.addi %mul3A_255, %add3A_256 : vector<16xi32>
      %swap3A_258 = arith.index_cast %add3A_194 : i32 to index
      %swap3A_259 = arith.constant 64 : index
      %swap3A_260 = tpu.vector_load %arg7[%swap3A_258, %swap3A_259] {strides = array<i32>} : memref<250x80xi32, #tpu.memory_space<vmem>>, vector<1x16xi32>,
      %swap3A_261 = vector.shape_cast %swap3A_260 : vector<1x16xi32> to vector<16xi32>
      %swap3A_262 = vector.shape_cast %add3A_257 : vector<16xi32> to vector<1x16xi32>
      tpu.vector_store %arg7[%swap3A_258, %swap3A_259], %swap3A_262 {strides = array<i32>} : memref<250x80xi32, #tpu.memory_space<vmem>>, vector<1x16xi32>,
    }
    %scan3A_60 = arith.constant 250 : i32
    %barrier3A = arith.constant 0 : index
    tpu.barrier barrier_id(%barrier3A)
    %dma_start3A_61 = arith.constant 0 : i32
    %dma_start3A_62 = arith.constant 0 : i32
    %dma_start3A_63 = arith.constant 0 : i32
    %dma_start3A_64 = arith.constant 0 : i32
    %dma_start3A_65 = arith.constant 0 : i32
    %dma_start3A_66 = tpu.memref_slice %arg9[%dma_start3A_62, %dma_start3A_64, %dma_start3A_65] : memref<5x80x64xf32, #tpu.memory_space<vmem>> -> memref<1x80x64xf32, #tpu.memory_space<vmem>>
    %dma_start3A_67 = tpu.memref_squeeze %dma_start3A_66 : memref<1x80x64xf32, #tpu.memory_space<vmem>> -> memref<80x64xf32, #tpu.memory_space<vmem>>
    %dma_start3A_68 = arith.constant 0 : i32
    %dma_start3A_69 = tpu.memref_slice %arg7[%dma_start3A_61, %dma_start3A_68] : memref<250x80xi32, #tpu.memory_space<vmem>> -> memref<1x80xi32, #tpu.memory_space<vmem>>
    %dma_start3A_70 = tpu.memref_squeeze %dma_start3A_69 : memref<1x80xi32, #tpu.memory_space<vmem>> -> memref<80xi32, #tpu.memory_space<vmem>>
    %dma_start3A_71 = arith.constant 0 : i32
    %dma_start3A_72 = arith.constant 0 : i32
    %dma_start3A_73 = tpu.memref_slice %arg2[%dma_start3A_71, %dma_start3A_72] : memref<20000x64xf32, #tpu.memory_space<hbm>> -> memref<20000x64xf32, #tpu.memory_space<hbm>>
    %dma_start3A_74 = tpu.memref_slice %arg11[%dma_start3A_63] : memref<5x!tpu.dma_semaphore, #tpu.memory_space<semaphore_mem>> -> memref<1x!tpu.dma_semaphore, #tpu.memory_space<semaphore_mem>>
    %dma_start3A_75 = tpu.memref_squeeze %dma_start3A_74 : memref<1x!tpu.dma_semaphore, #tpu.memory_space<semaphore_mem>> -> memref<!tpu.dma_semaphore, #tpu.memory_space<semaphore_mem>>
    tpu.enqueue_indirect_dma source(%dma_start3A_73 : memref<20000x64xf32, #tpu.memory_space<hbm>>) target(%dma_start3A_67 : memref<80x64xf32, #tpu.memory_space<vmem>>) offsets(%dma_start3A_70 : memref<80xi32, #tpu.memory_space<vmem>>) semaphore(%dma_start3A_75 : memref<!tpu.dma_semaphore, #tpu.memory_space<semaphore_mem>>)
    %dma_start3A_76 = arith.constant 1 : i32
    %dma_start3A_77 = arith.constant 1 : i32
    %dma_start3A_78 = arith.constant 1 : i32
    %dma_start3A_79 = arith.constant 0 : i32
    %dma_start3A_80 = arith.constant 0 : i32
    %dma_start3A_81 = tpu.memref_slice %arg9[%dma_start3A_77, %dma_start3A_79, %dma_start3A_80] : memref<5x80x64xf32, #tpu.memory_space<vmem>> -> memref<1x80x64xf32, #tpu.memory_space<vmem>>
    %dma_start3A_82 = tpu.memref_squeeze %dma_start3A_81 : memref<1x80x64xf32, #tpu.memory_space<vmem>> -> memref<80x64xf32, #tpu.memory_space<vmem>>
    %dma_start3A_83 = arith.constant 0 : i32
    %dma_start3A_84 = tpu.memref_slice %arg7[%dma_start3A_76, %dma_start3A_83] : memref<250x80xi32, #tpu.memory_space<vmem>> -> memref<1x80xi32, #tpu.memory_space<vmem>>
    %dma_start3A_85 = tpu.memref_squeeze %dma_start3A_84 : memref<1x80xi32, #tpu.memory_space<vmem>> -> memref<80xi32, #tpu.memory_space<vmem>>
    %dma_start3A_86 = arith.constant 0 : i32
    %dma_start3A_87 = arith.constant 0 : i32
    %dma_start3A_88 = tpu.memref_slice %arg2[%dma_start3A_86, %dma_start3A_87] : memref<20000x64xf32, #tpu.memory_space<hbm>> -> memref<20000x64xf32, #tpu.memory_space<hbm>>
    %dma_start3A_89 = tpu.memref_slice %arg11[%dma_start3A_78] : memref<5x!tpu.dma_semaphore, #tpu.memory_space<semaphore_mem>> -> memref<1x!tpu.dma_semaphore, #tpu.memory_space<semaphore_mem>>
    %dma_start3A_90 = tpu.memref_squeeze %dma_start3A_89 : memref<1x!tpu.dma_semaphore, #tpu.memory_space<semaphore_mem>> -> memref<!tpu.dma_semaphore, #tpu.memory_space<semaphore_mem>>
    tpu.enqueue_indirect_dma source(%dma_start3A_88 : memref<20000x64xf32, #tpu.memory_space<hbm>>) target(%dma_start3A_82 : memref<80x64xf32, #tpu.memory_space<vmem>>) offsets(%dma_start3A_85 : memref<80xi32, #tpu.memory_space<vmem>>) semaphore(%dma_start3A_90 : memref<!tpu.dma_semaphore, #tpu.memory_space<semaphore_mem>>)
    %dma_start3A_91 = arith.constant 2 : i32
    %dma_start3A_92 = arith.constant 2 : i32
    %dma_start3A_93 = arith.constant 2 : i32
    %dma_start3A_94 = arith.constant 0 : i32
    %dma_start3A_95 = arith.constant 0 : i32
    %dma_start3A_96 = tpu.memref_slice %arg9[%dma_start3A_92, %dma_start3A_94, %dma_start3A_95] : memref<5x80x64xf32, #tpu.memory_space<vmem>> -> memref<1x80x64xf32, #tpu.memory_space<vmem>>
    %dma_start3A_97 = tpu.memref_squeeze %dma_start3A_96 : memref<1x80x64xf32, #tpu.memory_space<vmem>> -> memref<80x64xf32, #tpu.memory_space<vmem>>
    %dma_start3A_98 = arith.constant 0 : i32
    %dma_start3A_99 = tpu.memref_slice %arg7[%dma_start3A_91, %dma_start3A_98] : memref<250x80xi32, #tpu.memory_space<vmem>> -> memref<1x80xi32, #tpu.memory_space<vmem>>
    %dma_start3A_100 = tpu.memref_squeeze %dma_start3A_99 : memref<1x80xi32, #tpu.memory_space<vmem>> -> memref<80xi32, #tpu.memory_space<vmem>>
    %dma_start3A_101 = arith.constant 0 : i32
    %dma_start3A_102 = arith.constant 0 : i32
    %dma_start3A_103 = tpu.memref_slice %arg2[%dma_start3A_101, %dma_start3A_102] : memref<20000x64xf32, #tpu.memory_space<hbm>> -> memref<20000x64xf32, #tpu.memory_space<hbm>>
    %dma_start3A_104 = tpu.memref_slice %arg11[%dma_start3A_93] : memref<5x!tpu.dma_semaphore, #tpu.memory_space<semaphore_mem>> -> memref<1x!tpu.dma_semaphore, #tpu.memory_space<semaphore_mem>>
    %dma_start3A_105 = tpu.memref_squeeze %dma_start3A_104 : memref<1x!tpu.dma_semaphore, #tpu.memory_space<semaphore_mem>> -> memref<!tpu.dma_semaphore, #tpu.memory_space<semaphore_mem>>
    tpu.enqueue_indirect_dma source(%dma_start3A_103 : memref<20000x64xf32, #tpu.memory_space<hbm>>) target(%dma_start3A_97 : memref<80x64xf32, #tpu.memory_space<vmem>>) offsets(%dma_start3A_100 : memref<80xi32, #tpu.memory_space<vmem>>) semaphore(%dma_start3A_105 : memref<!tpu.dma_semaphore, #tpu.memory_space<semaphore_mem>>)
    %scan3A_106 = arith.constant 0 : i32
    %scan3A_107 = arith.constant 50 : i32
    %scan3A_108 = arith.addi %scan3A_106, %scan3A_107 : i32
    %scan3A_109 = arith.constant 1 : i32
    scf.for %scan3A_192 = %scan3A_106 to %scan3A_108 step %scan3A_109  : i32 {
      %mul3A = arith.constant 5 : i32
      %mul3A_193 = arith.muli %scan3A_192, %mul3A : i32
      %add3A = arith.constant 0 : i32
      %add3A_194 = arith.addi %add3A, %mul3A_193 : i32
      %add3A_195 = arith.constant 0 : i32
      %add3A_196 = arith.addi %add3A_194, %add3A_195 : i32
      %add3A_197 = arith.constant 3 : i32
      %add3A_198 = arith.addi %add3A_196, %add3A_197 : i32
      %lt3A = arith.constant 250 : i32
      %lt3A_199 = arith.cmpi slt, %add3A_198, %lt3A : i32
      %convert_element_type3A = arith.extui %lt3A_199 : i1 to i32
      %cond3A = arith.constant 0 : i32
      %cond3A_200 = arith.cmpi ne, %convert_element_type3A, %cond3A : i32
      scf.if %cond3A_200 {
        %add3A_377 = arith.constant 3 : i32
        %add3A_378 = arith.addi %add3A_196, %add3A_377 : i32
        %sub3A = arith.constant 5 : i32
        %sub3A_379 = arith.subi %add3A_378, %sub3A : i32
        %ge3A = arith.constant 0 : i32
        %ge3A_380 = arith.cmpi sge, %sub3A_379, %ge3A : i32
        %convert_element_type3A_381 = arith.extui %ge3A_380 : i1 to i32
        %cond3A_382 = arith.constant 0 : i32
        %cond3A_383 = arith.cmpi ne, %convert_element_type3A_381, %cond3A_382 : i32
        scf.if %cond3A_383 {
          %add3A_400 = arith.constant 3 : i32
          %add3A_401 = arith.addi %add3A_196, %add3A_400 : i32
          %sub3A_402 = arith.constant 5 : i32
          %sub3A_403 = arith.subi %add3A_401, %sub3A_402 : i32
          %dma_wait3A_404 = arith.constant 3 : i32
          %dma_wait3A_405 = arith.constant 3 : i32
          %dma_wait3A_406 = arith.constant 0 : i32
          %dma_wait3A_407 = arith.constant 0 : i32
          %dma_wait3A_408 = tpu.memref_slice %arg9[%dma_wait3A_404, %dma_wait3A_406, %dma_wait3A_407] : memref<5x80x64xf32, #tpu.memory_space<vmem>> -> memref<1x80x64xf32, #tpu.memory_space<vmem>>
          %dma_wait3A_409 = tpu.memref_squeeze %dma_wait3A_408 : memref<1x80x64xf32, #tpu.memory_space<vmem>> -> memref<80x64xf32, #tpu.memory_space<vmem>>
          %dma_wait3A_410 = arith.constant 0 : i32
          %dma_wait3A_411 = tpu.memref_slice %arg8[%sub3A_403, %dma_wait3A_410] : memref<250x80xi32, #tpu.memory_space<vmem>> -> memref<1x80xi32, #tpu.memory_space<vmem>>
          %dma_wait3A_412 = tpu.memref_squeeze %dma_wait3A_411 : memref<1x80xi32, #tpu.memory_space<vmem>> -> memref<80xi32, #tpu.memory_space<vmem>>
          %dma_wait3A_413 = arith.constant 0 : i32
          %dma_wait3A_414 = arith.constant 0 : i32
          %dma_wait3A_415 = tpu.memref_slice %arg14[%dma_wait3A_413, %dma_wait3A_414] : memref<10008x64xf32, #tpu.memory_space<vmem_shared>> -> memref<10008x64xf32, #tpu.memory_space<vmem_shared>>
          %dma_wait3A_416 = tpu.memref_slice %arg12[%dma_wait3A_405] : memref<5x!tpu.dma_semaphore, #tpu.memory_space<semaphore_mem>> -> memref<1x!tpu.dma_semaphore, #tpu.memory_space<semaphore_mem>>
          %dma_wait3A_417 = tpu.memref_squeeze %dma_wait3A_416 : memref<1x!tpu.dma_semaphore, #tpu.memory_space<semaphore_mem>> -> memref<!tpu.dma_semaphore, #tpu.memory_space<semaphore_mem>>
          tpu.wait_indirect_dma semaphore(%dma_wait3A_417 : memref<!tpu.dma_semaphore, #tpu.memory_space<semaphore_mem>>) src(%dma_wait3A_409 : memref<80x64xf32, #tpu.memory_space<vmem>>) dst(%dma_wait3A_415 : memref<10008x64xf32, #tpu.memory_space<vmem_shared>>)
        } else {
        }
        %add3A_384 = arith.constant 3 : i32
        %add3A_385 = arith.addi %add3A_196, %add3A_384 : i32
        %dma_start3A_386 = arith.constant 3 : i32
        %dma_start3A_387 = arith.constant 3 : i32
        %dma_start3A_388 = arith.constant 0 : i32
        %dma_start3A_389 = arith.constant 0 : i32
        %dma_start3A_390 = tpu.memref_slice %arg9[%dma_start3A_386, %dma_start3A_388, %dma_start3A_389] : memref<5x80x64xf32, #tpu.memory_space<vmem>> -> memref<1x80x64xf32, #tpu.memory_space<vmem>>
        %dma_start3A_391 = tpu.memref_squeeze %dma_start3A_390 : memref<1x80x64xf32, #tpu.memory_space<vmem>> -> memref<80x64xf32, #tpu.memory_space<vmem>>
        %dma_start3A_392 = arith.constant 0 : i32
        %dma_start3A_393 = tpu.memref_slice %arg7[%add3A_385, %dma_start3A_392] : memref<250x80xi32, #tpu.memory_space<vmem>> -> memref<1x80xi32, #tpu.memory_space<vmem>>
        %dma_start3A_394 = tpu.memref_squeeze %dma_start3A_393 : memref<1x80xi32, #tpu.memory_space<vmem>> -> memref<80xi32, #tpu.memory_space<vmem>>
        %dma_start3A_395 = arith.constant 0 : i32
        %dma_start3A_396 = arith.constant 0 : i32
        %dma_start3A_397 = tpu.memref_slice %arg2[%dma_start3A_395, %dma_start3A_396] : memref<20000x64xf32, #tpu.memory_space<hbm>> -> memref<20000x64xf32, #tpu.memory_space<hbm>>
        %dma_start3A_398 = tpu.memref_slice %arg11[%dma_start3A_387] : memref<5x!tpu.dma_semaphore, #tpu.memory_space<semaphore_mem>> -> memref<1x!tpu.dma_semaphore, #tpu.memory_space<semaphore_mem>>
        %dma_start3A_399 = tpu.memref_squeeze %dma_start3A_398 : memref<1x!tpu.dma_semaphore, #tpu.memory_space<semaphore_mem>> -> memref<!tpu.dma_semaphore, #tpu.memory_space<semaphore_mem>>
        tpu.enqueue_indirect_dma source(%dma_start3A_397 : memref<20000x64xf32, #tpu.memory_space<hbm>>) target(%dma_start3A_391 : memref<80x64xf32, #tpu.memory_space<vmem>>) offsets(%dma_start3A_394 : memref<80xi32, #tpu.memory_space<vmem>>) semaphore(%dma_start3A_399 : memref<!tpu.dma_semaphore, #tpu.memory_space<semaphore_mem>>)
      } else {
      }
      %dma_wait3A_201 = arith.constant 0 : i32
      %dma_wait3A_202 = arith.constant 0 : i32
      %dma_wait3A_203 = arith.constant 0 : i32
      %dma_wait3A_204 = arith.constant 0 : i32
      %dma_wait3A_205 = tpu.memref_slice %arg9[%dma_wait3A_201, %dma_wait3A_203, %dma_wait3A_204] : memref<5x80x64xf32, #tpu.memory_space<vmem>> -> memref<1x80x64xf32, #tpu.memory_space<vmem>>
      %dma_wait3A_206 = tpu.memref_squeeze %dma_wait3A_205 : memref<1x80x64xf32, #tpu.memory_space<vmem>> -> memref<80x64xf32, #tpu.memory_space<vmem>>
      %dma_wait3A_207 = arith.constant 0 : i32
      %dma_wait3A_208 = tpu.memref_slice %arg7[%add3A_196, %dma_wait3A_207] : memref<250x80xi32, #tpu.memory_space<vmem>> -> memref<1x80xi32, #tpu.memory_space<vmem>>
      %dma_wait3A_209 = tpu.memref_squeeze %dma_wait3A_208 : memref<1x80xi32, #tpu.memory_space<vmem>> -> memref<80xi32, #tpu.memory_space<vmem>>
      %dma_wait3A_210 = arith.constant 0 : i32
      %dma_wait3A_211 = arith.constant 0 : i32
      %dma_wait3A_212 = tpu.memref_slice %arg2[%dma_wait3A_210, %dma_wait3A_211] : memref<20000x64xf32, #tpu.memory_space<hbm>> -> memref<20000x64xf32, #tpu.memory_space<hbm>>
      %dma_wait3A_213 = tpu.memref_slice %arg11[%dma_wait3A_202] : memref<5x!tpu.dma_semaphore, #tpu.memory_space<semaphore_mem>> -> memref<1x!tpu.dma_semaphore, #tpu.memory_space<semaphore_mem>>
      %dma_wait3A_214 = tpu.memref_squeeze %dma_wait3A_213 : memref<1x!tpu.dma_semaphore, #tpu.memory_space<semaphore_mem>> -> memref<!tpu.dma_semaphore, #tpu.memory_space<semaphore_mem>>
      tpu.wait_indirect_dma semaphore(%dma_wait3A_214 : memref<!tpu.dma_semaphore, #tpu.memory_space<semaphore_mem>>) src(%dma_wait3A_212 : memref<20000x64xf32, #tpu.memory_space<hbm>>) dst(%dma_wait3A_206 : memref<80x64xf32, #tpu.memory_space<vmem>>)
      %dma_start3A_215 = arith.constant 0 : i32
      %dma_start3A_216 = arith.constant 0 : i32
      %dma_start3A_217 = arith.constant 0 : i32
      %dma_start3A_218 = arith.constant 0 : i32
      %dma_start3A_219 = tpu.memref_slice %arg9[%dma_start3A_215, %dma_start3A_217, %dma_start3A_218] : memref<5x80x64xf32, #tpu.memory_space<vmem>> -> memref<1x80x64xf32, #tpu.memory_space<vmem>>
      %dma_start3A_220 = tpu.memref_squeeze %dma_start3A_219 : memref<1x80x64xf32, #tpu.memory_space<vmem>> -> memref<80x64xf32, #tpu.memory_space<vmem>>
      %dma_start3A_221 = arith.constant 0 : i32
      %dma_start3A_222 = tpu.memref_slice %arg8[%add3A_196, %dma_start3A_221] : memref<250x80xi32, #tpu.memory_space<vmem>> -> memref<1x80xi32, #tpu.memory_space<vmem>>
      %dma_start3A_223 = tpu.memref_squeeze %dma_start3A_222 : memref<1x80xi32, #tpu.memory_space<vmem>> -> memref<80xi32, #tpu.memory_space<vmem>>
      %dma_start3A_224 = arith.constant 0 : i32
      %dma_start3A_225 = arith.constant 0 : i32
      %dma_start3A_226 = tpu.memref_slice %arg14[%dma_start3A_224, %dma_start3A_225] : memref<10008x64xf32, #tpu.memory_space<vmem_shared>> -> memref<10008x64xf32, #tpu.memory_space<vmem_shared>>
      %dma_start3A_227 = tpu.memref_slice %arg12[%dma_start3A_216] : memref<5x!tpu.dma_semaphore, #tpu.memory_space<semaphore_mem>> -> memref<1x!tpu.dma_semaphore, #tpu.memory_space<semaphore_mem>>
      %dma_start3A_228 = tpu.memref_squeeze %dma_start3A_227 : memref<1x!tpu.dma_semaphore, #tpu.memory_space<semaphore_mem>> -> memref<!tpu.dma_semaphore, #tpu.memory_space<semaphore_mem>>
      tpu.enqueue_indirect_dma source(%dma_start3A_220 : memref<80x64xf32, #tpu.memory_space<vmem>>) target(%dma_start3A_226 : memref<10008x64xf32, #tpu.memory_space<vmem_shared>>) offsets(%dma_start3A_223 : memref<80xi32, #tpu.memory_space<vmem>>) semaphore(%dma_start3A_228 : memref<!tpu.dma_semaphore, #tpu.memory_space<semaphore_mem>>) {add = true}
      %add3A_229 = arith.constant 1 : i32
      %add3A_230 = arith.addi %add3A_194, %add3A_229 : i32
      %add3A_231 = arith.constant 3 : i32
      %add3A_232 = arith.addi %add3A_230, %add3A_231 : i32
      %lt3A_233 = arith.constant 250 : i32
      %lt3A_234 = arith.cmpi slt, %add3A_232, %lt3A_233 : i32
      %convert_element_type3A_235 = arith.extui %lt3A_234 : i1 to i32
      %cond3A_236 = arith.constant 0 : i32
      %cond3A_237 = arith.cmpi ne, %convert_element_type3A_235, %cond3A_236 : i32
      scf.if %cond3A_237 {
        %add3A_377 = arith.constant 3 : i32
        %add3A_378 = arith.addi %add3A_230, %add3A_377 : i32
        %sub3A = arith.constant 5 : i32
        %sub3A_379 = arith.subi %add3A_378, %sub3A : i32
        %ge3A = arith.constant 0 : i32
        %ge3A_380 = arith.cmpi sge, %sub3A_379, %ge3A : i32
        %convert_element_type3A_381 = arith.extui %ge3A_380 : i1 to i32
        %cond3A_382 = arith.constant 0 : i32
        %cond3A_383 = arith.cmpi ne, %convert_element_type3A_381, %cond3A_382 : i32
        scf.if %cond3A_383 {
          %add3A_400 = arith.constant 3 : i32
          %add3A_401 = arith.addi %add3A_230, %add3A_400 : i32
          %sub3A_402 = arith.constant 5 : i32
          %sub3A_403 = arith.subi %add3A_401, %sub3A_402 : i32
          %dma_wait3A_404 = arith.constant 4 : i32
          %dma_wait3A_405 = arith.constant 4 : i32
          %dma_wait3A_406 = arith.constant 0 : i32
          %dma_wait3A_407 = arith.constant 0 : i32
          %dma_wait3A_408 = tpu.memref_slice %arg9[%dma_wait3A_404, %dma_wait3A_406, %dma_wait3A_407] : memref<5x80x64xf32, #tpu.memory_space<vmem>> -> memref<1x80x64xf32, #tpu.memory_space<vmem>>
          %dma_wait3A_409 = tpu.memref_squeeze %dma_wait3A_408 : memref<1x80x64xf32, #tpu.memory_space<vmem>> -> memref<80x64xf32, #tpu.memory_space<vmem>>
          %dma_wait3A_410 = arith.constant 0 : i32
          %dma_wait3A_411 = tpu.memref_slice %arg8[%sub3A_403, %dma_wait3A_410] : memref<250x80xi32, #tpu.memory_space<vmem>> -> memref<1x80xi32, #tpu.memory_space<vmem>>
          %dma_wait3A_412 = tpu.memref_squeeze %dma_wait3A_411 : memref<1x80xi32, #tpu.memory_space<vmem>> -> memref<80xi32, #tpu.memory_space<vmem>>
          %dma_wait3A_413 = arith.constant 0 : i32
          %dma_wait3A_414 = arith.constant 0 : i32
          %dma_wait3A_415 = tpu.memref_slice %arg14[%dma_wait3A_413, %dma_wait3A_414] : memref<10008x64xf32, #tpu.memory_space<vmem_shared>> -> memref<10008x64xf32, #tpu.memory_space<vmem_shared>>
          %dma_wait3A_416 = tpu.memref_slice %arg12[%dma_wait3A_405] : memref<5x!tpu.dma_semaphore, #tpu.memory_space<semaphore_mem>> -> memref<1x!tpu.dma_semaphore, #tpu.memory_space<semaphore_mem>>
          %dma_wait3A_417 = tpu.memref_squeeze %dma_wait3A_416 : memref<1x!tpu.dma_semaphore, #tpu.memory_space<semaphore_mem>> -> memref<!tpu.dma_semaphore, #tpu.memory_space<semaphore_mem>>
          tpu.wait_indirect_dma semaphore(%dma_wait3A_417 : memref<!tpu.dma_semaphore, #tpu.memory_space<semaphore_mem>>) src(%dma_wait3A_409 : memref<80x64xf32, #tpu.memory_space<vmem>>) dst(%dma_wait3A_415 : memref<10008x64xf32, #tpu.memory_space<vmem_shared>>)
        } else {
        }
        %add3A_384 = arith.constant 3 : i32
        %add3A_385 = arith.addi %add3A_230, %add3A_384 : i32
        %dma_start3A_386 = arith.constant 4 : i32
        %dma_start3A_387 = arith.constant 4 : i32
        %dma_start3A_388 = arith.constant 0 : i32
        %dma_start3A_389 = arith.constant 0 : i32
        %dma_start3A_390 = tpu.memref_slice %arg9[%dma_start3A_386, %dma_start3A_388, %dma_start3A_389] : memref<5x80x64xf32, #tpu.memory_space<vmem>> -> memref<1x80x64xf32, #tpu.memory_space<vmem>>
        %dma_start3A_391 = tpu.memref_squeeze %dma_start3A_390 : memref<1x80x64xf32, #tpu.memory_space<vmem>> -> memref<80x64xf32, #tpu.memory_space<vmem>>
        %dma_start3A_392 = arith.constant 0 : i32
        %dma_start3A_393 = tpu.memref_slice %arg7[%add3A_385, %dma_start3A_392] : memref<250x80xi32, #tpu.memory_space<vmem>> -> memref<1x80xi32, #tpu.memory_space<vmem>>
        %dma_start3A_394 = tpu.memref_squeeze %dma_start3A_393 : memref<1x80xi32, #tpu.memory_space<vmem>> -> memref<80xi32, #tpu.memory_space<vmem>>
        %dma_start3A_395 = arith.constant 0 : i32
        %dma_start3A_396 = arith.constant 0 : i32
        %dma_start3A_397 = tpu.memref_slice %arg2[%dma_start3A_395, %dma_start3A_396] : memref<20000x64xf32, #tpu.memory_space<hbm>> -> memref<20000x64xf32, #tpu.memory_space<hbm>>
        %dma_start3A_398 = tpu.memref_slice %arg11[%dma_start3A_387] : memref<5x!tpu.dma_semaphore, #tpu.memory_space<semaphore_mem>> -> memref<1x!tpu.dma_semaphore, #tpu.memory_space<semaphore_mem>>
        %dma_start3A_399 = tpu.memref_squeeze %dma_start3A_398 : memref<1x!tpu.dma_semaphore, #tpu.memory_space<semaphore_mem>> -> memref<!tpu.dma_semaphore, #tpu.memory_space<semaphore_mem>>
        tpu.enqueue_indirect_dma source(%dma_start3A_397 : memref<20000x64xf32, #tpu.memory_space<hbm>>) target(%dma_start3A_391 : memref<80x64xf32, #tpu.memory_space<vmem>>) offsets(%dma_start3A_394 : memref<80xi32, #tpu.memory_space<vmem>>) semaphore(%dma_start3A_399 : memref<!tpu.dma_semaphore, #tpu.memory_space<semaphore_mem>>)
      } else {
      }
      %dma_wait3A_238 = arith.constant 1 : i32
      %dma_wait3A_239 = arith.constant 1 : i32
      %dma_wait3A_240 = arith.constant 0 : i32
      %dma_wait3A_241 = arith.constant 0 : i32
      %dma_wait3A_242 = tpu.memref_slice %arg9[%dma_wait3A_238, %dma_wait3A_240, %dma_wait3A_241] : memref<5x80x64xf32, #tpu.memory_space<vmem>> -> memref<1x80x64xf32, #tpu.memory_space<vmem>>
      %dma_wait3A_243 = tpu.memref_squeeze %dma_wait3A_242 : memref<1x80x64xf32, #tpu.memory_space<vmem>> -> memref<80x64xf32, #tpu.memory_space<vmem>>
      %dma_wait3A_244 = arith.constant 0 : i32
      %dma_wait3A_245 = tpu.memref_slice %arg7[%add3A_230, %dma_wait3A_244] : memref<250x80xi32, #tpu.memory_space<vmem>> -> memref<1x80xi32, #tpu.memory_space<vmem>>
      %dma_wait3A_246 = tpu.memref_squeeze %dma_wait3A_245 : memref<1x80xi32, #tpu.memory_space<vmem>> -> memref<80xi32, #tpu.memory_space<vmem>>
      %dma_wait3A_247 = arith.constant 0 : i32
      %dma_wait3A_248 = arith.constant 0 : i32
      %dma_wait3A_249 = tpu.memref_slice %arg2[%dma_wait3A_247, %dma_wait3A_248] : memref<20000x64xf32, #tpu.memory_space<hbm>> -> memref<20000x64xf32, #tpu.memory_space<hbm>>
      %dma_wait3A_250 = tpu.memref_slice %arg11[%dma_wait3A_239] : memref<5x!tpu.dma_semaphore, #tpu.memory_space<semaphore_mem>> -> memref<1x!tpu.dma_semaphore, #tpu.memory_space<semaphore_mem>>
      %dma_wait3A_251 = tpu.memref_squeeze %dma_wait3A_250 : memref<1x!tpu.dma_semaphore, #tpu.memory_space<semaphore_mem>> -> memref<!tpu.dma_semaphore, #tpu.memory_space<semaphore_mem>>
      tpu.wait_indirect_dma semaphore(%dma_wait3A_251 : memref<!tpu.dma_semaphore, #tpu.memory_space<semaphore_mem>>) src(%dma_wait3A_249 : memref<20000x64xf32, #tpu.memory_space<hbm>>) dst(%dma_wait3A_243 : memref<80x64xf32, #tpu.memory_space<vmem>>)
      %dma_start3A_252 = arith.constant 1 : i32
      %dma_start3A_253 = arith.constant 1 : i32
      %dma_start3A_254 = arith.constant 0 : i32
      %dma_start3A_255 = arith.constant 0 : i32
      %dma_start3A_256 = tpu.memref_slice %arg9[%dma_start3A_252, %dma_start3A_254, %dma_start3A_255] : memref<5x80x64xf32, #tpu.memory_space<vmem>> -> memref<1x80x64xf32, #tpu.memory_space<vmem>>
      %dma_start3A_257 = tpu.memref_squeeze %dma_start3A_256 : memref<1x80x64xf32, #tpu.memory_space<vmem>> -> memref<80x64xf32, #tpu.memory_space<vmem>>
      %dma_start3A_258 = arith.constant 0 : i32
      %dma_start3A_259 = tpu.memref_slice %arg8[%add3A_230, %dma_start3A_258] : memref<250x80xi32, #tpu.memory_space<vmem>> -> memref<1x80xi32, #tpu.memory_space<vmem>>
      %dma_start3A_260 = tpu.memref_squeeze %dma_start3A_259 : memref<1x80xi32, #tpu.memory_space<vmem>> -> memref<80xi32, #tpu.memory_space<vmem>>
      %dma_start3A_261 = arith.constant 0 : i32
      %dma_start3A_262 = arith.constant 0 : i32
      %dma_start3A_263 = tpu.memref_slice %arg14[%dma_start3A_261, %dma_start3A_262] : memref<10008x64xf32, #tpu.memory_space<vmem_shared>> -> memref<10008x64xf32, #tpu.memory_space<vmem_shared>>
      %dma_start3A_264 = tpu.memref_slice %arg12[%dma_start3A_253] : memref<5x!tpu.dma_semaphore, #tpu.memory_space<semaphore_mem>> -> memref<1x!tpu.dma_semaphore, #tpu.memory_space<semaphore_mem>>
      %dma_start3A_265 = tpu.memref_squeeze %dma_start3A_264 : memref<1x!tpu.dma_semaphore, #tpu.memory_space<semaphore_mem>> -> memref<!tpu.dma_semaphore, #tpu.memory_space<semaphore_mem>>
      tpu.enqueue_indirect_dma source(%dma_start3A_257 : memref<80x64xf32, #tpu.memory_space<vmem>>) target(%dma_start3A_263 : memref<10008x64xf32, #tpu.memory_space<vmem_shared>>) offsets(%dma_start3A_260 : memref<80xi32, #tpu.memory_space<vmem>>) semaphore(%dma_start3A_265 : memref<!tpu.dma_semaphore, #tpu.memory_space<semaphore_mem>>) {add = true}
      %add3A_266 = arith.constant 2 : i32
      %add3A_267 = arith.addi %add3A_194, %add3A_266 : i32
      %add3A_268 = arith.constant 3 : i32
      %add3A_269 = arith.addi %add3A_267, %add3A_268 : i32
      %lt3A_270 = arith.constant 250 : i32
      %lt3A_271 = arith.cmpi slt, %add3A_269, %lt3A_270 : i32
      %convert_element_type3A_272 = arith.extui %lt3A_271 : i1 to i32
      %cond3A_273 = arith.constant 0 : i32
      %cond3A_274 = arith.cmpi ne, %convert_element_type3A_272, %cond3A_273 : i32
      scf.if %cond3A_274 {
        %add3A_377 = arith.constant 3 : i32
        %add3A_378 = arith.addi %add3A_267, %add3A_377 : i32
        %sub3A = arith.constant 5 : i32
        %sub3A_379 = arith.subi %add3A_378, %sub3A : i32
        %ge3A = arith.constant 0 : i32
        %ge3A_380 = arith.cmpi sge, %sub3A_379, %ge3A : i32
        %convert_element_type3A_381 = arith.extui %ge3A_380 : i1 to i32
        %cond3A_382 = arith.constant 0 : i32
        %cond3A_383 = arith.cmpi ne, %convert_element_type3A_381, %cond3A_382 : i32
        scf.if %cond3A_383 {
          %add3A_400 = arith.constant 3 : i32
          %add3A_401 = arith.addi %add3A_267, %add3A_400 : i32
          %sub3A_402 = arith.constant 5 : i32
          %sub3A_403 = arith.subi %add3A_401, %sub3A_402 : i32
          %dma_wait3A_404 = arith.constant 0 : i32
          %dma_wait3A_405 = arith.constant 0 : i32
          %dma_wait3A_406 = arith.constant 0 : i32
          %dma_wait3A_407 = arith.constant 0 : i32
          %dma_wait3A_408 = tpu.memref_slice %arg9[%dma_wait3A_404, %dma_wait3A_406, %dma_wait3A_407] : memref<5x80x64xf32, #tpu.memory_space<vmem>> -> memref<1x80x64xf32, #tpu.memory_space<vmem>>
          %dma_wait3A_409 = tpu.memref_squeeze %dma_wait3A_408 : memref<1x80x64xf32, #tpu.memory_space<vmem>> -> memref<80x64xf32, #tpu.memory_space<vmem>>
          %dma_wait3A_410 = arith.constant 0 : i32
          %dma_wait3A_411 = tpu.memref_slice %arg8[%sub3A_403, %dma_wait3A_410] : memref<250x80xi32, #tpu.memory_space<vmem>> -> memref<1x80xi32, #tpu.memory_space<vmem>>
          %dma_wait3A_412 = tpu.memref_squeeze %dma_wait3A_411 : memref<1x80xi32, #tpu.memory_space<vmem>> -> memref<80xi32, #tpu.memory_space<vmem>>
          %dma_wait3A_413 = arith.constant 0 : i32
          %dma_wait3A_414 = arith.constant 0 : i32
          %dma_wait3A_415 = tpu.memref_slice %arg14[%dma_wait3A_413, %dma_wait3A_414] : memref<10008x64xf32, #tpu.memory_space<vmem_shared>> -> memref<10008x64xf32, #tpu.memory_space<vmem_shared>>
          %dma_wait3A_416 = tpu.memref_slice %arg12[%dma_wait3A_405] : memref<5x!tpu.dma_semaphore, #tpu.memory_space<semaphore_mem>> -> memref<1x!tpu.dma_semaphore, #tpu.memory_space<semaphore_mem>>
          %dma_wait3A_417 = tpu.memref_squeeze %dma_wait3A_416 : memref<1x!tpu.dma_semaphore, #tpu.memory_space<semaphore_mem>> -> memref<!tpu.dma_semaphore, #tpu.memory_space<semaphore_mem>>
          tpu.wait_indirect_dma semaphore(%dma_wait3A_417 : memref<!tpu.dma_semaphore, #tpu.memory_space<semaphore_mem>>) src(%dma_wait3A_409 : memref<80x64xf32, #tpu.memory_space<vmem>>) dst(%dma_wait3A_415 : memref<10008x64xf32, #tpu.memory_space<vmem_shared>>)
        } else {
        }
        %add3A_384 = arith.constant 3 : i32
        %add3A_385 = arith.addi %add3A_267, %add3A_384 : i32
        %dma_start3A_386 = arith.constant 0 : i32
        %dma_start3A_387 = arith.constant 0 : i32
        %dma_start3A_388 = arith.constant 0 : i32
        %dma_start3A_389 = arith.constant 0 : i32
        %dma_start3A_390 = tpu.memref_slice %arg9[%dma_start3A_386, %dma_start3A_388, %dma_start3A_389] : memref<5x80x64xf32, #tpu.memory_space<vmem>> -> memref<1x80x64xf32, #tpu.memory_space<vmem>>
        %dma_start3A_391 = tpu.memref_squeeze %dma_start3A_390 : memref<1x80x64xf32, #tpu.memory_space<vmem>> -> memref<80x64xf32, #tpu.memory_space<vmem>>
        %dma_start3A_392 = arith.constant 0 : i32
        %dma_start3A_393 = tpu.memref_slice %arg7[%add3A_385, %dma_start3A_392] : memref<250x80xi32, #tpu.memory_space<vmem>> -> memref<1x80xi32, #tpu.memory_space<vmem>>
        %dma_start3A_394 = tpu.memref_squeeze %dma_start3A_393 : memref<1x80xi32, #tpu.memory_space<vmem>> -> memref<80xi32, #tpu.memory_space<vmem>>
        %dma_start3A_395 = arith.constant 0 : i32
        %dma_start3A_396 = arith.constant 0 : i32
        %dma_start3A_397 = tpu.memref_slice %arg2[%dma_start3A_395, %dma_start3A_396] : memref<20000x64xf32, #tpu.memory_space<hbm>> -> memref<20000x64xf32, #tpu.memory_space<hbm>>
        %dma_start3A_398 = tpu.memref_slice %arg11[%dma_start3A_387] : memref<5x!tpu.dma_semaphore, #tpu.memory_space<semaphore_mem>> -> memref<1x!tpu.dma_semaphore, #tpu.memory_space<semaphore_mem>>
        %dma_start3A_399 = tpu.memref_squeeze %dma_start3A_398 : memref<1x!tpu.dma_semaphore, #tpu.memory_space<semaphore_mem>> -> memref<!tpu.dma_semaphore, #tpu.memory_space<semaphore_mem>>
        tpu.enqueue_indirect_dma source(%dma_start3A_397 : memref<20000x64xf32, #tpu.memory_space<hbm>>) target(%dma_start3A_391 : memref<80x64xf32, #tpu.memory_space<vmem>>) offsets(%dma_start3A_394 : memref<80xi32, #tpu.memory_space<vmem>>) semaphore(%dma_start3A_399 : memref<!tpu.dma_semaphore, #tpu.memory_space<semaphore_mem>>)
      } else {
      }
      %dma_wait3A_275 = arith.constant 2 : i32
      %dma_wait3A_276 = arith.constant 2 : i32
      %dma_wait3A_277 = arith.constant 0 : i32
      %dma_wait3A_278 = arith.constant 0 : i32
      %dma_wait3A_279 = tpu.memref_slice %arg9[%dma_wait3A_275, %dma_wait3A_277, %dma_wait3A_278] : memref<5x80x64xf32, #tpu.memory_space<vmem>> -> memref<1x80x64xf32, #tpu.memory_space<vmem>>
      %dma_wait3A_280 = tpu.memref_squeeze %dma_wait3A_279 : memref<1x80x64xf32, #tpu.memory_space<vmem>> -> memref<80x64xf32, #tpu.memory_space<vmem>>
      %dma_wait3A_281 = arith.constant 0 : i32
      %dma_wait3A_282 = tpu.memref_slice %arg7[%add3A_267, %dma_wait3A_281] : memref<250x80xi32, #tpu.memory_space<vmem>> -> memref<1x80xi32, #tpu.memory_space<vmem>>
      %dma_wait3A_283 = tpu.memref_squeeze %dma_wait3A_282 : memref<1x80xi32, #tpu.memory_space<vmem>> -> memref<80xi32, #tpu.memory_space<vmem>>
      %dma_wait3A_284 = arith.constant 0 : i32
      %dma_wait3A_285 = arith.constant 0 : i32
      %dma_wait3A_286 = tpu.memref_slice %arg2[%dma_wait3A_284, %dma_wait3A_285] : memref<20000x64xf32, #tpu.memory_space<hbm>> -> memref<20000x64xf32, #tpu.memory_space<hbm>>
      %dma_wait3A_287 = tpu.memref_slice %arg11[%dma_wait3A_276] : memref<5x!tpu.dma_semaphore, #tpu.memory_space<semaphore_mem>> -> memref<1x!tpu.dma_semaphore, #tpu.memory_space<semaphore_mem>>
      %dma_wait3A_288 = tpu.memref_squeeze %dma_wait3A_287 : memref<1x!tpu.dma_semaphore, #tpu.memory_space<semaphore_mem>> -> memref<!tpu.dma_semaphore, #tpu.memory_space<semaphore_mem>>
      tpu.wait_indirect_dma semaphore(%dma_wait3A_288 : memref<!tpu.dma_semaphore, #tpu.memory_space<semaphore_mem>>) src(%dma_wait3A_286 : memref<20000x64xf32, #tpu.memory_space<hbm>>) dst(%dma_wait3A_280 : memref<80x64xf32, #tpu.memory_space<vmem>>)
      %dma_start3A_289 = arith.constant 2 : i32
      %dma_start3A_290 = arith.constant 2 : i32
      %dma_start3A_291 = arith.constant 0 : i32
      %dma_start3A_292 = arith.constant 0 : i32
      %dma_start3A_293 = tpu.memref_slice %arg9[%dma_start3A_289, %dma_start3A_291, %dma_start3A_292] : memref<5x80x64xf32, #tpu.memory_space<vmem>> -> memref<1x80x64xf32, #tpu.memory_space<vmem>>
      %dma_start3A_294 = tpu.memref_squeeze %dma_start3A_293 : memref<1x80x64xf32, #tpu.memory_space<vmem>> -> memref<80x64xf32, #tpu.memory_space<vmem>>
      %dma_start3A_295 = arith.constant 0 : i32
      %dma_start3A_296 = tpu.memref_slice %arg8[%add3A_267, %dma_start3A_295] : memref<250x80xi32, #tpu.memory_space<vmem>> -> memref<1x80xi32, #tpu.memory_space<vmem>>
      %dma_start3A_297 = tpu.memref_squeeze %dma_start3A_296 : memref<1x80xi32, #tpu.memory_space<vmem>> -> memref<80xi32, #tpu.memory_space<vmem>>
      %dma_start3A_298 = arith.constant 0 : i32
      %dma_start3A_299 = arith.constant 0 : i32
      %dma_start3A_300 = tpu.memref_slice %arg14[%dma_start3A_298, %dma_start3A_299] : memref<10008x64xf32, #tpu.memory_space<vmem_shared>> -> memref<10008x64xf32, #tpu.memory_space<vmem_shared>>
      %dma_start3A_301 = tpu.memref_slice %arg12[%dma_start3A_290] : memref<5x!tpu.dma_semaphore, #tpu.memory_space<semaphore_mem>> -> memref<1x!tpu.dma_semaphore, #tpu.memory_space<semaphore_mem>>
      %dma_start3A_302 = tpu.memref_squeeze %dma_start3A_301 : memref<1x!tpu.dma_semaphore, #tpu.memory_space<semaphore_mem>> -> memref<!tpu.dma_semaphore, #tpu.memory_space<semaphore_mem>>
      tpu.enqueue_indirect_dma source(%dma_start3A_294 : memref<80x64xf32, #tpu.memory_space<vmem>>) target(%dma_start3A_300 : memref<10008x64xf32, #tpu.memory_space<vmem_shared>>) offsets(%dma_start3A_297 : memref<80xi32, #tpu.memory_space<vmem>>) semaphore(%dma_start3A_302 : memref<!tpu.dma_semaphore, #tpu.memory_space<semaphore_mem>>) {add = true}
      %add3A_303 = arith.constant 3 : i32
      %add3A_304 = arith.addi %add3A_194, %add3A_303 : i32
      %add3A_305 = arith.constant 3 : i32
      %add3A_306 = arith.addi %add3A_304, %add3A_305 : i32
      %lt3A_307 = arith.constant 250 : i32
      %lt3A_308 = arith.cmpi slt, %add3A_306, %lt3A_307 : i32
      %convert_element_type3A_309 = arith.extui %lt3A_308 : i1 to i32
      %cond3A_310 = arith.constant 0 : i32
      %cond3A_311 = arith.cmpi ne, %convert_element_type3A_309, %cond3A_310 : i32
      scf.if %cond3A_311 {
        %add3A_377 = arith.constant 3 : i32
        %add3A_378 = arith.addi %add3A_304, %add3A_377 : i32
        %sub3A = arith.constant 5 : i32
        %sub3A_379 = arith.subi %add3A_378, %sub3A : i32
        %ge3A = arith.constant 0 : i32
        %ge3A_380 = arith.cmpi sge, %sub3A_379, %ge3A : i32
        %convert_element_type3A_381 = arith.extui %ge3A_380 : i1 to i32
        %cond3A_382 = arith.constant 0 : i32
        %cond3A_383 = arith.cmpi ne, %convert_element_type3A_381, %cond3A_382 : i32
        scf.if %cond3A_383 {
          %add3A_400 = arith.constant 3 : i32
          %add3A_401 = arith.addi %add3A_304, %add3A_400 : i32
          %sub3A_402 = arith.constant 5 : i32
          %sub3A_403 = arith.subi %add3A_401, %sub3A_402 : i32
          %dma_wait3A_404 = arith.constant 1 : i32
          %dma_wait3A_405 = arith.constant 1 : i32
          %dma_wait3A_406 = arith.constant 0 : i32
          %dma_wait3A_407 = arith.constant 0 : i32
          %dma_wait3A_408 = tpu.memref_slice %arg9[%dma_wait3A_404, %dma_wait3A_406, %dma_wait3A_407] : memref<5x80x64xf32, #tpu.memory_space<vmem>> -> memref<1x80x64xf32, #tpu.memory_space<vmem>>
          %dma_wait3A_409 = tpu.memref_squeeze %dma_wait3A_408 : memref<1x80x64xf32, #tpu.memory_space<vmem>> -> memref<80x64xf32, #tpu.memory_space<vmem>>
          %dma_wait3A_410 = arith.constant 0 : i32
          %dma_wait3A_411 = tpu.memref_slice %arg8[%sub3A_403, %dma_wait3A_410] : memref<250x80xi32, #tpu.memory_space<vmem>> -> memref<1x80xi32, #tpu.memory_space<vmem>>
          %dma_wait3A_412 = tpu.memref_squeeze %dma_wait3A_411 : memref<1x80xi32, #tpu.memory_space<vmem>> -> memref<80xi32, #tpu.memory_space<vmem>>
          %dma_wait3A_413 = arith.constant 0 : i32
          %dma_wait3A_414 = arith.constant 0 : i32
          %dma_wait3A_415 = tpu.memref_slice %arg14[%dma_wait3A_413, %dma_wait3A_414] : memref<10008x64xf32, #tpu.memory_space<vmem_shared>> -> memref<10008x64xf32, #tpu.memory_space<vmem_shared>>
          %dma_wait3A_416 = tpu.memref_slice %arg12[%dma_wait3A_405] : memref<5x!tpu.dma_semaphore, #tpu.memory_space<semaphore_mem>> -> memref<1x!tpu.dma_semaphore, #tpu.memory_space<semaphore_mem>>
          %dma_wait3A_417 = tpu.memref_squeeze %dma_wait3A_416 : memref<1x!tpu.dma_semaphore, #tpu.memory_space<semaphore_mem>> -> memref<!tpu.dma_semaphore, #tpu.memory_space<semaphore_mem>>
          tpu.wait_indirect_dma semaphore(%dma_wait3A_417 : memref<!tpu.dma_semaphore, #tpu.memory_space<semaphore_mem>>) src(%dma_wait3A_409 : memref<80x64xf32, #tpu.memory_space<vmem>>) dst(%dma_wait3A_415 : memref<10008x64xf32, #tpu.memory_space<vmem_shared>>)
        } else {
        }
        %add3A_384 = arith.constant 3 : i32
        %add3A_385 = arith.addi %add3A_304, %add3A_384 : i32
        %dma_start3A_386 = arith.constant 1 : i32
        %dma_start3A_387 = arith.constant 1 : i32
        %dma_start3A_388 = arith.constant 0 : i32
        %dma_start3A_389 = arith.constant 0 : i32
        %dma_start3A_390 = tpu.memref_slice %arg9[%dma_start3A_386, %dma_start3A_388, %dma_start3A_389] : memref<5x80x64xf32, #tpu.memory_space<vmem>> -> memref<1x80x64xf32, #tpu.memory_space<vmem>>
        %dma_start3A_391 = tpu.memref_squeeze %dma_start3A_390 : memref<1x80x64xf32, #tpu.memory_space<vmem>> -> memref<80x64xf32, #tpu.memory_space<vmem>>
        %dma_start3A_392 = arith.constant 0 : i32
        %dma_start3A_393 = tpu.memref_slice %arg7[%add3A_385, %dma_start3A_392] : memref<250x80xi32, #tpu.memory_space<vmem>> -> memref<1x80xi32, #tpu.memory_space<vmem>>
        %dma_start3A_394 = tpu.memref_squeeze %dma_start3A_393 : memref<1x80xi32, #tpu.memory_space<vmem>> -> memref<80xi32, #tpu.memory_space<vmem>>
        %dma_start3A_395 = arith.constant 0 : i32
        %dma_start3A_396 = arith.constant 0 : i32
        %dma_start3A_397 = tpu.memref_slice %arg2[%dma_start3A_395, %dma_start3A_396] : memref<20000x64xf32, #tpu.memory_space<hbm>> -> memref<20000x64xf32, #tpu.memory_space<hbm>>
        %dma_start3A_398 = tpu.memref_slice %arg11[%dma_start3A_387] : memref<5x!tpu.dma_semaphore, #tpu.memory_space<semaphore_mem>> -> memref<1x!tpu.dma_semaphore, #tpu.memory_space<semaphore_mem>>
        %dma_start3A_399 = tpu.memref_squeeze %dma_start3A_398 : memref<1x!tpu.dma_semaphore, #tpu.memory_space<semaphore_mem>> -> memref<!tpu.dma_semaphore, #tpu.memory_space<semaphore_mem>>
        tpu.enqueue_indirect_dma source(%dma_start3A_397 : memref<20000x64xf32, #tpu.memory_space<hbm>>) target(%dma_start3A_391 : memref<80x64xf32, #tpu.memory_space<vmem>>) offsets(%dma_start3A_394 : memref<80xi32, #tpu.memory_space<vmem>>) semaphore(%dma_start3A_399 : memref<!tpu.dma_semaphore, #tpu.memory_space<semaphore_mem>>)
      } else {
      }
      %dma_wait3A_312 = arith.constant 3 : i32
      %dma_wait3A_313 = arith.constant 3 : i32
      %dma_wait3A_314 = arith.constant 0 : i32
      %dma_wait3A_315 = arith.constant 0 : i32
      %dma_wait3A_316 = tpu.memref_slice %arg9[%dma_wait3A_312, %dma_wait3A_314, %dma_wait3A_315] : memref<5x80x64xf32, #tpu.memory_space<vmem>> -> memref<1x80x64xf32, #tpu.memory_space<vmem>>
      %dma_wait3A_317 = tpu.memref_squeeze %dma_wait3A_316 : memref<1x80x64xf32, #tpu.memory_space<vmem>> -> memref<80x64xf32, #tpu.memory_space<vmem>>
      %dma_wait3A_318 = arith.constant 0 : i32
      %dma_wait3A_319 = tpu.memref_slice %arg7[%add3A_304, %dma_wait3A_318] : memref<250x80xi32, #tpu.memory_space<vmem>> -> memref<1x80xi32, #tpu.memory_space<vmem>>
      %dma_wait3A_320 = tpu.memref_squeeze %dma_wait3A_319 : memref<1x80xi32, #tpu.memory_space<vmem>> -> memref<80xi32, #tpu.memory_space<vmem>>
      %dma_wait3A_321 = arith.constant 0 : i32
      %dma_wait3A_322 = arith.constant 0 : i32
      %dma_wait3A_323 = tpu.memref_slice %arg2[%dma_wait3A_321, %dma_wait3A_322] : memref<20000x64xf32, #tpu.memory_space<hbm>> -> memref<20000x64xf32, #tpu.memory_space<hbm>>
      %dma_wait3A_324 = tpu.memref_slice %arg11[%dma_wait3A_313] : memref<5x!tpu.dma_semaphore, #tpu.memory_space<semaphore_mem>> -> memref<1x!tpu.dma_semaphore, #tpu.memory_space<semaphore_mem>>
      %dma_wait3A_325 = tpu.memref_squeeze %dma_wait3A_324 : memref<1x!tpu.dma_semaphore, #tpu.memory_space<semaphore_mem>> -> memref<!tpu.dma_semaphore, #tpu.memory_space<semaphore_mem>>
      tpu.wait_indirect_dma semaphore(%dma_wait3A_325 : memref<!tpu.dma_semaphore, #tpu.memory_space<semaphore_mem>>) src(%dma_wait3A_323 : memref<20000x64xf32, #tpu.memory_space<hbm>>) dst(%dma_wait3A_317 : memref<80x64xf32, #tpu.memory_space<vmem>>)
      %dma_start3A_326 = arith.constant 3 : i32
      %dma_start3A_327 = arith.constant 3 : i32
      %dma_start3A_328 = arith.constant 0 : i32
      %dma_start3A_329 = arith.constant 0 : i32
      %dma_start3A_330 = tpu.memref_slice %arg9[%dma_start3A_326, %dma_start3A_328, %dma_start3A_329] : memref<5x80x64xf32, #tpu.memory_space<vmem>> -> memref<1x80x64xf32, #tpu.memory_space<vmem>>
      %dma_start3A_331 = tpu.memref_squeeze %dma_start3A_330 : memref<1x80x64xf32, #tpu.memory_space<vmem>> -> memref<80x64xf32, #tpu.memory_space<vmem>>
      %dma_start3A_332 = arith.constant 0 : i32
      %dma_start3A_333 = tpu.memref_slice %arg8[%add3A_304, %dma_start3A_332] : memref<250x80xi32, #tpu.memory_space<vmem>> -> memref<1x80xi32, #tpu.memory_space<vmem>>
      %dma_start3A_334 = tpu.memref_squeeze %dma_start3A_333 : memref<1x80xi32, #tpu.memory_space<vmem>> -> memref<80xi32, #tpu.memory_space<vmem>>
      %dma_start3A_335 = arith.constant 0 : i32
      %dma_start3A_336 = arith.constant 0 : i32
      %dma_start3A_337 = tpu.memref_slice %arg14[%dma_start3A_335, %dma_start3A_336] : memref<10008x64xf32, #tpu.memory_space<vmem_shared>> -> memref<10008x64xf32, #tpu.memory_space<vmem_shared>>
      %dma_start3A_338 = tpu.memref_slice %arg12[%dma_start3A_327] : memref<5x!tpu.dma_semaphore, #tpu.memory_space<semaphore_mem>> -> memref<1x!tpu.dma_semaphore, #tpu.memory_space<semaphore_mem>>
      %dma_start3A_339 = tpu.memref_squeeze %dma_start3A_338 : memref<1x!tpu.dma_semaphore, #tpu.memory_space<semaphore_mem>> -> memref<!tpu.dma_semaphore, #tpu.memory_space<semaphore_mem>>
      tpu.enqueue_indirect_dma source(%dma_start3A_331 : memref<80x64xf32, #tpu.memory_space<vmem>>) target(%dma_start3A_337 : memref<10008x64xf32, #tpu.memory_space<vmem_shared>>) offsets(%dma_start3A_334 : memref<80xi32, #tpu.memory_space<vmem>>) semaphore(%dma_start3A_339 : memref<!tpu.dma_semaphore, #tpu.memory_space<semaphore_mem>>) {add = true}
      %add3A_340 = arith.constant 4 : i32
      %add3A_341 = arith.addi %add3A_194, %add3A_340 : i32
      %add3A_342 = arith.constant 3 : i32
      %add3A_343 = arith.addi %add3A_341, %add3A_342 : i32
      %lt3A_344 = arith.constant 250 : i32
      %lt3A_345 = arith.cmpi slt, %add3A_343, %lt3A_344 : i32
      %convert_element_type3A_346 = arith.extui %lt3A_345 : i1 to i32
      %cond3A_347 = arith.constant 0 : i32
      %cond3A_348 = arith.cmpi ne, %convert_element_type3A_346, %cond3A_347 : i32
      scf.if %cond3A_348 {
        %add3A_377 = arith.constant 3 : i32
        %add3A_378 = arith.addi %add3A_341, %add3A_377 : i32
        %sub3A = arith.constant 5 : i32
        %sub3A_379 = arith.subi %add3A_378, %sub3A : i32
        %ge3A = arith.constant 0 : i32
        %ge3A_380 = arith.cmpi sge, %sub3A_379, %ge3A : i32
        %convert_element_type3A_381 = arith.extui %ge3A_380 : i1 to i32
        %cond3A_382 = arith.constant 0 : i32
        %cond3A_383 = arith.cmpi ne, %convert_element_type3A_381, %cond3A_382 : i32
        scf.if %cond3A_383 {
          %add3A_400 = arith.constant 3 : i32
          %add3A_401 = arith.addi %add3A_341, %add3A_400 : i32
          %sub3A_402 = arith.constant 5 : i32
          %sub3A_403 = arith.subi %add3A_401, %sub3A_402 : i32
          %dma_wait3A_404 = arith.constant 2 : i32
          %dma_wait3A_405 = arith.constant 2 : i32
          %dma_wait3A_406 = arith.constant 0 : i32
          %dma_wait3A_407 = arith.constant 0 : i32
          %dma_wait3A_408 = tpu.memref_slice %arg9[%dma_wait3A_404, %dma_wait3A_406, %dma_wait3A_407] : memref<5x80x64xf32, #tpu.memory_space<vmem>> -> memref<1x80x64xf32, #tpu.memory_space<vmem>>
          %dma_wait3A_409 = tpu.memref_squeeze %dma_wait3A_408 : memref<1x80x64xf32, #tpu.memory_space<vmem>> -> memref<80x64xf32, #tpu.memory_space<vmem>>
          %dma_wait3A_410 = arith.constant 0 : i32
          %dma_wait3A_411 = tpu.memref_slice %arg8[%sub3A_403, %dma_wait3A_410] : memref<250x80xi32, #tpu.memory_space<vmem>> -> memref<1x80xi32, #tpu.memory_space<vmem>>
          %dma_wait3A_412 = tpu.memref_squeeze %dma_wait3A_411 : memref<1x80xi32, #tpu.memory_space<vmem>> -> memref<80xi32, #tpu.memory_space<vmem>>
          %dma_wait3A_413 = arith.constant 0 : i32
          %dma_wait3A_414 = arith.constant 0 : i32
          %dma_wait3A_415 = tpu.memref_slice %arg14[%dma_wait3A_413, %dma_wait3A_414] : memref<10008x64xf32, #tpu.memory_space<vmem_shared>> -> memref<10008x64xf32, #tpu.memory_space<vmem_shared>>
          %dma_wait3A_416 = tpu.memref_slice %arg12[%dma_wait3A_405] : memref<5x!tpu.dma_semaphore, #tpu.memory_space<semaphore_mem>> -> memref<1x!tpu.dma_semaphore, #tpu.memory_space<semaphore_mem>>
          %dma_wait3A_417 = tpu.memref_squeeze %dma_wait3A_416 : memref<1x!tpu.dma_semaphore, #tpu.memory_space<semaphore_mem>> -> memref<!tpu.dma_semaphore, #tpu.memory_space<semaphore_mem>>
          tpu.wait_indirect_dma semaphore(%dma_wait3A_417 : memref<!tpu.dma_semaphore, #tpu.memory_space<semaphore_mem>>) src(%dma_wait3A_409 : memref<80x64xf32, #tpu.memory_space<vmem>>) dst(%dma_wait3A_415 : memref<10008x64xf32, #tpu.memory_space<vmem_shared>>)
        } else {
        }
        %add3A_384 = arith.constant 3 : i32
        %add3A_385 = arith.addi %add3A_341, %add3A_384 : i32
        %dma_start3A_386 = arith.constant 2 : i32
        %dma_start3A_387 = arith.constant 2 : i32
        %dma_start3A_388 = arith.constant 0 : i32
        %dma_start3A_389 = arith.constant 0 : i32
        %dma_start3A_390 = tpu.memref_slice %arg9[%dma_start3A_386, %dma_start3A_388, %dma_start3A_389] : memref<5x80x64xf32, #tpu.memory_space<vmem>> -> memref<1x80x64xf32, #tpu.memory_space<vmem>>
        %dma_start3A_391 = tpu.memref_squeeze %dma_start3A_390 : memref<1x80x64xf32, #tpu.memory_space<vmem>> -> memref<80x64xf32, #tpu.memory_space<vmem>>
        %dma_start3A_392 = arith.constant 0 : i32
        %dma_start3A_393 = tpu.memref_slice %arg7[%add3A_385, %dma_start3A_392] : memref<250x80xi32, #tpu.memory_space<vmem>> -> memref<1x80xi32, #tpu.memory_space<vmem>>
        %dma_start3A_394 = tpu.memref_squeeze %dma_start3A_393 : memref<1x80xi32, #tpu.memory_space<vmem>> -> memref<80xi32, #tpu.memory_space<vmem>>
        %dma_start3A_395 = arith.constant 0 : i32
        %dma_start3A_396 = arith.constant 0 : i32
        %dma_start3A_397 = tpu.memref_slice %arg2[%dma_start3A_395, %dma_start3A_396] : memref<20000x64xf32, #tpu.memory_space<hbm>> -> memref<20000x64xf32, #tpu.memory_space<hbm>>
        %dma_start3A_398 = tpu.memref_slice %arg11[%dma_start3A_387] : memref<5x!tpu.dma_semaphore, #tpu.memory_space<semaphore_mem>> -> memref<1x!tpu.dma_semaphore, #tpu.memory_space<semaphore_mem>>
        %dma_start3A_399 = tpu.memref_squeeze %dma_start3A_398 : memref<1x!tpu.dma_semaphore, #tpu.memory_space<semaphore_mem>> -> memref<!tpu.dma_semaphore, #tpu.memory_space<semaphore_mem>>
        tpu.enqueue_indirect_dma source(%dma_start3A_397 : memref<20000x64xf32, #tpu.memory_space<hbm>>) target(%dma_start3A_391 : memref<80x64xf32, #tpu.memory_space<vmem>>) offsets(%dma_start3A_394 : memref<80xi32, #tpu.memory_space<vmem>>) semaphore(%dma_start3A_399 : memref<!tpu.dma_semaphore, #tpu.memory_space<semaphore_mem>>)
      } else {
      }
      %dma_wait3A_349 = arith.constant 4 : i32
      %dma_wait3A_350 = arith.constant 4 : i32
      %dma_wait3A_351 = arith.constant 0 : i32
      %dma_wait3A_352 = arith.constant 0 : i32
      %dma_wait3A_353 = tpu.memref_slice %arg9[%dma_wait3A_349, %dma_wait3A_351, %dma_wait3A_352] : memref<5x80x64xf32, #tpu.memory_space<vmem>> -> memref<1x80x64xf32, #tpu.memory_space<vmem>>
      %dma_wait3A_354 = tpu.memref_squeeze %dma_wait3A_353 : memref<1x80x64xf32, #tpu.memory_space<vmem>> -> memref<80x64xf32, #tpu.memory_space<vmem>>
      %dma_wait3A_355 = arith.constant 0 : i32
      %dma_wait3A_356 = tpu.memref_slice %arg7[%add3A_341, %dma_wait3A_355] : memref<250x80xi32, #tpu.memory_space<vmem>> -> memref<1x80xi32, #tpu.memory_space<vmem>>
      %dma_wait3A_357 = tpu.memref_squeeze %dma_wait3A_356 : memref<1x80xi32, #tpu.memory_space<vmem>> -> memref<80xi32, #tpu.memory_space<vmem>>
      %dma_wait3A_358 = arith.constant 0 : i32
      %dma_wait3A_359 = arith.constant 0 : i32
      %dma_wait3A_360 = tpu.memref_slice %arg2[%dma_wait3A_358, %dma_wait3A_359] : memref<20000x64xf32, #tpu.memory_space<hbm>> -> memref<20000x64xf32, #tpu.memory_space<hbm>>
      %dma_wait3A_361 = tpu.memref_slice %arg11[%dma_wait3A_350] : memref<5x!tpu.dma_semaphore, #tpu.memory_space<semaphore_mem>> -> memref<1x!tpu.dma_semaphore, #tpu.memory_space<semaphore_mem>>
      %dma_wait3A_362 = tpu.memref_squeeze %dma_wait3A_361 : memref<1x!tpu.dma_semaphore, #tpu.memory_space<semaphore_mem>> -> memref<!tpu.dma_semaphore, #tpu.memory_space<semaphore_mem>>
      tpu.wait_indirect_dma semaphore(%dma_wait3A_362 : memref<!tpu.dma_semaphore, #tpu.memory_space<semaphore_mem>>) src(%dma_wait3A_360 : memref<20000x64xf32, #tpu.memory_space<hbm>>) dst(%dma_wait3A_354 : memref<80x64xf32, #tpu.memory_space<vmem>>)
      %dma_start3A_363 = arith.constant 4 : i32
      %dma_start3A_364 = arith.constant 4 : i32
      %dma_start3A_365 = arith.constant 0 : i32
      %dma_start3A_366 = arith.constant 0 : i32
      %dma_start3A_367 = tpu.memref_slice %arg9[%dma_start3A_363, %dma_start3A_365, %dma_start3A_366] : memref<5x80x64xf32, #tpu.memory_space<vmem>> -> memref<1x80x64xf32, #tpu.memory_space<vmem>>
      %dma_start3A_368 = tpu.memref_squeeze %dma_start3A_367 : memref<1x80x64xf32, #tpu.memory_space<vmem>> -> memref<80x64xf32, #tpu.memory_space<vmem>>
      %dma_start3A_369 = arith.constant 0 : i32
      %dma_start3A_370 = tpu.memref_slice %arg8[%add3A_341, %dma_start3A_369] : memref<250x80xi32, #tpu.memory_space<vmem>> -> memref<1x80xi32, #tpu.memory_space<vmem>>
      %dma_start3A_371 = tpu.memref_squeeze %dma_start3A_370 : memref<1x80xi32, #tpu.memory_space<vmem>> -> memref<80xi32, #tpu.memory_space<vmem>>
      %dma_start3A_372 = arith.constant 0 : i32
      %dma_start3A_373 = arith.constant 0 : i32
      %dma_start3A_374 = tpu.memref_slice %arg14[%dma_start3A_372, %dma_start3A_373] : memref<10008x64xf32, #tpu.memory_space<vmem_shared>> -> memref<10008x64xf32, #tpu.memory_space<vmem_shared>>
      %dma_start3A_375 = tpu.memref_slice %arg12[%dma_start3A_364] : memref<5x!tpu.dma_semaphore, #tpu.memory_space<semaphore_mem>> -> memref<1x!tpu.dma_semaphore, #tpu.memory_space<semaphore_mem>>
      %dma_start3A_376 = tpu.memref_squeeze %dma_start3A_375 : memref<1x!tpu.dma_semaphore, #tpu.memory_space<semaphore_mem>> -> memref<!tpu.dma_semaphore, #tpu.memory_space<semaphore_mem>>
      tpu.enqueue_indirect_dma source(%dma_start3A_368 : memref<80x64xf32, #tpu.memory_space<vmem>>) target(%dma_start3A_374 : memref<10008x64xf32, #tpu.memory_space<vmem_shared>>) offsets(%dma_start3A_371 : memref<80xi32, #tpu.memory_space<vmem>>) semaphore(%dma_start3A_376 : memref<!tpu.dma_semaphore, #tpu.memory_space<semaphore_mem>>) {add = true}
    }
    %scan3A_110 = arith.constant 50 : i32
    %dma_wait3A_111 = arith.constant 0 : i32
    %dma_wait3A_112 = arith.constant 245 : i32
    %dma_wait3A_113 = arith.constant 0 : i32
    %dma_wait3A_114 = arith.constant 0 : i32
    %dma_wait3A_115 = arith.constant 0 : i32
    %dma_wait3A_116 = tpu.memref_slice %arg9[%dma_wait3A_111, %dma_wait3A_114, %dma_wait3A_115] : memref<5x80x64xf32, #tpu.memory_space<vmem>> -> memref<1x80x64xf32, #tpu.memory_space<vmem>>
    %dma_wait3A_117 = tpu.memref_squeeze %dma_wait3A_116 : memref<1x80x64xf32, #tpu.memory_space<vmem>> -> memref<80x64xf32, #tpu.memory_space<vmem>>
    %dma_wait3A_118 = arith.constant 0 : i32
    %dma_wait3A_119 = tpu.memref_slice %arg8[%dma_wait3A_112, %dma_wait3A_118] : memref<250x80xi32, #tpu.memory_space<vmem>> -> memref<1x80xi32, #tpu.memory_space<vmem>>
    %dma_wait3A_120 = tpu.memref_squeeze %dma_wait3A_119 : memref<1x80xi32, #tpu.memory_space<vmem>> -> memref<80xi32, #tpu.memory_space<vmem>>
    %dma_wait3A_121 = arith.constant 0 : i32
    %dma_wait3A_122 = arith.constant 0 : i32
    %dma_wait3A_123 = tpu.memref_slice %arg14[%dma_wait3A_121, %dma_wait3A_122] : memref<10008x64xf32, #tpu.memory_space<vmem_shared>> -> memref<10008x64xf32, #tpu.memory_space<vmem_shared>>
    %dma_wait3A_124 = tpu.memref_slice %arg12[%dma_wait3A_113] : memref<5x!tpu.dma_semaphore, #tpu.memory_space<semaphore_mem>> -> memref<1x!tpu.dma_semaphore, #tpu.memory_space<semaphore_mem>>
    %dma_wait3A_125 = tpu.memref_squeeze %dma_wait3A_124 : memref<1x!tpu.dma_semaphore, #tpu.memory_space<semaphore_mem>> -> memref<!tpu.dma_semaphore, #tpu.memory_space<semaphore_mem>>
    tpu.wait_indirect_dma semaphore(%dma_wait3A_125 : memref<!tpu.dma_semaphore, #tpu.memory_space<semaphore_mem>>) src(%dma_wait3A_117 : memref<80x64xf32, #tpu.memory_space<vmem>>) dst(%dma_wait3A_123 : memref<10008x64xf32, #tpu.memory_space<vmem_shared>>)
    %dma_wait3A_126 = arith.constant 1 : i32
    %dma_wait3A_127 = arith.constant 246 : i32
    %dma_wait3A_128 = arith.constant 1 : i32
    %dma_wait3A_129 = arith.constant 0 : i32
    %dma_wait3A_130 = arith.constant 0 : i32
    %dma_wait3A_131 = tpu.memref_slice %arg9[%dma_wait3A_126, %dma_wait3A_129, %dma_wait3A_130] : memref<5x80x64xf32, #tpu.memory_space<vmem>> -> memref<1x80x64xf32, #tpu.memory_space<vmem>>
    %dma_wait3A_132 = tpu.memref_squeeze %dma_wait3A_131 : memref<1x80x64xf32, #tpu.memory_space<vmem>> -> memref<80x64xf32, #tpu.memory_space<vmem>>
    %dma_wait3A_133 = arith.constant 0 : i32
    %dma_wait3A_134 = tpu.memref_slice %arg8[%dma_wait3A_127, %dma_wait3A_133] : memref<250x80xi32, #tpu.memory_space<vmem>> -> memref<1x80xi32, #tpu.memory_space<vmem>>
    %dma_wait3A_135 = tpu.memref_squeeze %dma_wait3A_134 : memref<1x80xi32, #tpu.memory_space<vmem>> -> memref<80xi32, #tpu.memory_space<vmem>>
    %dma_wait3A_136 = arith.constant 0 : i32
    %dma_wait3A_137 = arith.constant 0 : i32
    %dma_wait3A_138 = tpu.memref_slice %arg14[%dma_wait3A_136, %dma_wait3A_137] : memref<10008x64xf32, #tpu.memory_space<vmem_shared>> -> memref<10008x64xf32, #tpu.memory_space<vmem_shared>>
    %dma_wait3A_139 = tpu.memref_slice %arg12[%dma_wait3A_128] : memref<5x!tpu.dma_semaphore, #tpu.memory_space<semaphore_mem>> -> memref<1x!tpu.dma_semaphore, #tpu.memory_space<semaphore_mem>>
    %dma_wait3A_140 = tpu.memref_squeeze %dma_wait3A_139 : memref<1x!tpu.dma_semaphore, #tpu.memory_space<semaphore_mem>> -> memref<!tpu.dma_semaphore, #tpu.memory_space<semaphore_mem>>
    tpu.wait_indirect_dma semaphore(%dma_wait3A_140 : memref<!tpu.dma_semaphore, #tpu.memory_space<semaphore_mem>>) src(%dma_wait3A_132 : memref<80x64xf32, #tpu.memory_space<vmem>>) dst(%dma_wait3A_138 : memref<10008x64xf32, #tpu.memory_space<vmem_shared>>)
    %dma_wait3A_141 = arith.constant 2 : i32
    %dma_wait3A_142 = arith.constant 247 : i32
    %dma_wait3A_143 = arith.constant 2 : i32
    %dma_wait3A_144 = arith.constant 0 : i32
    %dma_wait3A_145 = arith.constant 0 : i32
    %dma_wait3A_146 = tpu.memref_slice %arg9[%dma_wait3A_141, %dma_wait3A_144, %dma_wait3A_145] : memref<5x80x64xf32, #tpu.memory_space<vmem>> -> memref<1x80x64xf32, #tpu.memory_space<vmem>>
    %dma_wait3A_147 = tpu.memref_squeeze %dma_wait3A_146 : memref<1x80x64xf32, #tpu.memory_space<vmem>> -> memref<80x64xf32, #tpu.memory_space<vmem>>
    %dma_wait3A_148 = arith.constant 0 : i32
    %dma_wait3A_149 = tpu.memref_slice %arg8[%dma_wait3A_142, %dma_wait3A_148] : memref<250x80xi32, #tpu.memory_space<vmem>> -> memref<1x80xi32, #tpu.memory_space<vmem>>
    %dma_wait3A_150 = tpu.memref_squeeze %dma_wait3A_149 : memref<1x80xi32, #tpu.memory_space<vmem>> -> memref<80xi32, #tpu.memory_space<vmem>>
    %dma_wait3A_151 = arith.constant 0 : i32
    %dma_wait3A_152 = arith.constant 0 : i32
    %dma_wait3A_153 = tpu.memref_slice %arg14[%dma_wait3A_151, %dma_wait3A_152] : memref<10008x64xf32, #tpu.memory_space<vmem_shared>> -> memref<10008x64xf32, #tpu.memory_space<vmem_shared>>
    %dma_wait3A_154 = tpu.memref_slice %arg12[%dma_wait3A_143] : memref<5x!tpu.dma_semaphore, #tpu.memory_space<semaphore_mem>> -> memref<1x!tpu.dma_semaphore, #tpu.memory_space<semaphore_mem>>
    %dma_wait3A_155 = tpu.memref_squeeze %dma_wait3A_154 : memref<1x!tpu.dma_semaphore, #tpu.memory_space<semaphore_mem>> -> memref<!tpu.dma_semaphore, #tpu.memory_space<semaphore_mem>>
    tpu.wait_indirect_dma semaphore(%dma_wait3A_155 : memref<!tpu.dma_semaphore, #tpu.memory_space<semaphore_mem>>) src(%dma_wait3A_147 : memref<80x64xf32, #tpu.memory_space<vmem>>) dst(%dma_wait3A_153 : memref<10008x64xf32, #tpu.memory_space<vmem_shared>>)
    %dma_wait3A_156 = arith.constant 3 : i32
    %dma_wait3A_157 = arith.constant 248 : i32
    %dma_wait3A_158 = arith.constant 3 : i32
    %dma_wait3A_159 = arith.constant 0 : i32
    %dma_wait3A_160 = arith.constant 0 : i32
    %dma_wait3A_161 = tpu.memref_slice %arg9[%dma_wait3A_156, %dma_wait3A_159, %dma_wait3A_160] : memref<5x80x64xf32, #tpu.memory_space<vmem>> -> memref<1x80x64xf32, #tpu.memory_space<vmem>>
    %dma_wait3A_162 = tpu.memref_squeeze %dma_wait3A_161 : memref<1x80x64xf32, #tpu.memory_space<vmem>> -> memref<80x64xf32, #tpu.memory_space<vmem>>
    %dma_wait3A_163 = arith.constant 0 : i32
    %dma_wait3A_164 = tpu.memref_slice %arg8[%dma_wait3A_157, %dma_wait3A_163] : memref<250x80xi32, #tpu.memory_space<vmem>> -> memref<1x80xi32, #tpu.memory_space<vmem>>
    %dma_wait3A_165 = tpu.memref_squeeze %dma_wait3A_164 : memref<1x80xi32, #tpu.memory_space<vmem>> -> memref<80xi32, #tpu.memory_space<vmem>>
    %dma_wait3A_166 = arith.constant 0 : i32
    %dma_wait3A_167 = arith.constant 0 : i32
    %dma_wait3A_168 = tpu.memref_slice %arg14[%dma_wait3A_166, %dma_wait3A_167] : memref<10008x64xf32, #tpu.memory_space<vmem_shared>> -> memref<10008x64xf32, #tpu.memory_space<vmem_shared>>
    %dma_wait3A_169 = tpu.memref_slice %arg12[%dma_wait3A_158] : memref<5x!tpu.dma_semaphore, #tpu.memory_space<semaphore_mem>> -> memref<1x!tpu.dma_semaphore, #tpu.memory_space<semaphore_mem>>
    %dma_wait3A_170 = tpu.memref_squeeze %dma_wait3A_169 : memref<1x!tpu.dma_semaphore, #tpu.memory_space<semaphore_mem>> -> memref<!tpu.dma_semaphore, #tpu.memory_space<semaphore_mem>>
    tpu.wait_indirect_dma semaphore(%dma_wait3A_170 : memref<!tpu.dma_semaphore, #tpu.memory_space<semaphore_mem>>) src(%dma_wait3A_162 : memref<80x64xf32, #tpu.memory_space<vmem>>) dst(%dma_wait3A_168 : memref<10008x64xf32, #tpu.memory_space<vmem_shared>>)
    %dma_wait3A_171 = arith.constant 4 : i32
    %dma_wait3A_172 = arith.constant 249 : i32
    %dma_wait3A_173 = arith.constant 4 : i32
    %dma_wait3A_174 = arith.constant 0 : i32
    %dma_wait3A_175 = arith.constant 0 : i32
    %dma_wait3A_176 = tpu.memref_slice %arg9[%dma_wait3A_171, %dma_wait3A_174, %dma_wait3A_175] : memref<5x80x64xf32, #tpu.memory_space<vmem>> -> memref<1x80x64xf32, #tpu.memory_space<vmem>>
    %dma_wait3A_177 = tpu.memref_squeeze %dma_wait3A_176 : memref<1x80x64xf32, #tpu.memory_space<vmem>> -> memref<80x64xf32, #tpu.memory_space<vmem>>
    %dma_wait3A_178 = arith.constant 0 : i32
    %dma_wait3A_179 = tpu.memref_slice %arg8[%dma_wait3A_172, %dma_wait3A_178] : memref<250x80xi32, #tpu.memory_space<vmem>> -> memref<1x80xi32, #tpu.memory_space<vmem>>
    %dma_wait3A_180 = tpu.memref_squeeze %dma_wait3A_179 : memref<1x80xi32, #tpu.memory_space<vmem>> -> memref<80xi32, #tpu.memory_space<vmem>>
    %dma_wait3A_181 = arith.constant 0 : i32
    %dma_wait3A_182 = arith.constant 0 : i32
    %dma_wait3A_183 = tpu.memref_slice %arg14[%dma_wait3A_181, %dma_wait3A_182] : memref<10008x64xf32, #tpu.memory_space<vmem_shared>> -> memref<10008x64xf32, #tpu.memory_space<vmem_shared>>
    %dma_wait3A_184 = tpu.memref_slice %arg12[%dma_wait3A_173] : memref<5x!tpu.dma_semaphore, #tpu.memory_space<semaphore_mem>> -> memref<1x!tpu.dma_semaphore, #tpu.memory_space<semaphore_mem>>
    %dma_wait3A_185 = tpu.memref_squeeze %dma_wait3A_184 : memref<1x!tpu.dma_semaphore, #tpu.memory_space<semaphore_mem>> -> memref<!tpu.dma_semaphore, #tpu.memory_space<semaphore_mem>>
    tpu.wait_indirect_dma semaphore(%dma_wait3A_185 : memref<!tpu.dma_semaphore, #tpu.memory_space<semaphore_mem>>) src(%dma_wait3A_177 : memref<80x64xf32, #tpu.memory_space<vmem>>) dst(%dma_wait3A_183 : memref<10008x64xf32, #tpu.memory_space<vmem_shared>>)
    %barrier3A_186 = arith.constant 0 : index
    tpu.barrier barrier_id(%barrier3A_186)
    %scan3A_187 = arith.constant 0 : i32
    %scan3A_188 = arith.constant 8 : i32
    %scan3A_189 = arith.addi %scan3A_187, %scan3A_188 : i32
    %scan3A_190 = arith.constant 1 : i32
    scf.for %scan3A_192 = %scan3A_187 to %scan3A_189 step %scan3A_190  : i32 {
      %mul3A = arith.constant 1 : i32
      %mul3A_193 = arith.muli %scan3A_192, %mul3A : i32
      %add3A = arith.constant 0 : i32
      %add3A_194 = arith.addi %add3A, %mul3A_193 : i32
      %mul3A_195 = arith.constant 16 : i32
      %mul3A_196 = arith.muli %add3A_194, %mul3A_195 : i32
      %add3A_197 = arith.addi %arg1, %mul3A_196 : i32
      %lt3A = arith.constant 125 : i32
      %lt3A_198 = arith.cmpi slt, %add3A_197, %lt3A : i32
      %convert_element_type3A = arith.extui %lt3A_198 : i1 to i32
      %cond3A = arith.constant 0 : i32
      %cond3A_199 = arith.cmpi ne, %convert_element_type3A, %cond3A : i32
      scf.if %cond3A_199 {
        %mul3A_200 = arith.constant 80 : i32
        %mul3A_201 = arith.muli %add3A_197, %mul3A_200 : i32
        "tpu.region"() ({
          %run_scoped3A = tpu.sem_alloc : memref<!tpu.dma_semaphore, #tpu.memory_space<semaphore_mem>>
          %dma_start3A_211 = arith.constant 0 : i32
          %dma_start3A_212 = tpu.memref_slice %arg14[%mul3A_201, %dma_start3A_211] : memref<10008x64xf32, #tpu.memory_space<vmem_shared>> -> memref<80x64xf32, #tpu.memory_space<vmem_shared>>
          %dma_start3A_213 = arith.constant 0 : i32
          %dma_start3A_214 = tpu.memref_slice %arg14[%mul3A_201, %dma_start3A_213] : memref<10008x64xf32, #tpu.memory_space<vmem_shared>> -> memref<80x64xf32, #tpu.memory_space<vmem_shared>>
          tpu.enqueue_dma source(%dma_start3A_214 : memref<80x64xf32, #tpu.memory_space<vmem_shared>>) target(%arg10 : memref<80x64xf32, #tpu.memory_space<vmem>>) target_semaphore(%run_scoped3A : memref<!tpu.dma_semaphore, #tpu.memory_space<semaphore_mem>>)
          %dma_wait3A_215 = arith.constant 0 : i32
          %dma_wait3A_216 = tpu.memref_slice %arg14[%mul3A_201, %dma_wait3A_215] : memref<10008x64xf32, #tpu.memory_space<vmem_shared>> -> memref<80x64xf32, #tpu.memory_space<vmem_shared>>
          %dma_wait3A_217 = arith.constant 0 : i32
          %dma_wait3A_218 = tpu.memref_slice %arg14[%mul3A_201, %dma_wait3A_217] : memref<10008x64xf32, #tpu.memory_space<vmem_shared>> -> memref<80x64xf32, #tpu.memory_space<vmem_shared>>
          tpu.wait_dma2 semaphore(%run_scoped3A : memref<!tpu.dma_semaphore, #tpu.memory_space<semaphore_mem>>) src(%dma_wait3A_218 : memref<80x64xf32, #tpu.memory_space<vmem_shared>>) dst(%arg10 : memref<80x64xf32, #tpu.memory_space<vmem>>)
          tpu.yield
        }) : () -> ()
        %mul3A_202 = arith.constant 64 : i32
        %mul3A_203 = arith.muli %arg0, %mul3A_202 : i32
        "tpu.region"() ({
          %run_scoped3A = tpu.sem_alloc : memref<!tpu.dma_semaphore, #tpu.memory_space<semaphore_mem>>
          %dma_start3A_211 = tpu.memref_slice %arg4[%mul3A_201, %mul3A_203] : memref<10000x128xf32, #tpu.memory_space<hbm>> -> memref<80x64xf32, #tpu.memory_space<hbm>>
          %dma_start3A_212 = tpu.memref_slice %arg4[%mul3A_201, %mul3A_203] : memref<10000x128xf32, #tpu.memory_space<hbm>> -> memref<80x64xf32, #tpu.memory_space<hbm>>
          tpu.enqueue_dma source(%dma_start3A_212 : memref<80x64xf32, #tpu.memory_space<hbm>>) target(%arg15 : memref<80x64xf32, #tpu.memory_space<vmem>>) target_semaphore(%run_scoped3A : memref<!tpu.dma_semaphore, #tpu.memory_space<semaphore_mem>>)
          %dma_wait3A_213 = tpu.memref_slice %arg4[%mul3A_201, %mul3A_203] : memref<10000x128xf32, #tpu.memory_space<hbm>> -> memref<80x64xf32, #tpu.memory_space<hbm>>
          %dma_wait3A_214 = tpu.memref_slice %arg4[%mul3A_201, %mul3A_203] : memref<10000x128xf32, #tpu.memory_space<hbm>> -> memref<80x64xf32, #tpu.memory_space<hbm>>
          tpu.wait_dma2 semaphore(%run_scoped3A : memref<!tpu.dma_semaphore, #tpu.memory_space<semaphore_mem>>) src(%dma_wait3A_214 : memref<80x64xf32, #tpu.memory_space<hbm>>) dst(%arg15 : memref<80x64xf32, #tpu.memory_space<vmem>>)
          tpu.yield
        }) : () -> ()
        "tpu.region"() ({
          %run_scoped3A = tpu.sem_alloc : memref<!tpu.dma_semaphore, #tpu.memory_space<semaphore_mem>>
          %dma_start3A_211 = arith.constant 0 : i32
          %dma_start3A_212 = tpu.memref_slice %arg5[%mul3A_201, %dma_start3A_211] : memref<10000x128xf32, #tpu.memory_space<hbm>> -> memref<80x16xf32, #tpu.memory_space<hbm>>
          %dma_start3A_213 = arith.constant 0 : i32
          %dma_start3A_214 = tpu.memref_slice %arg5[%mul3A_201, %dma_start3A_213] : memref<10000x128xf32, #tpu.memory_space<hbm>> -> memref<80x16xf32, #tpu.memory_space<hbm>>
          tpu.enqueue_dma source(%dma_start3A_214 : memref<80x16xf32, #tpu.memory_space<hbm>>) target(%arg16 : memref<80x16xf32, #tpu.memory_space<vmem>>) target_semaphore(%run_scoped3A : memref<!tpu.dma_semaphore, #tpu.memory_space<semaphore_mem>>)
          %dma_wait3A_215 = arith.constant 0 : i32
          %dma_wait3A_216 = tpu.memref_slice %arg5[%mul3A_201, %dma_wait3A_215] : memref<10000x128xf32, #tpu.memory_space<hbm>> -> memref<80x16xf32, #tpu.memory_space<hbm>>
          %dma_wait3A_217 = arith.constant 0 : i32
          %dma_wait3A_218 = tpu.memref_slice %arg5[%mul3A_201, %dma_wait3A_217] : memref<10000x128xf32, #tpu.memory_space<hbm>> -> memref<80x16xf32, #tpu.memory_space<hbm>>
          tpu.wait_dma2 semaphore(%run_scoped3A : memref<!tpu.dma_semaphore, #tpu.memory_space<semaphore_mem>>) src(%dma_wait3A_218 : memref<80x16xf32, #tpu.memory_space<hbm>>) dst(%arg16 : memref<80x16xf32, #tpu.memory_space<vmem>>)
          tpu.yield
        }) : () -> ()
        %scan3A_204 = arith.constant 0 : i32
        %scan3A_205 = arith.constant 80 : i32
        %scan3A_206 = arith.addi %scan3A_204, %scan3A_205 : i32
        %scan3A_207 = arith.constant 1 : i32
        scf.for %scan3A_211 = %scan3A_204 to %scan3A_206 step %scan3A_207  : i32 {
          %mul3A_212 = arith.constant 1 : i32
          %mul3A_213 = arith.muli %scan3A_211, %mul3A_212 : i32
          %add3A_214 = arith.constant 0 : i32
          %add3A_215 = arith.addi %add3A_214, %mul3A_213 : i32
          %get3A = arith.index_cast %add3A_215 : i32 to index
          %get3A_216 = arith.constant 0 : index
          %get3A_217 = tpu.vector_load %arg16[%get3A, %get3A_216] {strides = array<i32>} : memref<80x16xf32, #tpu.memory_space<vmem>>, vector<1x16xf32>,
          %get3A_218 = vector.shape_cast %get3A_217 : vector<1x16xf32> to vector<16xf32>
          %get3A_219 = arith.index_cast %add3A_215 : i32 to index
          %get3A_220 = arith.constant 0 : index
          %get3A_221 = tpu.vector_load %arg10[%get3A_219, %get3A_220] {strides = array<i32>} : memref<80x64xf32, #tpu.memory_space<vmem>>, vector<1x16xf32>,
          %get3A_222 = vector.shape_cast %get3A_221 : vector<1x16xf32> to vector<16xf32>
          %mul3A_223 = arith.mulf %get3A_222, %get3A_218 : vector<16xf32>
          %get3A_224 = arith.index_cast %add3A_215 : i32 to index
          %get3A_225 = arith.constant 0 : index
          %get3A_226 = tpu.vector_load %arg15[%get3A_224, %get3A_225] {strides = array<i32>} : memref<80x64xf32, #tpu.memory_space<vmem>>, vector<1x16xf32>,
          %get3A_227 = vector.shape_cast %get3A_226 : vector<1x16xf32> to vector<16xf32>
          %add3A_228 = arith.addf %mul3A_223, %get3A_227 : vector<16xf32>
          %swap3A = arith.index_cast %add3A_215 : i32 to index
          %swap3A_229 = arith.constant 0 : index
          %swap3A_230 = tpu.vector_load %arg10[%swap3A, %swap3A_229] {strides = array<i32>} : memref<80x64xf32, #tpu.memory_space<vmem>>, vector<1x16xf32>,
          %swap3A_231 = vector.shape_cast %swap3A_230 : vector<1x16xf32> to vector<16xf32>
          %swap3A_232 = vector.shape_cast %add3A_228 : vector<16xf32> to vector<1x16xf32>
          tpu.vector_store %arg10[%swap3A, %swap3A_229], %swap3A_232 {strides = array<i32>} : memref<80x64xf32, #tpu.memory_space<vmem>>, vector<1x16xf32>,
          %get3A_233 = arith.index_cast %add3A_215 : i32 to index
          %get3A_234 = arith.constant 16 : index
          %get3A_235 = tpu.vector_load %arg10[%get3A_233, %get3A_234] {strides = array<i32>} : memref<80x64xf32, #tpu.memory_space<vmem>>, vector<1x16xf32>,
          %get3A_236 = vector.shape_cast %get3A_235 : vector<1x16xf32> to vector<16xf32>
          %mul3A_237 = arith.mulf %get3A_236, %get3A_218 : vector<16xf32>
          %get3A_238 = arith.index_cast %add3A_215 : i32 to index
          %get3A_239 = arith.constant 16 : index
          %get3A_240 = tpu.vector_load %arg15[%get3A_238, %get3A_239] {strides = array<i32>} : memref<80x64xf32, #tpu.memory_space<vmem>>, vector<1x16xf32>,
          %get3A_241 = vector.shape_cast %get3A_240 : vector<1x16xf32> to vector<16xf32>
          %add3A_242 = arith.addf %mul3A_237, %get3A_241 : vector<16xf32>
          %swap3A_243 = arith.index_cast %add3A_215 : i32 to index
          %swap3A_244 = arith.constant 16 : index
          %swap3A_245 = tpu.vector_load %arg10[%swap3A_243, %swap3A_244] {strides = array<i32>} : memref<80x64xf32, #tpu.memory_space<vmem>>, vector<1x16xf32>,
          %swap3A_246 = vector.shape_cast %swap3A_245 : vector<1x16xf32> to vector<16xf32>
          %swap3A_247 = vector.shape_cast %add3A_242 : vector<16xf32> to vector<1x16xf32>
          tpu.vector_store %arg10[%swap3A_243, %swap3A_244], %swap3A_247 {strides = array<i32>} : memref<80x64xf32, #tpu.memory_space<vmem>>, vector<1x16xf32>,
          %get3A_248 = arith.index_cast %add3A_215 : i32 to index
          %get3A_249 = arith.constant 32 : index
          %get3A_250 = tpu.vector_load %arg10[%get3A_248, %get3A_249] {strides = array<i32>} : memref<80x64xf32, #tpu.memory_space<vmem>>, vector<1x16xf32>,
          %get3A_251 = vector.shape_cast %get3A_250 : vector<1x16xf32> to vector<16xf32>
          %mul3A_252 = arith.mulf %get3A_251, %get3A_218 : vector<16xf32>
          %get3A_253 = arith.index_cast %add3A_215 : i32 to index
          %get3A_254 = arith.constant 32 : index
          %get3A_255 = tpu.vector_load %arg15[%get3A_253, %get3A_254] {strides = array<i32>} : memref<80x64xf32, #tpu.memory_space<vmem>>, vector<1x16xf32>,
          %get3A_256 = vector.shape_cast %get3A_255 : vector<1x16xf32> to vector<16xf32>
          %add3A_257 = arith.addf %mul3A_252, %get3A_256 : vector<16xf32>
          %swap3A_258 = arith.index_cast %add3A_215 : i32 to index
          %swap3A_259 = arith.constant 32 : index
          %swap3A_260 = tpu.vector_load %arg10[%swap3A_258, %swap3A_259] {strides = array<i32>} : memref<80x64xf32, #tpu.memory_space<vmem>>, vector<1x16xf32>,
          %swap3A_261 = vector.shape_cast %swap3A_260 : vector<1x16xf32> to vector<16xf32>
          %swap3A_262 = vector.shape_cast %add3A_257 : vector<16xf32> to vector<1x16xf32>
          tpu.vector_store %arg10[%swap3A_258, %swap3A_259], %swap3A_262 {strides = array<i32>} : memref<80x64xf32, #tpu.memory_space<vmem>>, vector<1x16xf32>,
          %get3A_263 = arith.index_cast %add3A_215 : i32 to index
          %get3A_264 = arith.constant 48 : index
          %get3A_265 = tpu.vector_load %arg10[%get3A_263, %get3A_264] {strides = array<i32>} : memref<80x64xf32, #tpu.memory_space<vmem>>, vector<1x16xf32>,
          %get3A_266 = vector.shape_cast %get3A_265 : vector<1x16xf32> to vector<16xf32>
          %mul3A_267 = arith.mulf %get3A_266, %get3A_218 : vector<16xf32>
          %get3A_268 = arith.index_cast %add3A_215 : i32 to index
          %get3A_269 = arith.constant 48 : index
          %get3A_270 = tpu.vector_load %arg15[%get3A_268, %get3A_269] {strides = array<i32>} : memref<80x64xf32, #tpu.memory_space<vmem>>, vector<1x16xf32>,
          %get3A_271 = vector.shape_cast %get3A_270 : vector<1x16xf32> to vector<16xf32>
          %add3A_272 = arith.addf %mul3A_267, %get3A_271 : vector<16xf32>
          %swap3A_273 = arith.index_cast %add3A_215 : i32 to index
          %swap3A_274 = arith.constant 48 : index
          %swap3A_275 = tpu.vector_load %arg10[%swap3A_273, %swap3A_274] {strides = array<i32>} : memref<80x64xf32, #tpu.memory_space<vmem>>, vector<1x16xf32>,
          %swap3A_276 = vector.shape_cast %swap3A_275 : vector<1x16xf32> to vector<16xf32>
          %swap3A_277 = vector.shape_cast %add3A_272 : vector<16xf32> to vector<1x16xf32>
          tpu.vector_store %arg10[%swap3A_273, %swap3A_274], %swap3A_277 {strides = array<i32>} : memref<80x64xf32, #tpu.memory_space<vmem>>, vector<1x16xf32>,
        }
        %scan3A_208 = arith.constant 80 : i32
        %mul3A_209 = arith.constant 64 : i32
        %mul3A_210 = arith.muli %arg0, %mul3A_209 : i32
        "tpu.region"() ({
          %run_scoped3A = tpu.sem_alloc : memref<!tpu.dma_semaphore, #tpu.memory_space<semaphore_mem>>
          %dma_start3A_211 = tpu.memref_slice %arg6[%mul3A_201, %mul3A_210] : memref<10000x128xf32, #tpu.memory_space<hbm>> -> memref<80x64xf32, #tpu.memory_space<hbm>>
          %dma_start3A_212 = tpu.memref_slice %arg6[%mul3A_201, %mul3A_210] : memref<10000x128xf32, #tpu.memory_space<hbm>> -> memref<80x64xf32, #tpu.memory_space<hbm>>
          tpu.enqueue_dma source(%arg10 : memref<80x64xf32, #tpu.memory_space<vmem>>) target(%dma_start3A_212 : memref<80x64xf32, #tpu.memory_space<hbm>>) target_semaphore(%run_scoped3A : memref<!tpu.dma_semaphore, #tpu.memory_space<semaphore_mem>>)
          %dma_wait3A_213 = tpu.memref_slice %arg6[%mul3A_201, %mul3A_210] : memref<10000x128xf32, #tpu.memory_space<hbm>> -> memref<80x64xf32, #tpu.memory_space<hbm>>
          %dma_wait3A_214 = tpu.memref_slice %arg6[%mul3A_201, %mul3A_210] : memref<10000x128xf32, #tpu.memory_space<hbm>> -> memref<80x64xf32, #tpu.memory_space<hbm>>
          tpu.wait_dma2 semaphore(%run_scoped3A : memref<!tpu.dma_semaphore, #tpu.memory_space<semaphore_mem>>) src(%arg10 : memref<80x64xf32, #tpu.memory_space<vmem>>) dst(%dma_wait3A_214 : memref<80x64xf32, #tpu.memory_space<hbm>>)
          tpu.yield
        }) : () -> ()
      } else {
      }
    }
    %scan3A_191 = arith.constant 8 : i32
    return
  }
}

module attributes {stable_mosaic.version = 14 : i64} {
  func.func @body(%arg0: i32, %arg1: memref<2000x128xf32, #tpu.memory_space<vmem>>, %arg2: memref<128x256xf32, #tpu.memory_space<vmem>>, %arg3: memref<1x256xf32, #tpu.memory_space<vmem>>, %arg4: memref<2000x128xf32, #tpu.memory_space<vmem>>, %arg5: memref<2000x128xf32, #tpu.memory_space<vmem>>) attributes {dimension_semantics = [#tpu.dimension_semantics<arbitrary>], iteration_bounds = array<i64: 5>, scalar_prefetch = 0 : i64, scratch_operands = 0 : i64, tpu.core_type = #tpu.core_type<tc>, window_params = [{transform_indices = @transform_0, window_bounds = array<i64: 2000, 128>}, {pipeline_mode = #tpu.pipeline_mode<synchronous>, transform_indices = @transform_1, window_bounds = array<i64: 128, 256>}, {pipeline_mode = #tpu.pipeline_mode<synchronous>, transform_indices = @transform_2, window_bounds = array<i64: 1, 256>}, {transform_indices = @transform_3, window_bounds = array<i64: 2000, 128>}, {transform_indices = @transform_4, window_bounds = array<i64: 2000, 128>}]} {
    %get3A = arith.constant 0 : index
    %get3A_0 = arith.constant 0 : index
    %get3A_1 = vector.load %arg1[%get3A, %get3A_0] : memref<2000x128xf32, #tpu.memory_space<vmem>>, vector<2000x128xf32>
    %get3A_2 = arith.constant 0 : index
    %get3A_3 = arith.constant 0 : index
    %get3A_4 = vector.load %arg2[%get3A_2, %get3A_3] : memref<128x256xf32, #tpu.memory_space<vmem>>, vector<128x256xf32>
    %dot_general3A = arith.constant dense<0.000000e+00> : vector<2000x256xf32>
    %dot_general3A_5 = tpu.matmul %get3A_1, %get3A_4, %dot_general3A {dimension_numbers = #tpu.dot_dimension_numbers<[1], [0], [0], [1], [0, 0, 1, 1], [], []>, transpose_lhs_hint = false} : vector<2000x128xf32>, vector<128x256xf32>, vector<2000x256xf32> -> vector<2000x256xf32>
    %get3A_6 = arith.constant 0 : index
    %get3A_7 = arith.constant 0 : index
    %get3A_8 = vector.load %arg3[%get3A_6, %get3A_7] : memref<1x256xf32, #tpu.memory_space<vmem>>, vector<1x256xf32>
    %add3A = vector.broadcast %get3A_8 : vector<1x256xf32> to vector<2000x256xf32>
    %add3A_9 = arith.addf %dot_general3A_5, %add3A : vector<2000x256xf32>
    %slice3A = vector.extract_strided_slice %add3A_9 {offsets = [0, 0], sizes = [2000, 128], strides = [1, 1]} : vector<2000x256xf32> to vector<2000x128xf32>
    %swap3A = arith.constant 0 : index
    %swap3A_10 = arith.constant 0 : index
    %swap3A_11 = vector.load %arg4[%swap3A, %swap3A_10] : memref<2000x128xf32, #tpu.memory_space<vmem>>, vector<2000x128xf32>
    tpu.vector_store %arg4[%swap3A, %swap3A_10], %slice3A {strides = array<i32>} : memref<2000x128xf32, #tpu.memory_space<vmem>>, vector<2000x128xf32>,
    %slice3A_12 = vector.extract_strided_slice %add3A_9 {offsets = [0, 128], sizes = [2000, 128], strides = [1, 1]} : vector<2000x256xf32> to vector<2000x128xf32>
    %swap3A_13 = arith.constant 0 : index
    %swap3A_14 = arith.constant 0 : index
    %swap3A_15 = vector.load %arg5[%swap3A_13, %swap3A_14] : memref<2000x128xf32, #tpu.memory_space<vmem>>, vector<2000x128xf32>
    tpu.vector_store %arg5[%swap3A_13, %swap3A_14], %slice3A_12 {strides = array<i32>} : memref<2000x128xf32, #tpu.memory_space<vmem>>, vector<2000x128xf32>,
    return
  }
  func.func @transform_0(%arg0: i32) -> (i32, i32) {
    %c0_i32 = arith.constant 0 : i32
    %c0_i32_0 = arith.constant 0 : i32
    return %arg0, %c0_i32 : i32, i32
  }
  func.func @transform_1(%arg0: i32) -> (i32, i32) {
    %c0_i32 = arith.constant 0 : i32
    %c0_i32_0 = arith.constant 0 : i32
    %c0_i32_1 = arith.constant 0 : i32
    return %c0_i32, %c0_i32_0 : i32, i32
  }
  func.func @transform_2(%arg0: i32) -> (i32, i32) {
    %c0_i32 = arith.constant 0 : i32
    %c0_i32_0 = arith.constant 0 : i32
    %c0_i32_1 = arith.constant 0 : i32
    return %c0_i32, %c0_i32_0 : i32, i32
  }
  func.func @transform_3(%arg0: i32) -> (i32, i32) {
    %c0_i32 = arith.constant 0 : i32
    %c0_i32_0 = arith.constant 0 : i32
    return %arg0, %c0_i32 : i32, i32
  }
  func.func @transform_4(%arg0: i32) -> (i32, i32) {
    %c0_i32 = arith.constant 0 : i32
    %c0_i32_0 = arith.constant 0 : i32
    return %arg0, %c0_i32 : i32, i32
  }
}

module attributes {stable_mosaic.version = 14 : i64} {
  func.func @body(%arg0: i32, %arg1: memref<2000x128xf32, #tpu.memory_space<vmem>>, %arg2: memref<2000x128xf32, #tpu.memory_space<vmem>>, %arg3: memref<2000x128xf32, #tpu.memory_space<vmem>>, %arg4: memref<128x256xf32, #tpu.memory_space<vmem>>, %arg5: memref<1x256xf32, #tpu.memory_space<vmem>>, %arg6: memref<2000x128xf32, #tpu.memory_space<vmem>>, %arg7: memref<2000x128xf32, #tpu.memory_space<vmem>>, %arg8: memref<2000x128xf32, #tpu.memory_space<vmem>>) attributes {dimension_semantics = [#tpu.dimension_semantics<arbitrary>], iteration_bounds = array<i64: 5>, scalar_prefetch = 0 : i64, scratch_operands = 0 : i64, tpu.core_type = #tpu.core_type<tc>, window_params = [{transform_indices = @transform_0, window_bounds = array<i64: 2000, 128>}, {transform_indices = @transform_1, window_bounds = array<i64: 2000, 128>}, {transform_indices = @transform_2, window_bounds = array<i64: 2000, 128>}, {pipeline_mode = #tpu.pipeline_mode<synchronous>, transform_indices = @transform_3, window_bounds = array<i64: 128, 256>}, {pipeline_mode = #tpu.pipeline_mode<synchronous>, transform_indices = @transform_4, window_bounds = array<i64: 1, 256>}, {transform_indices = @transform_5, window_bounds = array<i64: 2000, 128>}, {transform_indices = @transform_6, window_bounds = array<i64: 2000, 128>}, {transform_indices = @transform_7, window_bounds = array<i64: 2000, 128>}]} {
    %get3A = arith.constant 0 : index
    %get3A_0 = arith.constant 0 : index
    %get3A_1 = vector.load %arg2[%get3A, %get3A_0] : memref<2000x128xf32, #tpu.memory_space<vmem>>, vector<2000x16xf32>
    %reduce_max3A = arith.constant dense<0xFF800000> : vector<2000xf32>
    %reduce_max3A_2 = vector.multi_reduction <maximumf>, %get3A_1, %reduce_max3A [1] : vector<2000x16xf32> to vector<2000xf32>
    %broadcast_in_dim3A = vector.shape_cast %reduce_max3A_2 : vector<2000xf32> to vector<2000x1xf32>
    %get3A_3 = arith.constant 0 : index
    %get3A_4 = arith.constant 16 : index
    %get3A_5 = vector.load %arg2[%get3A_3, %get3A_4] : memref<2000x128xf32, #tpu.memory_space<vmem>>, vector<2000x16xf32>
    %reduce_max3A_6 = arith.constant dense<0xFF800000> : vector<2000xf32>
    %reduce_max3A_7 = vector.multi_reduction <maximumf>, %get3A_5, %reduce_max3A_6 [1] : vector<2000x16xf32> to vector<2000xf32>
    %broadcast_in_dim3A_8 = vector.shape_cast %reduce_max3A_7 : vector<2000xf32> to vector<2000x1xf32>
    %add3A = arith.addf %broadcast_in_dim3A, %broadcast_in_dim3A_8 : vector<2000x1xf32>
    %max3A = arith.constant 1.000000e+00 : f32
    %max3A_9 = vector.broadcast %max3A : f32 to vector<2000x1xf32>
    %max3A_10 = arith.maximumf %add3A, %max3A_9 : vector<2000x1xf32>
    %div3A = arith.constant 1.000000e+00 : f32
    %div3A_11 = vector.broadcast %div3A : f32 to vector<2000x1xf32>
    %div3A_12 = arith.divf %div3A_11, %max3A_10 : vector<2000x1xf32>
    %get3A_13 = arith.constant 0 : index
    %get3A_14 = arith.constant 0 : index
    %get3A_15 = vector.load %arg1[%get3A_13, %get3A_14] : memref<2000x128xf32, #tpu.memory_space<vmem>>, vector<2000x128xf32>
    %mul3A = vector.broadcast %div3A_12 : vector<2000x1xf32> to vector<2000x128xf32>
    %mul3A_16 = arith.mulf %get3A_15, %mul3A : vector<2000x128xf32>
    %get3A_17 = arith.constant 0 : index
    %get3A_18 = arith.constant 0 : index
    %get3A_19 = vector.load %arg3[%get3A_17, %get3A_18] : memref<2000x128xf32, #tpu.memory_space<vmem>>, vector<2000x128xf32>
    %add3A_20 = arith.addf %mul3A_16, %get3A_19 : vector<2000x128xf32>
    %max3A_21 = arith.constant 0.000000e+00 : f32
    %max3A_22 = vector.broadcast %max3A_21 : f32 to vector<2000x128xf32>
    %max3A_23 = arith.maximumf %add3A_20, %max3A_22 : vector<2000x128xf32>
    %get3A_24 = arith.constant 0 : index
    %get3A_25 = arith.constant 0 : index
    %get3A_26 = vector.load %arg4[%get3A_24, %get3A_25] : memref<128x256xf32, #tpu.memory_space<vmem>>, vector<128x256xf32>
    %dot_general3A = arith.constant dense<0.000000e+00> : vector<2000x256xf32>
    %dot_general3A_27 = tpu.matmul %max3A_23, %get3A_26, %dot_general3A {dimension_numbers = #tpu.dot_dimension_numbers<[1], [0], [0], [1], [0, 0, 1, 1], [], []>, transpose_lhs_hint = false} : vector<2000x128xf32>, vector<128x256xf32>, vector<2000x256xf32> -> vector<2000x256xf32>
    %get3A_28 = arith.constant 0 : index
    %get3A_29 = arith.constant 0 : index
    %get3A_30 = vector.load %arg5[%get3A_28, %get3A_29] : memref<1x256xf32, #tpu.memory_space<vmem>>, vector<1x256xf32>
    %add3A_31 = vector.broadcast %get3A_30 : vector<1x256xf32> to vector<2000x256xf32>
    %add3A_32 = arith.addf %dot_general3A_27, %add3A_31 : vector<2000x256xf32>
    %slice3A = vector.extract_strided_slice %add3A_32 {offsets = [0, 0], sizes = [2000, 128], strides = [1, 1]} : vector<2000x256xf32> to vector<2000x128xf32>
    %swap3A = arith.constant 0 : index
    %swap3A_33 = arith.constant 0 : index
    %swap3A_34 = vector.load %arg6[%swap3A, %swap3A_33] : memref<2000x128xf32, #tpu.memory_space<vmem>>, vector<2000x128xf32>
    tpu.vector_store %arg6[%swap3A, %swap3A_33], %slice3A {strides = array<i32>} : memref<2000x128xf32, #tpu.memory_space<vmem>>, vector<2000x128xf32>,
    %slice3A_35 = vector.extract_strided_slice %add3A_32 {offsets = [0, 128], sizes = [2000, 128], strides = [1, 1]} : vector<2000x256xf32> to vector<2000x128xf32>
    %swap3A_36 = arith.constant 0 : index
    %swap3A_37 = arith.constant 0 : index
    %swap3A_38 = vector.load %arg7[%swap3A_36, %swap3A_37] : memref<2000x128xf32, #tpu.memory_space<vmem>>, vector<2000x128xf32>
    tpu.vector_store %arg7[%swap3A_36, %swap3A_37], %slice3A_35 {strides = array<i32>} : memref<2000x128xf32, #tpu.memory_space<vmem>>, vector<2000x128xf32>,
    %broadcast_in_dim3A_39 = vector.shape_cast %div3A_12 : vector<2000x1xf32> to vector<2000x1xf32>
    %broadcast_in_dim3A_40 = vector.broadcast %broadcast_in_dim3A_39 : vector<2000x1xf32> to vector<2000x128xf32>
    %swap3A_41 = arith.constant 0 : index
    %swap3A_42 = arith.constant 0 : index
    %swap3A_43 = vector.load %arg8[%swap3A_41, %swap3A_42] : memref<2000x128xf32, #tpu.memory_space<vmem>>, vector<2000x128xf32>
    tpu.vector_store %arg8[%swap3A_41, %swap3A_42], %broadcast_in_dim3A_40 {strides = array<i32>} : memref<2000x128xf32, #tpu.memory_space<vmem>>, vector<2000x128xf32>,
    return
  }
  func.func @transform_0(%arg0: i32) -> (i32, i32) {
    %c0_i32 = arith.constant 0 : i32
    %c0_i32_0 = arith.constant 0 : i32
    return %arg0, %c0_i32 : i32, i32
  }
  func.func @transform_1(%arg0: i32) -> (i32, i32) {
    %c0_i32 = arith.constant 0 : i32
    %c0_i32_0 = arith.constant 0 : i32
    return %arg0, %c0_i32 : i32, i32
  }
  func.func @transform_2(%arg0: i32) -> (i32, i32) {
    %c0_i32 = arith.constant 0 : i32
    %c0_i32_0 = arith.constant 0 : i32
    return %arg0, %c0_i32 : i32, i32
  }
  func.func @transform_3(%arg0: i32) -> (i32, i32) {
    %c0_i32 = arith.constant 0 : i32
    %c0_i32_0 = arith.constant 0 : i32
    %c0_i32_1 = arith.constant 0 : i32
    return %c0_i32, %c0_i32_0 : i32, i32
  }
  func.func @transform_4(%arg0: i32) -> (i32, i32) {
    %c0_i32 = arith.constant 0 : i32
    %c0_i32_0 = arith.constant 0 : i32
    %c0_i32_1 = arith.constant 0 : i32
    return %c0_i32, %c0_i32_0 : i32, i32
  }
  func.func @transform_5(%arg0: i32) -> (i32, i32) {
    %c0_i32 = arith.constant 0 : i32
    %c0_i32_0 = arith.constant 0 : i32
    return %arg0, %c0_i32 : i32, i32
  }
  func.func @transform_6(%arg0: i32) -> (i32, i32) {
    %c0_i32 = arith.constant 0 : i32
    %c0_i32_0 = arith.constant 0 : i32
    return %arg0, %c0_i32 : i32, i32
  }
  func.func @transform_7(%arg0: i32) -> (i32, i32) {
    %c0_i32 = arith.constant 0 : i32
    %c0_i32_0 = arith.constant 0 : i32
    return %arg0, %c0_i32 : i32, i32
  }
}

</mosaic_0001>

<sc_bundles>
// kernel: kernel.6.cloned.1.call-start
scs
__scs_entry_jumppad:
0x0: {  	(pc) =	sbr.rel $0x88, $3  }
0x1: {  	(tag) =	ssettag $0x0;
	lr =	simm.s32 $0x1  }
0x2: {  	[smem:$0x3F99] =	sst lr;
	_ =	strace $0xD0000000  }
0x3: {  	_ = 	snop  }
0x4: {  	_ = 	snop  }
0x5: {  	_ = 	snop  }
0x6: {  	_ = 	snop  }
0x7: {  	_ = 	snop  }
__scs_overlays_trampoline_lowered:
0x8: {  	[smem:$0x3FA8] =	sst s0  }
0x9: {  	[smem:$0x3FA9] =	sst s1  }
0xa: {  	[smem:$0x3FAA] =	sst s2  }
0xb: {  	[smem:$0x3FAB] =	sst s3  }
0xc: {  	[smem:$0x3FAC] =	sst s4  }
0xd: {  	[smem:$0x3FAD] =	sst s5  }
0xe: {  	[smem:$0x3FAE] =	sst s6  }
0xf: {  	[smem:$0x3FAF] =	sst s7  }
0x10: {  	[smem:$0x3FB0] =	sst s8  }
0x11: {  	[smem:$0x3FB1] =	sst s9;
	s0 =	simm.s32 @!p0 $0x0  }
0x12: {  	s1 =	sld [smem:$0x3F97];
	s0 =	simm.s32 @p0 $0x1  }
0x13: {  	[smem:$0x3FB2] =	sst s0;
	s0 =	simm.s32 @!p1 $0x0  }
0x14: {  	s2 =	sld [smem:$0x3F96];
	s0 =	simm.s32 @p1 $0x1  }
0x15: {  	[smem:$0x3FB3] =	sst s0;
	s0 =	simm.s32 @!p2 $0x0  }
0x16: {  	s3 =	sld [smem:$0x3FDB];
	s0 =	simm.s32 @p2 $0x1  }
0x17: {  	s4 =	simm.s32 $0x1BF5;
	[smem:$0x3FB5] =	sst s0  }
0x18: {  	s0 =	sld [smem:$0x3F98];
	_ =	swait.ge [sflag:s4], $0x0  }
0x19: {  	s7 =	sld [smem:$0x3F99]  }
0x1a: {  	s8 =	sadd.s32 $0xFFFFE003, lr  }
0x1b: {  	s9 =	sadd.s32 $0xFFFFFEF7, lr;
	s5 =	simm.s32 $0xFFFFFFFF;
	p2 =	slt.u32 s8, $0xFFFFF086  }
0x1c: {  	p1 =	slt.u32 s9, $0xF7A;
	s5 =	simm.s32 @!p2 $0x0  }
0x1d: {  	s5 =	simm.s32 @p1 $0x1;
	p0 =	seq.s32 s7, s2  }
0x1e: {  	s7 =	smul.u32 @!p0 $0xF7A, s2;
	p2 =	seq.s32 @!p0 s5, $0x0  }
0x1f: {  	s9 =	smul.u32 $0xF7A, s1;
	s8 =	simm.s32 @!p0 $0x1BF5;
	p2 =	por !p2, p0  }
0x20: {  	[sflag:s8] =	ssyncset.s32 @!p0 $0xFFFFF086;
	s6 =	sadd.s32 @!p0 s3, s7;
	s7 =	simm.s32 @!p0 $0x108  }
0x21: {  	s3 =	sadd.s32 s3, s9;
	s6 =	sadd.s32 @!p0 $0x88, s6;
	s7 =	simm.s32 @p2 $0x1082  }
0x22: {  	[simem:s7], [sflag:s8] =	dma.local @!p0 [hbm:s6], $0xF7A  }
0x23: {  	s9 =	sor.u32 $0xD0000000, s2;
	s6 =	simm.s32 $0x108;
	_ =	swait.ge @!p0 [sflag:s8], $0x0  }
0x24: {  	s3 =	sadd.s32 $0x88, s3;
	s6 =	simm.s32 @!p1 $0x1082;
	[sflag:s4] =	ssyncset.s32 $0xFFFFF086  }
0x25: {  	[simem:s6], [sflag:s4] =	dma.local [hbm:s3], $0xF7A  }
0x26: {  	[smem:$0x3F99] =	sst s1;
	(tag) =	ssettag s2;
	_ =	strace s9  }
0x27: {  	s1 =	sld [smem:$0x3FA9]  }
0x28: {  	s2 =	sld [smem:$0x3FAA]  }
0x29: {  	s4 =	sld [smem:$0x3FAC]  }
0x2a: {  	p0 =	seq.s32 s5, $0x0;
	s5 =	sld [smem:$0x3FAD]  }
0x2b: {  	s6 =	sld [smem:$0x3FAE]  }
0x2c: {  	s7 =	sld [smem:$0x3FAF]  }
0x2d: {  	s3 =	simm.s32 $0x108;
	s8 =	sld [smem:$0x3FB0]  }
0x2e: {  	s3 =	simm.s32 @!p0 $0x1082;
	s9 =	sld [smem:$0x3FB1]  }
0x2f: {  	lr =	sadd.s32 s0, s3;
	s0 =	sld [smem:$0x3FA8]  }
0x30: {  	s3 =	sld [smem:$0x3FAB]  }
0x31: {  	[smem:$0x3FB4] =	sst s10  }
0x32: {  	s10 =	sld [smem:$0x3FB2];
	_ =	sdelay $0x3  }
0x33: {  	p0 =	seq.s32 s10, $0x1;
	s10 =	sld [smem:$0x3FB4];
	_ =	sdelay $0x3  }
0x34: {  	[smem:$0x3FB4] =	sst s10  }
0x35: {  	s10 =	sld [smem:$0x3FB3];
	_ =	sdelay $0x3  }
0x36: {  	p1 =	seq.s32 s10, $0x1;
	s10 =	sld [smem:$0x3FB4];
	_ =	sdelay $0x3  }
0x37: {  	[smem:$0x3FB4] =	sst s10  }
0x38: {  	s10 =	sld [smem:$0x3FB5]  }
0x39: {  	_ = 	snop;
	(pc) =	sbr.ind lr, $3  }
0x3a: {  	_ = 	snop  }
0x3b: {  	_ = 	snop  }
0x3c: {  	p2 =	seq.s32 s10, $0x1;
	s10 =	sld [smem:$0x3FB4]  }
0x3d: {  	_ =	shalt  }
0x3e: {  	_ =	shalt  }
0x3f: {  	_ =	shalt  }
0x40: {  	_ =	shalt  }
0x41: {  	_ =	shalt  }
0x42: {  	_ =	shalt  }
0x43: {  	_ =	shalt  }
0x44: {  	_ =	shalt  }
0x45: {  	_ =	shalt  }
0x46: {  	_ =	shalt  }
0x47: {  	_ =	shalt  }
0x48: {  	_ =	shalt  }
0x49: {  	_ =	shalt  }
0x4a: {  	_ =	shalt  }
0x4b: {  	_ =	shalt  }
0x4c: {  	_ =	shalt  }
0x4d: {  	_ =	shalt  }
0x4e: {  	_ =	shalt  }
0x4f: {  	_ =	shalt  }
0x50: {  	_ =	shalt  }
0x51: {  	_ =	shalt  }
0x52: {  	_ =	shalt  }
0x53: {  	_ =	shalt  }
0x54: {  	_ =	shalt  }
0x55: {  	_ =	shalt  }
0x56: {  	_ =	shalt  }
0x57: {  	_ =	shalt  }
0x58: {  	_ =	shalt  }
0x59: {  	_ =	shalt  }
0x5a: {  	_ =	shalt  }
0x5b: {  	_ =	shalt  }
0x5c: {  	_ =	shalt  }
0x5d: {  	_ =	shalt  }
0x5e: {  	_ =	shalt  }
0x5f: {  	_ =	shalt  }
0x60: {  	_ =	shalt  }
0x61: {  	_ =	shalt  }
0x62: {  	_ =	shalt  }
0x63: {  	_ =	shalt  }
0x64: {  	_ =	shalt  }
0x65: {  	_ =	shalt  }
0x66: {  	_ =	shalt  }
0x67: {  	_ =	shalt  }
0x68: {  	_ =	shalt  }
0x69: {  	_ =	shalt  }
0x6a: {  	_ =	shalt  }
0x6b: {  	_ =	shalt  }
0x6c: {  	_ =	shalt  }
0x6d: {  	_ =	shalt  }
0x6e: {  	_ =	shalt  }
0x6f: {  	_ =	shalt  }
0x70: {  	_ =	shalt  }
0x71: {  	_ =	shalt  }
0x72: {  	_ =	shalt  }
0x73: {  	_ =	shalt  }
0x74: {  	_ =	shalt  }
0x75: {  	_ =	shalt  }
0x76: {  	_ =	shalt  }
0x77: {  	_ =	shalt  }
0x78: {  	_ =	shalt  }
0x79: {  	_ =	shalt  }
0x7a: {  	_ =	shalt  }
0x7b: {  	_ =	shalt  }
0x7c: {  	_ =	shalt  }
0x7d: {  	_ =	shalt  }
0x7e: {  	_ =	shalt  }
0x7f: {  	_ =	shalt  }
0x80: {  	_ =	shalt  }
0x81: {  	_ =	shalt  }
0x82: {  	_ =	shalt  }
0x83: {  	_ =	shalt  }
0x84: {  	_ =	shalt  }
0x85: {  	_ =	shalt  }
0x86: {  	_ =	shalt  }
0x87: {  	_ =	shalt  }
.Lfunc_end0:
.L_simem_size_0:
called_computation_lowered:
.L_overlay_start_0:
0x88: {  	s2 =	sld [smem:$0x3FD9]  }
0x89: {  	s3 =	sld [smem:$0x3FFE];
	_ =	sdelay $0x1  }
0x8a: {  	s1 =	srdreg.scid  }
0x8b: {  	s0 =	sand.u32 $0x1, s1  }
0x8c: {  	s17 =	sshll.u32 s0, $0xA;
	s2 =	sadd.s32 s3, s2  }
0x8d: {  	s2 =	sadd.s32 s2, s17  }
0x8e: {  	[smem:$0x3FC0] =	sst s2  }
0x8f: {  	_ = 	snop  }
0x90: {  	s2 =	sld [smem:$0x3FD0];
	(tm) =	ssettm $0x1  }
0x91: {  	s18 =	sld [smem:$0x3FFB];
	_ =	sdelay $0x3  }
0x92: {  	_ =	strace s18  }
0x93: {  	s3 =	sld [smem:$0x3FFC];
	_ =	sdelay $0x3  }
0x94: {  	_ =	strace s3  }
0x95: {  	s3 =	sld [smem:$0x3FFD];
	_ =	sdelay $0x3  }
0x96: {  	_ =	strace s3  }
0x97: {  	_ =	strace $0x8FFFFFFF  }
0x98: {  	s19 =	sld [smem:$0x3FDB];
	_ =	sdelay $0x1  }
0x99: {  	s4 =	simm.s32 $_scs_section_size  }
0x9a: {  	s5 =	simm.s32 $_size__tile_overlayer_lowered;
	s6 =	simm.s32 $_tile_overlayer_lowered  }
0x9b: {  	s22 =	simm.s32 $0x1BFF;
	s21 =	sshll.u32 s6, $0x1;
	s3 =	sadd.s32 s4, s19  }
0x9c: {  	s7 =	simm.s32 $0x0;
	s20 =	sshll.u32 s5, $0x1;
	s5 =	sadd.s32 s21, s3  }
0x9d: {  	[timem:s7], [sflag:s22] =	dma.local [hbm:s5], s20  }
0x9e: {  	_ =	swait.ge [sflag:s22], s20  }
0x9f: {  	s4 =	ssub.s32 $0x0, s20;
	[sflag:s22] =	ssyncset.done $0x0  }
0xa0: {  	[sflag:s22] =	ssyncadd.s32 s4;
	_ =	sdelay $0x1  }
0xa1: {  	s23 =	simm.s32 $0x1B8B  }
0xa2: {  	_ =	swait.ge [sflag:s23], $0x1  }
0xa3: {  	[sflag:s23] =	ssyncset.done $0x0  }
0xa4: {  	s25 =	simm.s32 $0x1B8E;
	s24 =	sld [smem:$0x3FFE];
	[sflag:s23] =	ssyncadd.s32 $0xFFFFFFFF  }
0xa5: {  	s26 =	simm.s32 $execute0_lowered;
	[smem:$0x3FD2] =	sst s25  }
0xa6: {  	s5 =	sshll.u32 s26, $0x1;
	_ =	strace $0x80000046;
	[dreg:$0x1] =	wrdreg $0xFFFFFFFF  }
0xa7: {  	s28 =	simm.s32 $_size_execute0_lowered;
	s3 =	sadd.s32 s3, s5;
	[dreg:$0x0] =	wrdreg $0x0  }
0xa8: {  	s5 =	sshll.u32 s28, $0x1;
	[dreg:$0x2] =	wrdreg s3  }
0xa9: {  	[dreg:$0x3] =	wrdreg s5  }
0xaa: {  	[dreg:$0x4] =	wrdreg $0xC0  }
0xab: {  	_ =	task [dreg:s7], $0x5FFFF  }
0xac: {  	[dreg:$0x1] =	wrdreg $0xFFFFFFFF  }
0xad: {  	[dreg:$0x0] =	wrdreg $0x60  }
0xae: {  	[dreg:$0x2] =	wrdreg s2  }
0xaf: {  	[dreg:$0x3] =	wrdreg s24  }
0xb0: {  	[dreg:$0x4] =	wrdreg $0x114400  }
0xb1: {  	[dreg:$0x5] =	wrdreg $0x1BAA00  }
0xb2: {  	[dreg:$0x6] =	wrdreg $0x9  }
0xb3: {  	_ =	task.clear_ibuf [dreg:s7], $0x7FFFF;
	_ =	strace $0x90000046  }
0xb4: {  	s29 =	simm.s32 $0x9;
	_ =	strace $0x80000048  }
0xb5: {  	_ =	swait.ge [sflag:s29], $0x1  }
0xb6: {  	[sflag:s29] =	ssyncadd.s32 $0xFFFFFFFF  }
0xb7: {  	_ =	strace $0x90000048  }
0xb8: {  	_ =	sfence  }
0xb9: {  	s30 =	sld [smem:$0x0];
	_ =	sdelay $0x2  }
0xba: {  	s31 =	sshll.u32 s1, $0xD;
	s1 =	sshrl.u32 s1, $0x2  }
0xbb: {  	s3 =	sand.u32 $0x4000, s31;
	s1 =	sadd.s32 s1, s30  }
0xbc: {  	s0 =	sor.u32 s3, s0;
	s1 =	sshll.u32 s1, $0x11  }
0xbd: {  	s0 =	sor.u32 s1, s0  }
0xbe: {  	s0 =	sadd.s32 $0x8F2B, s0  }
0xbf: {  	[sflag:s0] =	ssyncadd.remote.s32 $0x1  }
0xc0: {  	_ =	sfence.sel $0xFFFF  }
0xc1: {  	[dreg:$0x0] =	wrdreg $0xFFFFFFFF;
	(pc) =	sbr.abs _section_cstart, $3  }
0xc2: {  	[dreg:$0x1] =	wrdreg $0xFFFFFFFF  }
0xc3: {  	_ =	task.clear_ibuf [dreg:s7], $0x2FFFF;
	_ =	strace $0x9FFFFFFF  }
0xc4: {  	(tm) =	ssettm $0x7FFFFFFF  }
0xc5: {  	_ =	shalt  }
tec
execute0_lowered:
.L_overlay_start_1:
0x0: {  	(tag) =	ssettag $0x1  }
0x1: {  	s0 =	srdreg.scid  }
0x2: {  	s9 =	rddreg [dreg:$0x1];
	s23 =	stileid.u32  }
0x3: {  	s28 =	simm.s32 $0x4;
	s29 =	simm.s32 $0x5;
	s1 =	sand.u32 $0x1, s0  }
0x4: {  	s10 =	sadd.s32 $0x3D200, s9;
	s8 =	sor.u32 $0x10, s23;
	s12 =	smul.u32 $0x2800, s23  }
0x5: {  	s6 =	sor.u32 $0x20, s23;
	s5 =	sor.u32 $0x30, s23;
	s13 =	smul.u32 $0x2800, s8  }
0x6: {  	s4 =	sor.u32 $0x40, s23;
	s3 =	sor.u32 $0x60, s23;
	s15 =	smul.u32 $0x2800, s6  }
0x7: {  	s0 =	ssub.s32 $0x2, s1;
	s11 =	sshll.u32 s1, $0x6;
	s17 =	smul.u32 $0x2800, s5  }
0x8: {  	s20 =	smul.u32 $0x2800, s3;
	s2 =	sshrl.u32 s0, $0x1;
	s22 =	sor.u32 s11, s12  }
0x9: {  	s7 =	ssub.s32 s0, s2;
	s2 =	sor.u32 $0x50, s23;
	s16 =	sor.u32 s11, s15  }
0xa: {  	s14 =	sshrl.u32 s22, $0x3;
	s25 =	sshrl.u32 s16, $0x3;
	s16 =	smul.u32 $0x2800, s4  }
0xb: {  	s0 =	sor.u32 $0x70, s23;
	s24 =	sor.u32 s11, s13;
	s18 =	smul.u32 $0x2800, s2  }
0xc: {  	s26 =	sor.u32 s11, s17;
	s14 =	sadd.s32 s10, s14;
	s22 =	smul.u32 $0x2800, s0  }
0xd: {  	s7 =	smax.u32 s7, $0x1;
	[dreg:$0x5] =	wrdreg s14;
	s14 =	sshrl.u32 s24, $0x3  }
0xe: {  	s14 =	sadd.s32 s10, s14;
	s19 =	sor.u32 s11, s16;
	s21 =	sor.u32 s11, s18  }
0xf: {  	[dreg:$0x6] =	wrdreg s14;
	s14 =	sadd.s32 s10, s25;
	s19 =	sshrl.u32 s19, $0x3  }
0x10: {  	s24 =	sshrl.u32 s21, $0x3;
	[dreg:$0x7] =	wrdreg s14;
	s14 =	sshrl.u32 s26, $0x3  }
0x11: {  	s25 =	sor.u32 s11, s20;
	s11 =	sor.u32 s11, s22;
	s14 =	sadd.s32 s10, s14  }
0x12: {  	s19 =	sadd.s32 s10, s19;
	[dreg:$0x8] =	wrdreg s14;
	s14 =	sadd.s32 s10, s24  }
0x13: {  	s11 =	sshrl.u32 s11, $0x3;
	[dreg:$0xa] =	wrdreg s14;
	s14 =	sshrl.u32 s25, $0x3  }
0x14: {  	s26 =	smul.u32 $0x4E20, s23;
	[dreg:$0x9] =	wrdreg s19;
	s14 =	sadd.s32 s10, s14  }
0x15: {  	p0 =	sgt.u32 s0, $0x7C;
	s10 =	sadd.s32 s10, s11;
	[dreg:$0xb] =	wrdreg s14  }
0x16: {  	s11 =	sshll.u32 s1, $0x4;
	[dreg:$0xc] =	wrdreg s10;
	s14 =	sshrl.u32 s26, $0x3  }
0x17: {  	s12 =	sor.u32 s11, s12;
	s13 =	sor.u32 s11, s13;
	s15 =	sor.u32 s11, s15  }
0x18: {  	s21 =	sor.u32 s11, s17;
	s16 =	sor.u32 s11, s16;
	s24 =	sor.u32 s11, s18  }
0x19: {  	s25 =	sor.u32 s11, s20;
	s26 =	simm.s32 $0x0;
	s18 =	rddreg [dreg:$0x2]  }
0x1a: {  	s10 =	sor.u32 s11, s22;
	[smem:$0x7FF] =	sst s26;
	s11 =	sadd.s32 s14, s9  }
0x1b: {  	s9 =	sadd.s32 $0x64400, s9;
	s12 =	sshrl.u32 s12, $0x3;
	s13 =	sshrl.u32 s13, $0x3  }
0x1c: {  	s19 =	sshrl.u32 s15, $0x3;
	s20 =	sshrl.u32 s21, $0x3;
	s21 =	sshrl.u32 s16, $0x3  }
0x1d: {  	s16 =	rddreg [dreg:$0x0];
	s24 =	sshrl.u32 s24, $0x3;
	s14 =	smul.u32 $0x5000, s8  }
0x1e: {  	s25 =	sshrl.u32 s25, $0x3;
	s10 =	sshrl.u32 s10, $0x3;
	s8 =	smul.u32 $0x1400, s8  }
0x1f: {  	s12 =	sadd.s32 s9, s12;
	s22 =	sadd.s32 s9, s21;
	s21 =	rddreg [dreg:$0x3]  }
0x20: {  	s13 =	sadd.s32 s9, s13;
	s26 =	sadd.s32 s9, s25;
	[dreg:$0xd] =	wrdreg s12  }
0x21: {  	s15 =	sadd.s32 $0x2600, s11;
	[dreg:$0xe] =	wrdreg s13;
	s13 =	smul.u32 $0x5000, s23  }
0x22: {  	s17 =	sadd.s32 $0xC240, s11;
	[dreg:$0x13] =	wrdreg s26;
	s26 =	smul.u32 $0x5000, s4  }
0x23: {  	s12 =	sadd.s32 s9, s19;
	[dreg:$0x11] =	wrdreg s22;
	s4 =	smul.u32 $0x1400, s4  }
0x24: {  	[dreg:$0xf] =	wrdreg s12;
	s12 =	sadd.s32 s9, s20;
	s20 =	smul.u32 $0x5000, s6  }
0x25: {  	s22 =	sshrl.u32 s14, $0x2;
	s6 =	smul.u32 $0x1400, s6;
	[dreg:$0x10] =	wrdreg s12  }
0x26: {  	s12 =	sadd.s32 s9, s24;
	s9 =	sadd.s32 s9, s10;
	s24 =	smul.u32 $0x5000, s5  }
0x27: {  	s19 =	sshrl.u32 s13, $0x2;
	s13 =	sadd.s32 s22, s18;
	s22 =	smul.u32 $0x1400, s23  }
0x28: {  	s14 =	sshrl.u32 s26, $0x2;
	s5 =	smul.u32 $0x1400, s5;
	[dreg:$0x12] =	wrdreg s12  }
0x29: {  	s4 =	sshrl.u32 s4, $0x2;
	[dreg:$0x14] =	wrdreg s9;
	s12 =	smul.u32 $0x5000, s2  }
0x2a: {  	s11 =	sadd.s32 s19, s18;
	s25 =	sshrl.u32 s20, $0x2;
	s19 =	smul.u32 $0x5000, s0  }
0x2b: {  	s2 =	smul.u32 $0x1400, s2;
	_ =	strace $0x80000047;
	[dreg:$0x15] =	wrdreg s15  }
0x2c: {  	s6 =	sshrl.u32 s6, $0x2;
	s0 =	smul.u32 $0x1400, s0;
	[dreg:$0x16] =	wrdreg s17  }
0x2d: {  	s4 =	sadd.s32 s4, s21;
	[dreg:$0x17] =	wrdreg s7;
	s30 =	sadd.s32 s25, s18  }
0x2e: {  	s9 =	sshrl.u32 s24, $0x2;
	s15 =	smul.u32 $0x5000, s3;
	s7 =	sadd.s32 s14, s18  }
0x2f: {  	s24 =	sshrl.u32 s22, $0x2;
	s25 =	sshrl.u32 s8, $0x2;
	[smem:$0x7F8] =	sst s4  }
0x30: {  	s6 =	sadd.s32 s6, s21;
	s5 =	sshrl.u32 s5, $0x2;
	[dreg:$0x18] =	wrdreg s11  }
0x31: {  	s3 =	smul.u32 $0x1400, s3;
	s22 =	simm.s32 $0xB040;
	[dreg:$0x19] =	wrdreg s13  }
0x32: {  	s14 =	simm.s32 $0xEC40;
	s31 =	sadd.s32 s9, s18;
	[dreg:$0x1c] =	wrdreg s7  }
0x33: {  	s17 =	sshrl.u32 s12, $0x2;
	s23 =	sshrl.u32 s19, $0x2;
	[smem:$0x7F6] =	sst s6  }
0x34: {  	s10 =	sadd.s32 s24, s21;
	s5 =	sadd.s32 s5, s21;
	[dreg:$0x1a] =	wrdreg s30  }
0x35: {  	s8 =	sadd.s32 s25, s21;
	s2 =	sshrl.u32 s2, $0x2;
	[smem:$0x7F7] =	sst s5  }
0x36: {  	s0 =	sshrl.u32 s0, $0x2;
	s12 =	simm.s32 $0xD;
	[dreg:$0x1b] =	wrdreg s31  }
0x37: {  	s19 =	simm.s32 $0x50;
	s24 =	simm.s32 $0xD840;
	[smem:$0x7FC] =	sst s10  }
0x38: {  	s25 =	simm.s32 $0x1;
	s7 =	sadd.s32 s17, s18;
	[smem:$0x7FD] =	sst s8  }
0x39: {  	s20 =	sshrl.u32 s15, $0x2;
	s2 =	sadd.s32 s2, s21;
	[dreg:$0x1d] =	wrdreg s7  }
0x3a: {  	s9 =	sadd.s32 s23, s18;
	s0 =	sadd.s32 s0, s21;
	[smem:$0x7F9] =	sst s2  }
0x3b: {  	s26 =	sshrl.u32 s3, $0x2;
	s23 =	simm.s32 $0xC440;
	[smem:$0x7FB] =	sst s0  }
0x3c: {  	s15 =	simm.s32 $0x2;
	s7 =	sadd.s32 s20, s18;
	[dreg:$0x1f] =	wrdreg s9  }
0x3d: {  	s17 =	simm.s32 $0x0;
	s2 =	sadd.s32 s26, s21;
	[dreg:$0x1e] =	wrdreg s7  }
0x3e: {  	v1 =	vimm.f32 $0.0e+00;
	v2 =	vimm.f32 $1.000000000e+00;
	v0 =	vmov s1;
	s20 =	simm.s32 $0x9C40;
	s26 =	simm.s32 $0x3;
	[smem:$0x7FA] =	sst s2  }
.LBB2_1:
0x3f: {  	s0 =	simm.s32 $0x0;
	s2 =	rddreg [dreg:$0x15]  }
0x40: {  	[tilespmem:s0], [sflag:$0xB] =	stream.linear.gather [hbm4b:s2+s0], $0x4E20, $0x38;
	[tilespmem:$0x1E1B8] =	vst v63  }
0x41: {  	s7 =	rddreg [dreg:$0x16];
	s3 =	simm.s32 $0x4E20  }
0x42: {  	[tilespmem:s3], [sflag:$0xC] =	stream.linear.gather [hbm4b:s7+s0], $0x4E20, $0x38;
	[tilespmem:$0x1E1B8] =	vst v63  }
0x43: {  	s2 =	simm.s32 $0x100;
	s0 =	simm.s32 $0x0  }
.LBB2_2:
0x44: {  	p1 =	sne.s32 s2, $0x4F00;
	[tilespmem:s0+$0x10070] =	vst v1;
	s3 =	smov.u32 s2;
	s2 =	sadd.s32 $0x100, s2  }
.Ltmp0:
0x45: {  	[tilespmem:s0+$0x10060] =	vst v1;
	(pc) =	sbr.rel @p1 .LBB2_2-.Ltmp0, $3  }
0x46: {  	[tilespmem:s0+$0x10040] =	vst v1  }
0x47: {  	[tilespmem:s0+$0x10050] =	vst v1;
	_ =	sdelay $0x1  }
0x48: {  	s0 =	sshra.s32 s3, $0x2  }
0x49: {  	[tilespmem:s0+$0x10070] =	vst v1  }
0x4a: {  	[tilespmem:s0+$0x10060] =	vst v1  }
0x4b: {  	[tilespmem:s0+$0x10040] =	vst v1  }
0x4c: {  	[tilespmem:s0+$0x10050] =	vst v1;
	s2 =	simm.s32 $0x10040  }
0x4d: {  	[spmem:s11] =	stream.linear.scatter [tilespmem:s2], [sflag:$0xD], $0x1400, $0x38;
	[tilespmem:$0x1E1B8] =	vst v63  }
0x4e: {  	_ =	swait.ge [sflag:s12], $0x1400  }
0x4f: {  	[sflag:s12] =	ssyncset.done $0x0  }
0x50: {  	[sflag:s12] =	ssyncadd.s32 $0xFFFFEC00  }
0x51: {  	[spmem:s13] =	stream.linear.scatter [tilespmem:s2], [sflag:$0xD], $0x1400, $0x38;
	[tilespmem:$0x1E1B8] =	vst v63  }
0x52: {  	_ =	swait.ge [sflag:s12], $0x1400  }
0x53: {  	[sflag:s12] =	ssyncset.done $0x0  }
0x54: {  	[sflag:s12] =	ssyncadd.s32 $0xFFFFEC00  }
0x55: {  	[spmem:s30] =	stream.linear.scatter [tilespmem:s2], [sflag:$0xD], $0x1400, $0x38;
	[tilespmem:$0x1E1B8] =	vst v63  }
0x56: {  	_ =	swait.ge [sflag:s12], $0x1400  }
0x57: {  	[sflag:s12] =	ssyncset.done $0x0  }
0x58: {  	[sflag:s12] =	ssyncadd.s32 $0xFFFFEC00  }
0x59: {  	[spmem:s31] =	stream.linear.scatter [tilespmem:s2], [sflag:$0xD], $0x1400, $0x38;
	[tilespmem:$0x1E1B8] =	vst v63  }
0x5a: {  	_ =	swait.ge [sflag:s12], $0x1400  }
0x5b: {  	[sflag:s12] =	ssyncset.done $0x0  }
0x5c: {  	s13 =	rddreg [dreg:$0x1c];
	[sflag:s12] =	ssyncadd.s32 $0xFFFFEC00  }
0x5d: {  	[spmem:s13] =	stream.linear.scatter [tilespmem:s2], [sflag:$0xD], $0x1400, $0x38;
	[tilespmem:$0x1E1B8] =	vst v63  }
0x5e: {  	_ =	swait.ge [sflag:s12], $0x1400  }
0x5f: {  	[sflag:s12] =	ssyncset.done $0x0  }
0x60: {  	s30 =	rddreg [dreg:$0x1d];
	[sflag:s12] =	ssyncadd.s32 $0xFFFFEC00  }
0x61: {  	[spmem:s30] =	stream.linear.scatter [tilespmem:s2], [sflag:$0xD], $0x1400, $0x38;
	[tilespmem:$0x1E1B8] =	vst v63  }
0x62: {  	_ =	swait.ge [sflag:s12], $0x1400  }
0x63: {  	[sflag:s12] =	ssyncset.done $0x0  }
0x64: {  	s31 =	rddreg [dreg:$0x1e];
	[sflag:s12] =	ssyncadd.s32 $0xFFFFEC00  }
0x65: {  	[spmem:s31] =	stream.linear.scatter [tilespmem:s2], [sflag:$0xD], $0x1400, $0x38;
	[tilespmem:$0x1E1B8] =	vst v63  }
0x66: {  	_ =	swait.ge [sflag:s12], $0x1400  }
0x67: {  	[sflag:s12] =	ssyncset.done $0x0  }
0x68: {  	s0 =	simm.s32 @!p0 $0x10040;
	[sflag:s12] =	ssyncadd.s32 $0xFFFFEC00  }
0x69: {  	[spmem:s9] =	stream.linear.scatter @!p0 [tilespmem:s0], [sflag:$0xD], $0x1400, $0x38;
	[tilespmem:$0x1E1B8] =	vst v63  }
0x6a: {  	s0 =	simm.s32 @!p0 $0xD  }
0x6b: {  	_ =	swait.ge @!p0 [sflag:s0], $0x1400  }
0x6c: {  	[sflag:s0] =	ssyncset.done @!p0 $0x0  }
0x6d: {  	s2 =	simm.s32 $0x0;
	[sflag:s0] =	ssyncadd.s32 @!p0 $0xFFFFEC00;
	s0 =	simm.s32 $0x40  }
.LBB2_4:
0x6e: {  	p1 =	sne.s32 s0, $0x13C0;
	[tilespmem:s2+$0x1B5A0] =	vst v1;
	s2 =	smov.u32 s0;
	s0 =	sadd.s32 $0x40, s0  }
.Ltmp1:
0x6f: {  	(pc) =	sbr.rel @p1 .LBB2_4-.Ltmp1, $2  }
0x70: {  	_ =	sdelay $0x2  }
0x71: {  	s2 =	sshra.s32 s2, $0x2  }
0x72: {  	[tilespmem:s2+$0x1B5A0] =	vst v1;
	s0 =	simm.s32 $0x40;
	s2 =	simm.s32 $0x0  }
.LBB2_6:
0x73: {  	p1 =	sne.s32 s0, $0x13C0;
	[tilespmem:s2+$0x1B0A0] =	vst v2;
	s2 =	smov.u32 s0;
	s0 =	sadd.s32 $0x40, s0  }
.Ltmp2:
0x74: {  	(pc) =	sbr.rel @p1 .LBB2_6-.Ltmp2, $2  }
0x75: {  	_ =	sdelay $0x2  }
0x76: {  	s2 =	sshra.s32 s2, $0x2  }
0x77: {  	[tilespmem:s2+$0x1B0A0] =	vst v2;
	s7 =	simm.s32 $0x1B5A0  }
0x78: {  	[spmem:s10] =	stream.linear.scatter [tilespmem:s7], [sflag:$0xD], $0x500, $0x38;
	[tilespmem:$0x1E1B8] =	vst v63  }
0x79: {  	_ =	swait.ge [sflag:s12], $0x500  }
0x7a: {  	[sflag:s12] =	ssyncset.done $0x0  }
0x7b: {  	[sflag:s12] =	ssyncadd.s32 $0xFFFFFB00  }
0x7c: {  	[spmem:s8] =	stream.linear.scatter [tilespmem:s7], [sflag:$0xD], $0x500, $0x38;
	[tilespmem:$0x1E1B8] =	vst v63  }
0x7d: {  	_ =	swait.ge [sflag:s12], $0x500  }
0x7e: {  	s0 =	sld [smem:$0x7F6]  }
0x7f: {  	[sflag:s12] =	ssyncset.done $0x0  }
0x80: {  	[sflag:s12] =	ssyncadd.s32 $0xFFFFFB00  }
0x81: {  	[spmem:s0] =	stream.linear.scatter [tilespmem:s7], [sflag:$0xD], $0x500, $0x38;
	[tilespmem:$0x1E1B8] =	vst v63  }
0x82: {  	_ =	swait.ge [sflag:s12], $0x500  }
0x83: {  	s9 =	sld [smem:$0x7F7]  }
0x84: {  	[sflag:s12] =	ssyncset.done $0x0  }
0x85: {  	[sflag:s12] =	ssyncadd.s32 $0xFFFFFB00  }
0x86: {  	[spmem:s9] =	stream.linear.scatter [tilespmem:s7], [sflag:$0xD], $0x500, $0x38;
	[tilespmem:$0x1E1B8] =	vst v63  }
0x87: {  	_ =	swait.ge [sflag:s12], $0x500  }
0x88: {  	s10 =	sld [smem:$0x7F8]  }
0x89: {  	[sflag:s12] =	ssyncset.done $0x0  }
0x8a: {  	[sflag:s12] =	ssyncadd.s32 $0xFFFFFB00  }
0x8b: {  	[spmem:s10] =	stream.linear.scatter [tilespmem:s7], [sflag:$0xD], $0x500, $0x38;
	[tilespmem:$0x1E1B8] =	vst v63  }
0x8c: {  	_ =	swait.ge [sflag:s12], $0x500  }
0x8d: {  	s11 =	sld [smem:$0x7F9]  }
0x8e: {  	[sflag:s12] =	ssyncset.done $0x0  }
0x8f: {  	[sflag:s12] =	ssyncadd.s32 $0xFFFFFB00  }
0x90: {  	[spmem:s11] =	stream.linear.scatter [tilespmem:s7], [sflag:$0xD], $0x500, $0x38;
	[tilespmem:$0x1E1B8] =	vst v63  }
0x91: {  	_ =	swait.ge [sflag:s12], $0x500  }
0x92: {  	s13 =	sld [smem:$0x7FA]  }
0x93: {  	[sflag:s12] =	ssyncset.done $0x0  }
0x94: {  	[sflag:s12] =	ssyncadd.s32 $0xFFFFFB00  }
0x95: {  	[spmem:s13] =	stream.linear.scatter [tilespmem:s7], [sflag:$0xD], $0x500, $0x38;
	[tilespmem:$0x1E1B8] =	vst v63  }
0x96: {  	_ =	swait.ge [sflag:s12], $0x500  }
0x97: {  	s2 =	sld [smem:$0x7FB]  }
0x98: {  	[sflag:s12] =	ssyncset.done $0x0  }
0x99: {  	s0 =	simm.s32 @!p0 $0x1B5A0;
	[sflag:s12] =	ssyncadd.s32 $0xFFFFFB00  }
0x9a: {  	[spmem:s2] =	stream.linear.scatter @!p0 [tilespmem:s0], [sflag:$0xD], $0x500, $0x38;
	[tilespmem:$0x1E1B8] =	vst v63  }
0x9b: {  	s0 =	simm.s32 @!p0 $0xD  }
0x9c: {  	_ =	swait.ge @!p0 [sflag:s0], $0x500  }
0x9d: {  	[sflag:s0] =	ssyncset.done @!p0 $0x0  }
0x9e: {  	s30 =	simm.s32 $0xB;
	[sflag:s0] =	ssyncadd.s32 @!p0 $0xFFFFFB00  }
0x9f: {  	_ =	swait.ge [sflag:s30], $0x4E20  }
0xa0: {  	[sflag:s30] =	ssyncset.done $0x0  }
0xa1: {  	s31 =	simm.s32 $0xC;
	[sflag:s30] =	ssyncadd.s32 $0xFFFFB1E0  }
0xa2: {  	_ =	swait.ge [sflag:s31], $0x4E20  }
0xa3: {  	[sflag:s31] =	ssyncset.done $0x0  }
0xa4: {  	s0 =	simm.s32 $0x0;
	[sflag:s31] =	ssyncadd.s32 $0xFFFFB1E0  }
0xa5: {  	v5 =	vld [tilespmem:s0+$0x0]  }
0xa6: {  	v6 =	vld [tilespmem:s0+$0x10]  }
0xa7: {  	v4 =	vld [tilespmem:s0+$0x20]  }
0xa8: {  	s2 =	simm.s32 $0x140;
	v3 =	vld [tilespmem:s0+$0x30]  }
.LBB2_8:
0xa9: {  	p1 =	sne.s32 s2, $0x13740;
	v7 =	vld [tilespmem:s0+$0x40]  }
0xaa: {  	v5 =	vshll.u32 v5, $0x1  }
0xab: {  	v5 =	vor.u32 v0, v5;
	v6 =	vshll.u32 v6, $0x1  }
.Ltmp3:
0xac: {  	s3 =	sshra.s32 s2, $0x2;
	[tilespmem:s0+$0x0] =	vst v5;
	v6 =	vor.u32 v0, v6;
	v4 =	vshll.u32 v4, $0x1;
	(pc) =	sbr.rel @p1 .LBB2_8-.Ltmp3, $4  }
0xad: {  	v5 =	vld [tilespmem:s3+$0x0];
	[tilespmem:s0+$0x10] =	vst v6;
	v4 =	vor.u32 v0, v4;
	v3 =	vshll.u32 v3, $0x1  }
0xae: {  	v6 =	vld [tilespmem:s3+$0x10];
	[tilespmem:s0+$0x20] =	vst v4;
	v3 =	vor.u32 v0, v3;
	v7 =	vshll.u32 v7, $0x1  }
0xaf: {  	v4 =	vld [tilespmem:s3+$0x20];
	[tilespmem:s0+$0x30] =	vst v3;
	v7 =	vor.u32 v0, v7  }
0xb0: {  	s2 =	sadd.s32 $0x140, s2;
	v3 =	vld [tilespmem:s3+$0x30];
	[tilespmem:s0+$0x40] =	vst v7;
	s0 =	smov.u32 s3  }
0xb1: {  	v7 =	vld [tilespmem:s0+$0x40]  }
0xb2: {  	v5 =	vshll.u32 v5, $0x1  }
0xb3: {  	v5 =	vor.u32 v0, v5;
	v6 =	vshll.u32 v6, $0x1  }
0xb4: {  	[tilespmem:s0+$0x0] =	vst v5;
	v62 =	vor.u32 v0, v6;
	v4 =	vshll.u32 v4, $0x1  }
0xb5: {  	[tilespmem:s0+$0x10] =	vst v62;
	v4 =	vor.u32 v0, v4;
	v3 =	vshll.u32 v3, $0x1  }
0xb6: {  	[tilespmem:s0+$0x20] =	vst v4;
	v3 =	vor.u32 v0, v3;
	v63 =	vshll.u32 v7, $0x1  }
0xb7: {  	[tilespmem:s0+$0x30] =	vst v3;
	v3 =	vor.u32 v0, v63  }
0xb8: {  	[tilespmem:s0+$0x40] =	vst v3  }
0xb9: {  	s13 =	simm.s32 $0x0;
	[bflag:$0x0] =	sbarrier.arrive $0xFFFF  }
0xba: {  	[tilespmem:s20], [sflag:$0x1] =	stream.indirect.gather [hbm4b:s16+s19], $0x40, s13, s19, $0xb8;
	[tilespmem:$0x1E1B8] =	vst v63  }
0xbb: {  	p1 =	por $0x1, $0x1  }
0xbc: {  	[tilespmem:s22], [sflag:$0x2] =	stream.indirect.gather [hbm4b:s16+s19], $0x40, s19, s19, $0xb8;
	[tilespmem:$0x1E1B8] =	vst v63  }
0xbd: {  	s2 =	simm.s32 $0xA0;
	p2 =	por p1, p1  }
0xbe: {  	[tilespmem:s23], [sflag:$0x3] =	stream.indirect.gather [hbm4b:s16+s19], $0x40, s2, s19, $0xb8;
	[tilespmem:$0x1E1B8] =	vst v63  }
0xbf: {  	s2 =	simm.s32 @!p2 $0x9  }
0xc0: {  	_ =	swait.ge @!p2 [sflag:s2], $0x1400  }
0xc1: {  	[sflag:s2] =	ssyncset.done @!p2 $0x0  }
0xc2: {  	s3 =	simm.s32 $0xF0;
	[sflag:s2] =	ssyncadd.s32 @!p2 $0xFFFFEC00  }
0xc3: {  	[tilespmem:s24], [sflag:$0x4] =	stream.indirect.gather [hbm4b:s16+s19], $0x40, s3, s19, $0xb8;
	[tilespmem:$0x1E1B8] =	vst v63  }
0xc4: {  	_ =	swait.ge [sflag:s25], $0x1400  }
0xc5: {  	s0 =	sand.u32 $0x1, s13;
	[sflag:s25] =	ssyncset.done $0x0  }
0xc6: {  	s4 =	simm.s32 $0x4E20;
	p1 =	sne.s32 s0, s1;
	[sflag:s25] =	ssyncadd.s32 $0xFFFFEC00  }
0xc7: {  	[spmem:s18] =	stream.indirect.scatter.add.f32 [tilespmem:s20], [sflag:$0x6], $0x40, s4, s19, $0xb8;
	[tilespmem:$0x1E1B8] =	vst v63  }
0xc8: {  	s0 =	simm.s32 @!p1 $0xE;
	s2 =	simm.s32 @!p1 $0x50;
	s3 =	simm.s32 @!p1 $0x1B0A0  }
0xc9: {  	[spmem:s21] =	stream.indirect.scatter.add.f32 @!p1 [tilespmem:s3], [sflag:$0xE], $0x10, s4, s2, $0xb8;
	[tilespmem:$0x1E1B8] =	vst v63  }
0xca: {  	_ =	swait.ge @!p1 [sflag:s0], $0x500  }
0xcb: {  	[sflag:s0] =	ssyncset.done @!p1 $0x0  }
0xcc: {  	s4 =	simm.s32 @!p2 $0xA;
	[sflag:s0] =	ssyncadd.s32 @!p1 $0xFFFFFB00  }
0xcd: {  	_ =	swait.ge @!p2 [sflag:s4], $0x1400  }
0xce: {  	[sflag:s4] =	ssyncset.done @!p2 $0x0  }
0xcf: {  	s5 =	simm.s32 $0x140;
	[sflag:s4] =	ssyncadd.s32 @!p2 $0xFFFFEC00  }
0xd0: {  	[tilespmem:s14], [sflag:$0x5] =	stream.indirect.gather [hbm4b:s16+s19], $0x40, s5, s19, $0xb8;
	[tilespmem:$0x1E1B8] =	vst v63  }
0xd1: {  	s30 =	simm.s32 $0x1;
	_ =	swait.ge [sflag:s15], $0x1400  }
0xd2: {  	s4 =	sand.u32 $0x1, s30;
	[sflag:s15] =	ssyncset.done $0x0  }
0xd3: {  	s5 =	simm.s32 $0x4E70;
	p3 =	sne.s32 s4, s1;
	[sflag:s15] =	ssyncadd.s32 $0xFFFFEC00  }
0xd4: {  	[spmem:s18] =	stream.indirect.scatter.add.f32 [tilespmem:s22], [sflag:$0x7], $0x40, s5, s19, $0xb8;
	[tilespmem:$0x1E1B8] =	vst v63  }
0xd5: {  	s4 =	simm.s32 @!p3 $0x50;
	s6 =	simm.s32 @!p3 $0x1B0A0;
	s7 =	simm.s32 @!p3 $0xE  }
0xd6: {  	[spmem:s21] =	stream.indirect.scatter.add.f32 @!p3 [tilespmem:s6], [sflag:$0xE], $0x10, s5, s4, $0xb8;
	[tilespmem:$0x1E1B8] =	vst v63  }
0xd7: {  	_ =	swait.ge @!p3 [sflag:s7], $0x500  }
0xd8: {  	p2 =	por $0x0, $0x0;
	[sflag:s7] =	ssyncset.done @!p3 $0x0  }
0xd9: {  	s4 =	simm.s32 @!p2 $0x6;
	[sflag:s7] =	ssyncadd.s32 @!p3 $0xFFFFFB00  }
0xda: {  	_ =	swait.ge @!p2 [sflag:s4], $0x1400  }
0xdb: {  	s5 =	simm.s32 @!p2 $0x190;
	[sflag:s4] =	ssyncset.done @!p2 $0x0  }
0xdc: {  	s6 =	simm.s32 @!p2 $0x50;
	s7 =	simm.s32 @!p2 $0x9C40;
	[sflag:s4] =	ssyncadd.s32 @!p2 $0xFFFFEC00  }
0xdd: {  	[tilespmem:s7], [sflag:$0x1] =	stream.indirect.gather @!p2 [hbm4b:s16+s6], $0x40, s5, s6, $0xb8;
	[tilespmem:$0x1E1B8] =	vst v63  }
0xde: {  	_ =	swait.ge [sflag:s26], $0x1400  }
0xdf: {  	[sflag:s26] =	ssyncset.done $0x0  }
0xe0: {  	s4 =	simm.s32 $0x4EC0;
	[sflag:s26] =	ssyncadd.s32 $0xFFFFEC00  }
0xe1: {  	[spmem:s18] =	stream.indirect.scatter.add.f32 [tilespmem:s23], [sflag:$0x8], $0x40, s4, s19, $0xb8;
	[tilespmem:$0x1E1B8] =	vst v63  }
0xe2: {  	_ = 	snop  }
0xe3: {  	[spmem:s21] =	stream.indirect.scatter.add.f32 @!p1 [tilespmem:s3], [sflag:$0xE], $0x10, s4, s2, $0xb8;
	[tilespmem:$0x1E1B8] =	vst v63  }
0xe4: {  	_ =	swait.ge @!p1 [sflag:s0], $0x500  }
0xe5: {  	[sflag:s0] =	ssyncset.done @!p1 $0x0  }
0xe6: {  	s4 =	simm.s32 @!p2 $0x7;
	[sflag:s0] =	ssyncadd.s32 @!p1 $0xFFFFFB00  }
0xe7: {  	_ =	swait.ge @!p2 [sflag:s4], $0x1400  }
0xe8: {  	[sflag:s4] =	ssyncset.done @!p2 $0x0  }
0xe9: {  	s5 =	simm.s32 @!p2 $0xB040;
	s0 =	simm.s32 @!p2 $0x1E0;
	[sflag:s4] =	ssyncadd.s32 @!p2 $0xFFFFEC00  }
0xea: {  	[tilespmem:s5], [sflag:$0x2] =	stream.indirect.gather @!p2 [hbm4b:s16+s6], $0x40, s0, s6, $0xb8;
	[tilespmem:$0x1E1B8] =	vst v63  }
0xeb: {  	s31 =	simm.s32 $0x3;
	_ =	swait.ge [sflag:s28], $0x1400  }
0xec: {  	s0 =	sand.u32 $0x1, s31;
	[sflag:s28] =	ssyncset.done $0x0  }
0xed: {  	s4 =	simm.s32 $0x4F10;
	p3 =	sne.s32 s0, s1;
	[sflag:s28] =	ssyncadd.s32 $0xFFFFEC00  }
0xee: {  	[spmem:s18] =	stream.indirect.scatter.add.f32 [tilespmem:s24], [sflag:$0x9], $0x40, s4, s19, $0xb8;
	[tilespmem:$0x1E1B8] =	vst v63  }
0xef: {  	s0 =	simm.s32 @!p3 $0x50;
	s5 =	simm.s32 @!p3 $0x1B0A0;
	s7 =	simm.s32 @!p3 $0xE  }
0xf0: {  	[spmem:s21] =	stream.indirect.scatter.add.f32 @!p3 [tilespmem:s5], [sflag:$0xE], $0x10, s4, s0, $0xb8;
	[tilespmem:$0x1E1B8] =	vst v63  }
0xf1: {  	_ =	swait.ge @!p3 [sflag:s7], $0x500  }
0xf2: {  	[sflag:s7] =	ssyncset.done @!p3 $0x0  }
0xf3: {  	s0 =	simm.s32 @!p2 $0x8;
	[sflag:s7] =	ssyncadd.s32 @!p3 $0xFFFFFB00  }
0xf4: {  	_ =	swait.ge @!p2 [sflag:s0], $0x1400  }
0xf5: {  	p6 =	por $0x0, $0x0;
	[sflag:s0] =	ssyncset.done @!p2 $0x0  }
0xf6: {  	s4 =	simm.s32 @!p2 $0x230;
	s5 =	simm.s32 @!p2 $0xC440;
	[sflag:s0] =	ssyncadd.s32 @!p2 $0xFFFFEC00  }
0xf7: {  	[tilespmem:s5], [sflag:$0x3] =	stream.indirect.gather @!p2 [hbm4b:s16+s6], $0x40, s4, s6, $0xb8;
	[tilespmem:$0x1E1B8] =	vst v63  }
0xf8: {  	s7 =	simm.s32 $0x4F60;
	s0 =	simm.s32 $0x5;
	_ =	swait.ge [sflag:s29], $0x1400  }
0xf9: {  	s4 =	simm.s32 $0x640;
	s5 =	simm.s32 $0xC80;
	[sflag:s29] =	ssyncset.done $0x0  }
0xfa: {  	s6 =	simm.s32 @!p1 $0xD;
	p2 =	por p6, p6;
	[sflag:s29] =	ssyncadd.s32 $0xFFFFEC00  }
0xfb: {  	[spmem:s18] =	stream.indirect.scatter.add.f32 [tilespmem:s14], [sflag:$0xA], $0x40, s7, s19, $0xb8;
	[tilespmem:$0x1E1B8] =	vst v63  }
.LBB2_10:
0xfc: {  	[spmem:s21] =	stream.indirect.scatter.add.f32 @!p1 [tilespmem:s3], [sflag:$0xD], $0x10, s7, s2, $0xb8;
	[tilespmem:$0x1E1B8] =	vst v63  }
0xfd: {  	p4 =	seq.s32 s5, $0x0;
	s2 =	simm.s32 @!p2 $0x9;
	_ =	swait.ge @!p1 [sflag:s6], $0x500  }
0xfe: {  	s8 =	smov.u32 s5;
	s5 =	sadd.s32 $0x640, s5;
	[sflag:s6] =	ssyncset.done @!p1 $0x0  }
0xff: {  	s7 =	sshra.s32 s4, $0x2;
	p3 =	sne.s32 s5, $0x13880;
	[sflag:s6] =	ssyncadd.s32 @!p1 $0xFFFFFB00  }
0x100: {  	s3 =	sadd.s32 $0xF0, s7;
	_ =	swait.ge @!p2 [sflag:s2], $0x1400  }
0x101: {  	[sflag:s2] =	ssyncset.done @!p2 $0x0  }
0x102: {  	[sflag:s2] =	ssyncadd.s32 @!p2 $0xFFFFEC00  }
0x103: {  	[tilespmem:s24], [sflag:$0x4] =	stream.indirect.gather [hbm4b:s16+s19], $0x40, s3, s19, $0xb8;
	[tilespmem:$0x1E1B8] =	vst v63  }
0x104: {  	s10 =	sadd.s32 $0x4E20, s7;
	s2 =	sand.u32 $0x1, s0;
	_ =	swait.ge [sflag:s25], $0x1400  }
0x105: {  	p1 =	sne.s32 s2, s1;
	[sflag:s25] =	ssyncset.done $0x0  }
0x106: {  	s6 =	simm.s32 @!p1 $0xD;
	[sflag:s25] =	ssyncadd.s32 $0xFFFFEC00  }
0x107: {  	[spmem:s18] =	stream.indirect.scatter.add.f32 [tilespmem:s20], [sflag:$0x6], $0x40, s10, s19, $0xb8;
	[tilespmem:$0x1E1B8] =	vst v63  }
0x108: {  	s2 =	simm.s32 @!p1 $0x50;
	s3 =	simm.s32 @!p1 $0x1B0A0;
	s9 =	simm.s32 @!p1 $0xE  }
0x109: {  	[spmem:s21] =	stream.indirect.scatter.add.f32 @!p1 [tilespmem:s3], [sflag:$0xE], $0x10, s10, s2, $0xb8;
	[tilespmem:$0x1E1B8] =	vst v63  }
0x10a: {  	s10 =	simm.s32 @!p2 $0xA;
	_ =	swait.ge @!p1 [sflag:s9], $0x500  }
0x10b: {  	[sflag:s9] =	ssyncset.done @!p1 $0x0  }
0x10c: {  	[sflag:s9] =	ssyncadd.s32 @!p1 $0xFFFFFB00  }
0x10d: {  	s11 =	sadd.s32 $0x140, s7;
	_ =	swait.ge @!p2 [sflag:s10], $0x1400  }
0x10e: {  	[sflag:s10] =	ssyncset.done @!p2 $0x0  }
0x10f: {  	s13 =	sadd.s32 $0x1, s0;
	[sflag:s10] =	ssyncadd.s32 @!p2 $0xFFFFEC00;
	p2 =	por p4, p4  }
0x110: {  	[tilespmem:s14], [sflag:$0x5] =	stream.indirect.gather [hbm4b:s16+s19], $0x40, s11, s19, $0xb8;
	[tilespmem:$0x1E1B8] =	vst v63  }
0x111: {  	s10 =	sadd.s32 $0x4E70, s7;
	s11 =	sand.u32 $0x1, s13;
	_ =	swait.ge [sflag:s15], $0x1400  }
0x112: {  	p5 =	sne.s32 s11, s1;
	[sflag:s15] =	ssyncset.done $0x0  }
0x113: {  	s11 =	simm.s32 @!p5 $0x50;
	s13 =	simm.s32 @!p5 $0x1B0A0;
	[sflag:s15] =	ssyncadd.s32 $0xFFFFEC00  }
0x114: {  	[spmem:s18] =	stream.indirect.scatter.add.f32 [tilespmem:s22], [sflag:$0x7], $0x40, s10, s19, $0xb8;
	[tilespmem:$0x1E1B8] =	vst v63  }
0x115: {  	s30 =	simm.s32 @!p5 $0xE  }
0x116: {  	[spmem:s21] =	stream.indirect.scatter.add.f32 @!p5 [tilespmem:s13], [sflag:$0xE], $0x10, s10, s11, $0xb8;
	[tilespmem:$0x1E1B8] =	vst v63  }
0x117: {  	p4 =	seq.s32 s4, $0x13240;
	_ =	swait.ge @!p5 [sflag:s30], $0x500  }
0x118: {  	s4 =	sshra.s32 @!p4 s4, $0x2;
	s11 =	simm.s32 @!p4 $0x6;
	[sflag:s30] =	ssyncset.done @!p5 $0x0  }
0x119: {  	s13 =	sadd.s32 @!p4 $0x190, s4;
	[sflag:s30] =	ssyncadd.s32 @!p5 $0xFFFFFB00;
	s30 =	sadd.s32 @!p4 $0x1E0, s4  }
0x11a: {  	s10 =	sadd.s32 @!p4 $0x230, s4;
	s4 =	smov.u32 s8;
	_ =	swait.ge @!p4 [sflag:s11], $0x1400  }
0x11b: {  	s31 =	simm.s32 @!p4 $0x9C40;
	s8 =	simm.s32 @!p4 $0x50;
	[sflag:s11] =	ssyncset.done @!p4 $0x0  }
0x11c: {  	[sflag:s11] =	ssyncadd.s32 @!p4 $0xFFFFEC00  }
0x11d: {  	[tilespmem:s31], [sflag:$0x1] =	stream.indirect.gather @!p4 [hbm4b:s16+s8], $0x40, s13, s8, $0xb8;
	[tilespmem:$0x1E1B8] =	vst v63  }
0x11e: {  	s11 =	sadd.s32 $0x4EC0, s7;
	_ =	swait.ge [sflag:s26], $0x1400  }
0x11f: {  	[sflag:s26] =	ssyncset.done $0x0  }
0x120: {  	[sflag:s26] =	ssyncadd.s32 $0xFFFFEC00  }
0x121: {  	[spmem:s18] =	stream.indirect.scatter.add.f32 [tilespmem:s23], [sflag:$0x8], $0x40, s11, s19, $0xb8;
	[tilespmem:$0x1E1B8] =	vst v63  }
0x122: {  	_ = 	snop  }
0x123: {  	[spmem:s21] =	stream.indirect.scatter.add.f32 @!p1 [tilespmem:s3], [sflag:$0xE], $0x10, s11, s2, $0xb8;
	[tilespmem:$0x1E1B8] =	vst v63  }
0x124: {  	_ =	swait.ge @!p1 [sflag:s9], $0x500  }
0x125: {  	s11 =	simm.s32 @!p4 $0x7;
	[sflag:s9] =	ssyncset.done @!p1 $0x0  }
0x126: {  	[sflag:s9] =	ssyncadd.s32 @!p1 $0xFFFFFB00  }
0x127: {  	_ =	swait.ge @!p4 [sflag:s11], $0x1400  }
0x128: {  	s9 =	simm.s32 @!p4 $0xB040;
	[sflag:s11] =	ssyncset.done @!p4 $0x0  }
0x129: {  	[sflag:s11] =	ssyncadd.s32 @!p4 $0xFFFFEC00  }
0x12a: {  	[tilespmem:s9], [sflag:$0x2] =	stream.indirect.gather @!p4 [hbm4b:s16+s8], $0x40, s30, s8, $0xb8;
	[tilespmem:$0x1E1B8] =	vst v63  }
0x12b: {  	s11 =	sadd.s32 $0x4F10, s7;
	s9 =	sadd.s32 $0x3, s0;
	_ =	swait.ge [sflag:s28], $0x1400  }
0x12c: {  	s9 =	sand.u32 $0x1, s9;
	[sflag:s28] =	ssyncset.done $0x0  }
0x12d: {  	p5 =	sne.s32 s9, s1;
	[sflag:s28] =	ssyncadd.s32 $0xFFFFEC00  }
0x12e: {  	s9 =	simm.s32 @!p5 $0x50;
	s13 =	simm.s32 @!p5 $0x1B0A0  }
0x12f: {  	[spmem:s18] =	stream.indirect.scatter.add.f32 [tilespmem:s24], [sflag:$0x9], $0x40, s11, s19, $0xb8;
	[tilespmem:$0x1E1B8] =	vst v63  }
0x130: {  	s30 =	simm.s32 @!p5 $0xE  }
0x131: {  	[spmem:s21] =	stream.indirect.scatter.add.f32 @!p5 [tilespmem:s13], [sflag:$0xE], $0x10, s11, s9, $0xb8;
	[tilespmem:$0x1E1B8] =	vst v63  }
0x132: {  	s9 =	simm.s32 @!p4 $0x8;
	_ =	swait.ge @!p5 [sflag:s30], $0x500  }
0x133: {  	[sflag:s30] =	ssyncset.done @!p5 $0x0  }
0x134: {  	[sflag:s30] =	ssyncadd.s32 @!p5 $0xFFFFFB00  }
0x135: {  	s11 =	simm.s32 @!p4 $0xC440;
	_ =	swait.ge @!p4 [sflag:s9], $0x1400  }
0x136: {  	[sflag:s9] =	ssyncset.done @!p4 $0x0  }
0x137: {  	[sflag:s9] =	ssyncadd.s32 @!p4 $0xFFFFEC00  }
0x138: {  	[tilespmem:s11], [sflag:$0x3] =	stream.indirect.gather @!p4 [hbm4b:s16+s8], $0x40, s10, s8, $0xb8;
	[tilespmem:$0x1E1B8] =	vst v63  }
.Ltmp4:
0x139: {  	_ =	swait.ge [sflag:s29], $0x1400;
	(pc) =	sbr.rel @p3 .LBB2_10-.Ltmp4, $4  }
0x13a: {  	[sflag:s29] =	ssyncset.done $0x0  }
0x13b: {  	s7 =	sadd.s32 $0x4F60, s7;
	[sflag:s29] =	ssyncadd.s32 $0xFFFFEC00  }
0x13c: {  	[spmem:s18] =	stream.indirect.scatter.add.f32 [tilespmem:s14], [sflag:$0xA], $0x40, s7, s19, $0xb8;
	[tilespmem:$0x1E1B8] =	vst v63  }
0x13d: {  	s0 =	sadd.s32 $0x5, s0  }
0x13e: {  	[spmem:s21] =	stream.indirect.scatter.add.f32 @!p1 [tilespmem:s3], [sflag:$0xD], $0x10, s7, s2, $0xb8;
	[tilespmem:$0x1E1B8] =	vst v63  }
0x13f: {  	_ =	swait.ge @!p1 [sflag:s6], $0x500  }
0x140: {  	[sflag:s6] =	ssyncset.done @!p1 $0x0  }
0x141: {  	s3 =	simm.s32 @!p2 $0x9;
	[sflag:s6] =	ssyncadd.s32 @!p1 $0xFFFFFB00  }
0x142: {  	_ =	swait.ge @!p2 [sflag:s3], $0x1400  }
0x143: {  	s10 =	sshra.s32 s4, $0x2;
	[sflag:s3] =	ssyncset.done @!p2 $0x0  }
0x144: {  	s5 =	sadd.s32 $0xF0, s10;
	[sflag:s3] =	ssyncadd.s32 @!p2 $0xFFFFEC00  }
0x145: {  	[tilespmem:s24], [sflag:$0x4] =	stream.indirect.gather [hbm4b:s16+s19], $0x40, s5, s19, $0xb8;
	[tilespmem:$0x1E1B8] =	vst v63  }
0x146: {  	_ =	swait.ge [sflag:s25], $0x1400  }
0x147: {  	s11 =	sand.u32 $0x1, s0;
	[sflag:s25] =	ssyncset.done $0x0  }
0x148: {  	s6 =	sadd.s32 $0x4E20, s10;
	p1 =	sne.s32 s11, s1;
	[sflag:s25] =	ssyncadd.s32 $0xFFFFEC00  }
0x149: {  	[spmem:s18] =	stream.indirect.scatter.add.f32 [tilespmem:s20], [sflag:$0x6], $0x40, s6, s19, $0xb8;
	[tilespmem:$0x1E1B8] =	vst v63  }
0x14a: {  	s7 =	simm.s32 @!p1 $0xE;
	s3 =	simm.s32 @!p1 $0x50;
	s5 =	simm.s32 @!p1 $0x1B0A0  }
0x14b: {  	[spmem:s21] =	stream.indirect.scatter.add.f32 @!p1 [tilespmem:s5], [sflag:$0xE], $0x10, s6, s3, $0xb8;
	[tilespmem:$0x1E1B8] =	vst v63  }
0x14c: {  	_ =	swait.ge @!p1 [sflag:s7], $0x500  }
0x14d: {  	[sflag:s7] =	ssyncset.done @!p1 $0x0  }
0x14e: {  	s6 =	simm.s32 @!p2 $0xA;
	[sflag:s7] =	ssyncadd.s32 @!p1 $0xFFFFFB00  }
0x14f: {  	_ =	swait.ge @!p2 [sflag:s6], $0x1400  }
0x150: {  	[sflag:s6] =	ssyncset.done @!p2 $0x0  }
0x151: {  	s8 =	sadd.s32 $0x140, s10;
	[sflag:s6] =	ssyncadd.s32 @!p2 $0xFFFFEC00  }
0x152: {  	[tilespmem:s14], [sflag:$0x5] =	stream.indirect.gather [hbm4b:s16+s19], $0x40, s8, s19, $0xb8;
	[tilespmem:$0x1E1B8] =	vst v63  }
0x153: {  	s13 =	sadd.s32 $0x1, s0;
	_ =	swait.ge [sflag:s15], $0x1400  }
0x154: {  	s6 =	sand.u32 $0x1, s13;
	[sflag:s15] =	ssyncset.done $0x0  }
0x155: {  	s8 =	sadd.s32 $0x4E70, s10;
	p3 =	sne.s32 s6, s1;
	[sflag:s15] =	ssyncadd.s32 $0xFFFFEC00  }
0x156: {  	[spmem:s18] =	stream.indirect.scatter.add.f32 [tilespmem:s22], [sflag:$0x7], $0x40, s8, s19, $0xb8;
	[tilespmem:$0x1E1B8] =	vst v63  }
0x157: {  	s6 =	simm.s32 @!p3 $0x50;
	s9 =	simm.s32 @!p3 $0x1B0A0  }
0x158: {  	[spmem:s21] =	stream.indirect.scatter.add.f32 @!p3 [tilespmem:s9], [sflag:$0xE], $0x10, s8, s6, $0xb8;
	[tilespmem:$0x1E1B8] =	vst v63  }
0x159: {  	s6 =	simm.s32 @!p3 $0xE  }
0x15a: {  	_ =	swait.ge @!p3 [sflag:s6], $0x500  }
0x15b: {  	p2 =	seq.s32 s4, $0x13240;
	[sflag:s6] =	ssyncset.done @!p3 $0x0  }
0x15c: {  	s8 =	simm.s32 @!p2 $0x6;
	[sflag:s6] =	ssyncadd.s32 @!p3 $0xFFFFFB00  }
0x15d: {  	_ =	swait.ge @!p2 [sflag:s8], $0x1400  }
0x15e: {  	s4 =	sshra.s32 @!p2 s4, $0x2;
	s9 =	simm.s32 @!p2 $0x50;
	[sflag:s8] =	ssyncset.done @!p2 $0x0  }
0x15f: {  	s6 =	sadd.s32 @!p2 $0x190, s4;
	[sflag:s8] =	ssyncadd.s32 @!p2 $0xFFFFEC00;
	s8 =	simm.s32 @!p2 $0x9C40  }
0x160: {  	[tilespmem:s8], [sflag:$0x1] =	stream.indirect.gather @!p2 [hbm4b:s16+s9], $0x40, s6, s9, $0xb8;
	[tilespmem:$0x1E1B8] =	vst v63  }
0x161: {  	_ =	swait.ge [sflag:s26], $0x1400  }
0x162: {  	[sflag:s26] =	ssyncset.done $0x0  }
0x163: {  	s6 =	sadd.s32 $0x4EC0, s10;
	[sflag:s26] =	ssyncadd.s32 $0xFFFFEC00  }
0x164: {  	[spmem:s18] =	stream.indirect.scatter.add.f32 [tilespmem:s23], [sflag:$0x8], $0x40, s6, s19, $0xb8;
	[tilespmem:$0x1E1B8] =	vst v63  }
0x165: {  	_ = 	snop  }
0x166: {  	[spmem:s21] =	stream.indirect.scatter.add.f32 @!p1 [tilespmem:s5], [sflag:$0xE], $0x10, s6, s3, $0xb8;
	[tilespmem:$0x1E1B8] =	vst v63  }
0x167: {  	_ =	swait.ge @!p1 [sflag:s7], $0x500  }
0x168: {  	[sflag:s7] =	ssyncset.done @!p1 $0x0  }
0x169: {  	s6 =	simm.s32 @!p2 $0x7;
	[sflag:s7] =	ssyncadd.s32 @!p1 $0xFFFFFB00  }
0x16a: {  	_ =	swait.ge @!p2 [sflag:s6], $0x1400  }
0x16b: {  	[sflag:s6] =	ssyncset.done @!p2 $0x0  }
0x16c: {  	s7 =	sadd.s32 @!p2 $0x1E0, s4;
	[sflag:s6] =	ssyncadd.s32 @!p2 $0xFFFFEC00;
	s6 =	simm.s32 @!p2 $0xB040  }
0x16d: {  	[tilespmem:s6], [sflag:$0x2] =	stream.indirect.gather @!p2 [hbm4b:s16+s9], $0x40, s7, s9, $0xb8;
	[tilespmem:$0x1E1B8] =	vst v63  }
0x16e: {  	s8 =	sadd.s32 $0x3, s0;
	_ =	swait.ge [sflag:s28], $0x1400  }
0x16f: {  	s0 =	sand.u32 $0x1, s8;
	[sflag:s28] =	ssyncset.done $0x0  }
0x170: {  	p3 =	sne.s32 s0, s1;
	s6 =	sadd.s32 $0x4F10, s10;
	[sflag:s28] =	ssyncadd.s32 $0xFFFFEC00  }
0x171: {  	[spmem:s18] =	stream.indirect.scatter.add.f32 [tilespmem:s24], [sflag:$0x9], $0x40, s6, s19, $0xb8;
	[tilespmem:$0x1E1B8] =	vst v63  }
0x172: {  	s0 =	simm.s32 @!p3 $0x50;
	s7 =	simm.s32 @!p3 $0x1B0A0  }
0x173: {  	[spmem:s21] =	stream.indirect.scatter.add.f32 @!p3 [tilespmem:s7], [sflag:$0xE], $0x10, s6, s0, $0xb8;
	[tilespmem:$0x1E1B8] =	vst v63  }
0x174: {  	s0 =	simm.s32 @!p3 $0xE  }
0x175: {  	_ =	swait.ge @!p3 [sflag:s0], $0x500  }
0x176: {  	[sflag:s0] =	ssyncset.done @!p3 $0x0  }
0x177: {  	[sflag:s0] =	ssyncadd.s32 @!p3 $0xFFFFFB00;
	s0 =	simm.s32 @!p2 $0x8  }
0x178: {  	_ =	swait.ge @!p2 [sflag:s0], $0x1400  }
0x179: {  	[sflag:s0] =	ssyncset.done @!p2 $0x0  }
0x17a: {  	s4 =	sadd.s32 @!p2 $0x230, s4;
	[sflag:s0] =	ssyncadd.s32 @!p2 $0xFFFFEC00;
	s0 =	simm.s32 @!p2 $0xC440  }
0x17b: {  	[tilespmem:s0], [sflag:$0x3] =	stream.indirect.gather @!p2 [hbm4b:s16+s9], $0x40, s4, s9, $0xb8;
	[tilespmem:$0x1E1B8] =	vst v63  }
0x17c: {  	_ =	swait.ge [sflag:s29], $0x1400  }
0x17d: {  	[sflag:s29] =	ssyncset.done $0x0  }
0x17e: {  	s0 =	sadd.s32 $0x4F60, s10;
	[sflag:s29] =	ssyncadd.s32 $0xFFFFEC00  }
0x17f: {  	[spmem:s18] =	stream.indirect.scatter.add.f32 [tilespmem:s14], [sflag:$0xA], $0x40, s0, s19, $0xb8;
	[tilespmem:$0x1E1B8] =	vst v63  }
0x180: {  	s2 =	simm.s32 @!p1 $0xD  }
0x181: {  	[spmem:s21] =	stream.indirect.scatter.add.f32 @!p1 [tilespmem:s5], [sflag:$0xD], $0x10, s0, s3, $0xb8;
	[tilespmem:$0x1E1B8] =	vst v63  }
0x182: {  	_ =	swait.ge @!p1 [sflag:s2], $0x500  }
0x183: {  	[sflag:s2] =	ssyncset.done @!p1 $0x0  }
0x184: {  	s9 =	simm.s32 $0x6;
	[sflag:s2] =	ssyncadd.s32 @!p1 $0xFFFFFB00  }
0x185: {  	_ =	swait.ge [sflag:s9], $0x1400  }
0x186: {  	[sflag:s9] =	ssyncset.done $0x0  }
0x187: {  	s10 =	simm.s32 $0x7;
	[sflag:s9] =	ssyncadd.s32 $0xFFFFEC00  }
0x188: {  	_ =	swait.ge [sflag:s10], $0x1400  }
0x189: {  	[sflag:s10] =	ssyncset.done $0x0  }
0x18a: {  	s4 =	simm.s32 $0x8;
	[sflag:s10] =	ssyncadd.s32 $0xFFFFEC00  }
0x18b: {  	_ =	swait.ge [sflag:s4], $0x1400  }
0x18c: {  	[sflag:s4] =	ssyncset.done $0x0  }
0x18d: {  	s11 =	simm.s32 $0x9;
	[sflag:s4] =	ssyncadd.s32 $0xFFFFEC00  }
0x18e: {  	_ =	swait.ge [sflag:s11], $0x1400  }
0x18f: {  	[sflag:s11] =	ssyncset.done $0x0  }
0x190: {  	s13 =	simm.s32 $0xA;
	[sflag:s11] =	ssyncadd.s32 $0xFFFFEC00  }
0x191: {  	_ =	swait.ge [sflag:s13], $0x1400  }
0x192: {  	[sflag:s13] =	ssyncset.done $0x0  }
0x193: {  	[sflag:s13] =	ssyncadd.s32 $0xFFFFEC00  }
0x194: {  	s2 =	stileid.u32;
	[bflag:$0x0] =	sbarrier.arrive $0xFFFF  }
0x195: {  	s7 =	simm.s32 $0x10;
	s0 =	sshll.u32 s2, $0x6;
	s11 =	rddreg [dreg:$0x18]  }
0x196: {  	s0 =	sor.u32 $0x1C0D, s0;
	s5 =	rddreg [dreg:$0x5];
	s3 =	sshrl.u32 s11, $0x3  }
0x197: {  	[hbm:s5@s7], [sflag:s0] =	dma.strided [spmem:s3@s4], $0x280, s25, $0x8   }
0x198: {  	_ =	swait.ge [sflag:s12], $0x280  }
0x199: {  	[sflag:s12] =	ssyncset.done $0x0;
	s13 =	rddreg [dreg:$0x19]  }
0x19a: {  	s8 =	rddreg [dreg:$0x6];
	[sflag:s12] =	ssyncadd.s32 $0xFFFFFD80;
	s6 =	sshrl.u32 s13, $0x3  }
0x19b: {  	[hbm:s8@s7], [sflag:s0] =	dma.strided [spmem:s6@s4], $0x280, s25, $0x8   }
0x19c: {  	_ =	swait.ge [sflag:s12], $0x280  }
0x19d: {  	[sflag:s12] =	ssyncset.done $0x0;
	s30 =	rddreg [dreg:$0x1a]  }
0x19e: {  	s10 =	rddreg [dreg:$0x7];
	[sflag:s12] =	ssyncadd.s32 $0xFFFFFD80;
	s9 =	sshrl.u32 s30, $0x3  }
0x19f: {  	[hbm:s10@s7], [sflag:s0] =	dma.strided [spmem:s9@s4], $0x280, s25, $0x8   }
0x1a0: {  	_ =	swait.ge [sflag:s12], $0x280  }
0x1a1: {  	[sflag:s12] =	ssyncset.done $0x0;
	s31 =	rddreg [dreg:$0x1b]  }
0x1a2: {  	s5 =	rddreg [dreg:$0x8];
	[sflag:s12] =	ssyncadd.s32 $0xFFFFFD80;
	s3 =	sshrl.u32 s31, $0x3  }
0x1a3: {  	[hbm:s5@s7], [sflag:s0] =	dma.strided [spmem:s3@s4], $0x280, s25, $0x8   }
0x1a4: {  	_ =	swait.ge [sflag:s12], $0x280  }
0x1a5: {  	[sflag:s12] =	ssyncset.done $0x0;
	s6 =	rddreg [dreg:$0x1c]  }
0x1a6: {  	s8 =	rddreg [dreg:$0x9];
	[sflag:s12] =	ssyncadd.s32 $0xFFFFFD80;
	s2 =	sshrl.u32 s6, $0x3  }
0x1a7: {  	[hbm:s8@s7], [sflag:s0] =	dma.strided [spmem:s2@s4], $0x280, s25, $0x8   }
0x1a8: {  	_ =	swait.ge [sflag:s12], $0x280  }
0x1a9: {  	[sflag:s12] =	ssyncset.done $0x0;
	s9 =	rddreg [dreg:$0x1d]  }
0x1aa: {  	s10 =	rddreg [dreg:$0xa];
	[sflag:s12] =	ssyncadd.s32 $0xFFFFFD80;
	s2 =	sshrl.u32 s9, $0x3  }
0x1ab: {  	[hbm:s10@s7], [sflag:s0] =	dma.strided [spmem:s2@s4], $0x280, s25, $0x8   }
0x1ac: {  	_ =	swait.ge [sflag:s12], $0x280  }
0x1ad: {  	[sflag:s12] =	ssyncset.done $0x0;
	s3 =	rddreg [dreg:$0x1e]  }
0x1ae: {  	s5 =	rddreg [dreg:$0xb];
	[sflag:s12] =	ssyncadd.s32 $0xFFFFFD80;
	s2 =	sshrl.u32 s3, $0x3  }
0x1af: {  	[hbm:s5@s7], [sflag:s0] =	dma.strided [spmem:s2@s4], $0x280, s25, $0x8   }
0x1b0: {  	s3 =	simm.s32 @!p0 $0x1;
	s4 =	simm.s32 @!p0 $0x10;
	_ =	swait.ge [sflag:s12], $0x280  }
0x1b1: {  	s5 =	simm.s32 @!p0 $0x8;
	[sflag:s12] =	ssyncset.done $0x0;
	s9 =	rddreg [dreg:$0x1f]  }
0x1b2: {  	s6 =	rddreg [dreg:$0xc];
	[sflag:s12] =	ssyncadd.s32 $0xFFFFFD80;
	s2 =	sshrl.u32 @!p0 s9, $0x3  }
0x1b3: {  	[hbm:s6@s4], [sflag:s0] =	dma.strided @!p0 [spmem:s2@s5], $0x280, s3, $0x8   }
0x1b4: {  	s2 =	simm.s32 @!p0 $0xD  }
0x1b5: {  	_ =	swait.ge @!p0 [sflag:s2], $0x280  }
0x1b6: {  	s10 =	sld [smem:$0x7FC];
	_ =	sdelay $0x1  }
0x1b7: {  	[sflag:s2] =	ssyncset.done @!p0 $0x0  }
0x1b8: {  	s8 =	rddreg [dreg:$0xd];
	[sflag:s2] =	ssyncadd.s32 @!p0 $0xFFFFFD80;
	s6 =	sshrl.u32 s10, $0x3  }
0x1b9: {  	[hbm:s8@s7], [sflag:s0] =	dma.strided [spmem:s6@s15], $0xA0, s25, $0x2   }
0x1ba: {  	_ =	swait.ge [sflag:s12], $0xA0  }
0x1bb: {  	s8 =	sld [smem:$0x7FD];
	_ =	sdelay $0x1  }
0x1bc: {  	[sflag:s12] =	ssyncset.done $0x0  }
0x1bd: {  	s6 =	rddreg [dreg:$0xe];
	[sflag:s12] =	ssyncadd.s32 $0xFFFFFF60;
	s5 =	sshrl.u32 s8, $0x3  }
0x1be: {  	[hbm:s6@s7], [sflag:s0] =	dma.strided [spmem:s5@s15], $0xA0, s25, $0x2   }
0x1bf: {  	_ =	swait.ge [sflag:s12], $0xA0  }
0x1c0: {  	s6 =	sld [smem:$0x7F6];
	_ =	sdelay $0x1  }
0x1c1: {  	[sflag:s12] =	ssyncset.done $0x0  }
0x1c2: {  	[sflag:s12] =	ssyncadd.s32 $0xFFFFFF60;
	s5 =	sshrl.u32 s6, $0x3;
	s6 =	rddreg [dreg:$0xf]  }
0x1c3: {  	[hbm:s6@s7], [sflag:s0] =	dma.strided [spmem:s5@s15], $0xA0, s25, $0x2   }
0x1c4: {  	_ =	swait.ge [sflag:s12], $0xA0  }
0x1c5: {  	s6 =	sld [smem:$0x7F7];
	_ =	sdelay $0x1  }
0x1c6: {  	[sflag:s12] =	ssyncset.done $0x0  }
0x1c7: {  	[sflag:s12] =	ssyncadd.s32 $0xFFFFFF60;
	s5 =	sshrl.u32 s6, $0x3;
	s6 =	rddreg [dreg:$0x10]  }
0x1c8: {  	[hbm:s6@s7], [sflag:s0] =	dma.strided [spmem:s5@s15], $0xA0, s25, $0x2   }
0x1c9: {  	_ =	swait.ge [sflag:s12], $0xA0  }
0x1ca: {  	s6 =	sld [smem:$0x7F8];
	_ =	sdelay $0x1  }
0x1cb: {  	[sflag:s12] =	ssyncset.done $0x0  }
0x1cc: {  	[sflag:s12] =	ssyncadd.s32 $0xFFFFFF60;
	s5 =	sshrl.u32 s6, $0x3;
	s6 =	rddreg [dreg:$0x11]  }
0x1cd: {  	[hbm:s6@s7], [sflag:s0] =	dma.strided [spmem:s5@s15], $0xA0, s25, $0x2   }
0x1ce: {  	_ =	swait.ge [sflag:s12], $0xA0  }
0x1cf: {  	s6 =	sld [smem:$0x7F9];
	_ =	sdelay $0x1  }
0x1d0: {  	[sflag:s12] =	ssyncset.done $0x0  }
0x1d1: {  	[sflag:s12] =	ssyncadd.s32 $0xFFFFFF60;
	s5 =	sshrl.u32 s6, $0x3;
	s6 =	rddreg [dreg:$0x12]  }
0x1d2: {  	[hbm:s6@s7], [sflag:s0] =	dma.strided [spmem:s5@s15], $0xA0, s25, $0x2   }
0x1d3: {  	_ =	swait.ge [sflag:s12], $0xA0  }
0x1d4: {  	s6 =	sld [smem:$0x7FA];
	_ =	sdelay $0x1  }
0x1d5: {  	[sflag:s12] =	ssyncset.done $0x0  }
0x1d6: {  	[sflag:s12] =	ssyncadd.s32 $0xFFFFFF60;
	s5 =	sshrl.u32 s6, $0x3;
	s6 =	rddreg [dreg:$0x13]  }
0x1d7: {  	[hbm:s6@s7], [sflag:s0] =	dma.strided [spmem:s5@s15], $0xA0, s25, $0x2   }
0x1d8: {  	_ =	swait.ge [sflag:s12], $0xA0  }
0x1d9: {  	s5 =	sld [smem:$0x7FB];
	_ =	sdelay $0x1  }
0x1da: {  	s6 =	simm.s32 @!p0 $0x2;
	[sflag:s12] =	ssyncset.done $0x0  }
0x1db: {  	s7 =	rddreg [dreg:$0x14];
	[sflag:s12] =	ssyncadd.s32 $0xFFFFFF60;
	s5 =	sshrl.u32 @!p0 s5, $0x3  }
0x1dc: {  	[hbm:s7@s4], [sflag:s0] =	dma.strided @!p0 [spmem:s5@s6], $0xA0, s3, $0x2   }
0x1dd: {  	_ =	swait.ge @!p0 [sflag:s2], $0xA0  }
0x1de: {  	s17 =	sadd.s32 $0x1, s17;
	s7 =	rddreg [dreg:$0x17]  }
0x1df: {  	p1 =	sne.s32 s17, s7  }
.Ltmp5:
0x1e0: {  	_ = 	snop;
	(pc) =	sbr.rel @p1 .LBB2_1-.Ltmp5, $3  }
0x1e1: {  	_ =	sdelay $0x1  }
0x1e2: {  	[sflag:s2] =	ssyncset.done @!p0 $0x0  }
0x1e3: {  	[sflag:s2] =	ssyncadd.s32 @!p0 $0xFFFFFF60  }
0x1e4: {  	_ =	sfence.sel $0x180000  }
0x1e5: {  	[bflag:$0x0] =	sbarrier.arrive $0xFFFF  }
0x1e6: {  	_ =	strace $0x90000047  }
0x1e7: {  	s0 =	stileid.u32;
	[bflag:$0x2] =	sbarrier.arrive $0xFFFF  }
0x1e8: {  	p0 =	sne.s32 s0, $0x0;
	s0 =	rddreg [dreg:$0x4]  }
0x1e9: {  	s0 =	sadd.s32 @!p0 $0x100000, s0  }
0x1ea: {  	[sflag:s0] =	ssyncadd.tile.s32 @!p0 $0x1;
	_ =	shalt  }
.Lfunc_end2:
_tile_overlayer_lowered:
.L_overlay_start_2:
0x1eb: {  	(tag) =	ssettag $0x2  }
0x1ec: {  	s0 =	rddreg [dreg:$0x0];
	s2 =	stileid.u32  }
0x1ed: {  	s1 =	rddreg [dreg:$0x1];
	p0 =	sne.s32 s2, $0x0  }
0x1ee: {  	s3 =	rddreg [dreg:$0x2];
	[bflag:$0x3] =	sbarrier.arrive $0xFFFF;
	s2 =	simm.s32 @!p0 $0x1C0D  }
0x1ef: {  	[timem:s3], [sflag:s2] =	dma.local @!p0 [hbm:s0], s1  }
0x1f0: {  	s0 =	simm.s32 @!p0 $0xD  }
0x1f1: {  	_ =	swait.ge @!p0 [sflag:s0], s1  }
0x1f2: {  	s1 =	ssub.s32 @!p0 $0x0, s1;
	[sflag:s0] =	ssyncset.done @!p0 $0x0  }
0x1f3: {  	[sflag:s0] =	ssyncadd.s32 @!p0 s1  }
0x1f4: {  	[bflag:$0x3] =	sbarrier.arrive $0xFFFF  }
0x1f5: {  	_ =	shalt  }

// kernel: kernel.9.cloned.1.call-start
scs
__scs_entry_jumppad:
0x0: {  	(pc) =	sbr.rel $0x88, $3  }
0x1: {  	(tag) =	ssettag $0x0;
	lr =	simm.s32 $0x1  }
0x2: {  	[smem:$0x3F99] =	sst lr;
	_ =	strace $0xD0000000  }
0x3: {  	_ = 	snop  }
0x4: {  	_ = 	snop  }
0x5: {  	_ = 	snop  }
0x6: {  	_ = 	snop  }
0x7: {  	_ = 	snop  }
__scs_overlays_trampoline_lowered:
0x8: {  	[smem:$0x3FA8] =	sst s0  }
0x9: {  	[smem:$0x3FA9] =	sst s1  }
0xa: {  	[smem:$0x3FAA] =	sst s2  }
0xb: {  	[smem:$0x3FAB] =	sst s3  }
0xc: {  	[smem:$0x3FAC] =	sst s4  }
0xd: {  	[smem:$0x3FAD] =	sst s5  }
0xe: {  	[smem:$0x3FAE] =	sst s6  }
0xf: {  	[smem:$0x3FAF] =	sst s7  }
0x10: {  	[smem:$0x3FB0] =	sst s8  }
0x11: {  	[smem:$0x3FB1] =	sst s9;
	s0 =	simm.s32 @!p0 $0x0  }
0x12: {  	s1 =	sld [smem:$0x3F97];
	s0 =	simm.s32 @p0 $0x1  }
0x13: {  	[smem:$0x3FB2] =	sst s0;
	s0 =	simm.s32 @!p1 $0x0  }
0x14: {  	s2 =	sld [smem:$0x3F96];
	s0 =	simm.s32 @p1 $0x1  }
0x15: {  	[smem:$0x3FB3] =	sst s0;
	s0 =	simm.s32 @!p2 $0x0  }
0x16: {  	s3 =	sld [smem:$0x3FDB];
	s0 =	simm.s32 @p2 $0x1  }
0x17: {  	s4 =	simm.s32 $0x1BF5;
	[smem:$0x3FB5] =	sst s0  }
0x18: {  	s0 =	sld [smem:$0x3F98];
	_ =	swait.ge [sflag:s4], $0x0  }
0x19: {  	s7 =	sld [smem:$0x3F99]  }
0x1a: {  	s8 =	sadd.s32 $0xFFFFE003, lr  }
0x1b: {  	s9 =	sadd.s32 $0xFFFFFEF7, lr;
	s5 =	simm.s32 $0xFFFFFFFF;
	p2 =	slt.u32 s8, $0xFFFFF086  }
0x1c: {  	p1 =	slt.u32 s9, $0xF7A;
	s5 =	simm.s32 @!p2 $0x0  }
0x1d: {  	s5 =	simm.s32 @p1 $0x1;
	p0 =	seq.s32 s7, s2  }
0x1e: {  	s7 =	smul.u32 @!p0 $0xF7A, s2;
	p2 =	seq.s32 @!p0 s5, $0x0  }
0x1f: {  	s9 =	smul.u32 $0xF7A, s1;
	s8 =	simm.s32 @!p0 $0x1BF5;
	p2 =	por !p2, p0  }
0x20: {  	[sflag:s8] =	ssyncset.s32 @!p0 $0xFFFFF086;
	s6 =	sadd.s32 @!p0 s3, s7;
	s7 =	simm.s32 @!p0 $0x108  }
0x21: {  	s3 =	sadd.s32 s3, s9;
	s6 =	sadd.s32 @!p0 $0x88, s6;
	s7 =	simm.s32 @p2 $0x1082  }
0x22: {  	[simem:s7], [sflag:s8] =	dma.local @!p0 [hbm:s6], $0xF7A  }
0x23: {  	s9 =	sor.u32 $0xD0000000, s2;
	s6 =	simm.s32 $0x108;
	_ =	swait.ge @!p0 [sflag:s8], $0x0  }
0x24: {  	s3 =	sadd.s32 $0x88, s3;
	s6 =	simm.s32 @!p1 $0x1082;
	[sflag:s4] =	ssyncset.s32 $0xFFFFF086  }
0x25: {  	[simem:s6], [sflag:s4] =	dma.local [hbm:s3], $0xF7A  }
0x26: {  	[smem:$0x3F99] =	sst s1;
	(tag) =	ssettag s2;
	_ =	strace s9  }
0x27: {  	s1 =	sld [smem:$0x3FA9]  }
0x28: {  	s2 =	sld [smem:$0x3FAA]  }
0x29: {  	s4 =	sld [smem:$0x3FAC]  }
0x2a: {  	p0 =	seq.s32 s5, $0x0;
	s5 =	sld [smem:$0x3FAD]  }
0x2b: {  	s6 =	sld [smem:$0x3FAE]  }
0x2c: {  	s7 =	sld [smem:$0x3FAF]  }
0x2d: {  	s3 =	simm.s32 $0x108;
	s8 =	sld [smem:$0x3FB0]  }
0x2e: {  	s3 =	simm.s32 @!p0 $0x1082;
	s9 =	sld [smem:$0x3FB1]  }
0x2f: {  	lr =	sadd.s32 s0, s3;
	s0 =	sld [smem:$0x3FA8]  }
0x30: {  	s3 =	sld [smem:$0x3FAB]  }
0x31: {  	[smem:$0x3FB4] =	sst s10  }
0x32: {  	s10 =	sld [smem:$0x3FB2];
	_ =	sdelay $0x3  }
0x33: {  	p0 =	seq.s32 s10, $0x1;
	s10 =	sld [smem:$0x3FB4];
	_ =	sdelay $0x3  }
0x34: {  	[smem:$0x3FB4] =	sst s10  }
0x35: {  	s10 =	sld [smem:$0x3FB3];
	_ =	sdelay $0x3  }
0x36: {  	p1 =	seq.s32 s10, $0x1;
	s10 =	sld [smem:$0x3FB4];
	_ =	sdelay $0x3  }
0x37: {  	[smem:$0x3FB4] =	sst s10  }
0x38: {  	s10 =	sld [smem:$0x3FB5]  }
0x39: {  	_ = 	snop;
	(pc) =	sbr.ind lr, $3  }
0x3a: {  	_ = 	snop  }
0x3b: {  	_ = 	snop  }
0x3c: {  	p2 =	seq.s32 s10, $0x1;
	s10 =	sld [smem:$0x3FB4]  }
0x3d: {  	_ =	shalt  }
0x3e: {  	_ =	shalt  }
0x3f: {  	_ =	shalt  }
0x40: {  	_ =	shalt  }
0x41: {  	_ =	shalt  }
0x42: {  	_ =	shalt  }
0x43: {  	_ =	shalt  }
0x44: {  	_ =	shalt  }
0x45: {  	_ =	shalt  }
0x46: {  	_ =	shalt  }
0x47: {  	_ =	shalt  }
0x48: {  	_ =	shalt  }
0x49: {  	_ =	shalt  }
0x4a: {  	_ =	shalt  }
0x4b: {  	_ =	shalt  }
0x4c: {  	_ =	shalt  }
0x4d: {  	_ =	shalt  }
0x4e: {  	_ =	shalt  }
0x4f: {  	_ =	shalt  }
0x50: {  	_ =	shalt  }
0x51: {  	_ =	shalt  }
0x52: {  	_ =	shalt  }
0x53: {  	_ =	shalt  }
0x54: {  	_ =	shalt  }
0x55: {  	_ =	shalt  }
0x56: {  	_ =	shalt  }
0x57: {  	_ =	shalt  }
0x58: {  	_ =	shalt  }
0x59: {  	_ =	shalt  }
0x5a: {  	_ =	shalt  }
0x5b: {  	_ =	shalt  }
0x5c: {  	_ =	shalt  }
0x5d: {  	_ =	shalt  }
0x5e: {  	_ =	shalt  }
0x5f: {  	_ =	shalt  }
0x60: {  	_ =	shalt  }
0x61: {  	_ =	shalt  }
0x62: {  	_ =	shalt  }
0x63: {  	_ =	shalt  }
0x64: {  	_ =	shalt  }
0x65: {  	_ =	shalt  }
0x66: {  	_ =	shalt  }
0x67: {  	_ =	shalt  }
0x68: {  	_ =	shalt  }
0x69: {  	_ =	shalt  }
0x6a: {  	_ =	shalt  }
0x6b: {  	_ =	shalt  }
0x6c: {  	_ =	shalt  }
0x6d: {  	_ =	shalt  }
0x6e: {  	_ =	shalt  }
0x6f: {  	_ =	shalt  }
0x70: {  	_ =	shalt  }
0x71: {  	_ =	shalt  }
0x72: {  	_ =	shalt  }
0x73: {  	_ =	shalt  }
0x74: {  	_ =	shalt  }
0x75: {  	_ =	shalt  }
0x76: {  	_ =	shalt  }
0x77: {  	_ =	shalt  }
0x78: {  	_ =	shalt  }
0x79: {  	_ =	shalt  }
0x7a: {  	_ =	shalt  }
0x7b: {  	_ =	shalt  }
0x7c: {  	_ =	shalt  }
0x7d: {  	_ =	shalt  }
0x7e: {  	_ =	shalt  }
0x7f: {  	_ =	shalt  }
0x80: {  	_ =	shalt  }
0x81: {  	_ =	shalt  }
0x82: {  	_ =	shalt  }
0x83: {  	_ =	shalt  }
0x84: {  	_ =	shalt  }
0x85: {  	_ =	shalt  }
0x86: {  	_ =	shalt  }
0x87: {  	_ =	shalt  }
.Lfunc_end0:
.L_simem_size_0:
called_computation.1_lowered:
.L_overlay_start_0:
0x88: {  	s2 =	sld [smem:$0x3FD9]  }
0x89: {  	s3 =	sld [smem:$0x3FFE];
	_ =	sdelay $0x1  }
0x8a: {  	s1 =	srdreg.scid  }
0x8b: {  	s0 =	sand.u32 $0x1, s1  }
0x8c: {  	s17 =	sshll.u32 s0, $0xA;
	s2 =	sadd.s32 s3, s2  }
0x8d: {  	s2 =	sadd.s32 s2, s17  }
0x8e: {  	[smem:$0x3FC0] =	sst s2  }
0x8f: {  	_ = 	snop  }
0x90: {  	s2 =	sld [smem:$0x3FD0];
	(tm) =	ssettm $0x1  }
0x91: {  	s18 =	sld [smem:$0x3FFB];
	_ =	sdelay $0x3  }
0x92: {  	_ =	strace s18  }
0x93: {  	s3 =	sld [smem:$0x3FFC];
	_ =	sdelay $0x3  }
0x94: {  	_ =	strace s3  }
0x95: {  	s3 =	sld [smem:$0x3FFD];
	_ =	sdelay $0x3  }
0x96: {  	_ =	strace s3  }
0x97: {  	_ =	strace $0x8FFFFFFF  }
0x98: {  	s19 =	sld [smem:$0x3FDB];
	_ =	sdelay $0x1  }
0x99: {  	s4 =	simm.s32 $_scs_section_size  }
0x9a: {  	s5 =	simm.s32 $_size__tile_overlayer_lowered;
	s6 =	simm.s32 $_tile_overlayer_lowered  }
0x9b: {  	s22 =	simm.s32 $0x1BFF;
	s21 =	sshll.u32 s6, $0x1;
	s3 =	sadd.s32 s4, s19  }
0x9c: {  	s7 =	simm.s32 $0x0;
	s20 =	sshll.u32 s5, $0x1;
	s5 =	sadd.s32 s21, s3  }
0x9d: {  	[timem:s7], [sflag:s22] =	dma.local [hbm:s5], s20  }
0x9e: {  	_ =	swait.ge [sflag:s22], s20  }
0x9f: {  	s4 =	ssub.s32 $0x0, s20;
	[sflag:s22] =	ssyncset.done $0x0  }
0xa0: {  	[sflag:s22] =	ssyncadd.s32 s4;
	_ =	sdelay $0x1  }
0xa1: {  	s23 =	simm.s32 $0x1B8B  }
0xa2: {  	_ =	swait.ge [sflag:s23], $0x1  }
0xa3: {  	[sflag:s23] =	ssyncset.done $0x0  }
0xa4: {  	s25 =	simm.s32 $0x1B8E;
	s24 =	sld [smem:$0x3FFE];
	[sflag:s23] =	ssyncadd.s32 $0xFFFFFFFF  }
0xa5: {  	s26 =	simm.s32 $execute0_lowered;
	[smem:$0x3FD2] =	sst s25  }
0xa6: {  	s5 =	sshll.u32 s26, $0x1;
	_ =	strace $0x80000049;
	[dreg:$0x1] =	wrdreg $0xFFFFFFFF  }
0xa7: {  	s28 =	simm.s32 $_size_execute0_lowered;
	s3 =	sadd.s32 s3, s5;
	[dreg:$0x0] =	wrdreg $0x0  }
0xa8: {  	s5 =	sshll.u32 s28, $0x1;
	[dreg:$0x2] =	wrdreg s3  }
0xa9: {  	[dreg:$0x3] =	wrdreg s5  }
0xaa: {  	[dreg:$0x4] =	wrdreg $0xC0  }
0xab: {  	_ =	task [dreg:s7], $0x5FFFF  }
0xac: {  	[dreg:$0x1] =	wrdreg $0xFFFFFFFF  }
0xad: {  	[dreg:$0x0] =	wrdreg $0x60  }
0xae: {  	[dreg:$0x2] =	wrdreg s24  }
0xaf: {  	[dreg:$0x3] =	wrdreg s2  }
0xb0: {  	[dreg:$0x4] =	wrdreg $0x114400  }
0xb1: {  	[dreg:$0x5] =	wrdreg $0x9  }
0xb2: {  	_ =	task.clear_ibuf [dreg:s7], $0x6FFFF;
	_ =	strace $0x90000049  }
0xb3: {  	s29 =	simm.s32 $0x9;
	_ =	strace $0x8000004B  }
0xb4: {  	_ =	swait.ge [sflag:s29], $0x1  }
0xb5: {  	[sflag:s29] =	ssyncadd.s32 $0xFFFFFFFF  }
0xb6: {  	_ =	strace $0x9000004B  }
0xb7: {  	_ =	sfence  }
0xb8: {  	s30 =	sld [smem:$0x0];
	_ =	sdelay $0x2  }
0xb9: {  	s31 =	sshll.u32 s1, $0xD;
	s1 =	sshrl.u32 s1, $0x2  }
0xba: {  	s3 =	sand.u32 $0x4000, s31;
	s1 =	sadd.s32 s1, s30  }
0xbb: {  	s0 =	sor.u32 s3, s0;
	s1 =	sshll.u32 s1, $0x11  }
0xbc: {  	s0 =	sor.u32 s1, s0  }
0xbd: {  	s0 =	sadd.s32 $0x8F2B, s0  }
0xbe: {  	[sflag:s0] =	ssyncadd.remote.s32 $0x1  }
0xbf: {  	_ =	sfence.sel $0xFFFF  }
0xc0: {  	[dreg:$0x0] =	wrdreg $0xFFFFFFFF;
	(pc) =	sbr.abs _section_cstart, $3  }
0xc1: {  	[dreg:$0x1] =	wrdreg $0xFFFFFFFF  }
0xc2: {  	_ =	task.clear_ibuf [dreg:s7], $0x2FFFF;
	_ =	strace $0x9FFFFFFF  }
0xc3: {  	(tm) =	ssettm $0x7FFFFFFF  }
tec
execute0_lowered:
.L_overlay_start_1:
0x0: {  	(tag) =	ssettag $0x1  }
0x1: {  	s0 =	rddreg [dreg:$0x0]  }
0x2: {  	s3 =	rddreg [dreg:$0x2]  }
0x3: {  	s1 =	simm.s32 $0x0;
	s6 =	stileid.u32;
	s2 =	srdreg.scid  }
0x4: {  	s28 =	simm.s32 $0xB040;
	s30 =	simm.s32 $0xC440;
	s29 =	simm.s32 $0x1  }
0x5: {  	s31 =	simm.s32 $0xEC40;
	s9 =	simm.s32 $0x3;
	s11 =	simm.s32 $0x7  }
0x6: {  	s13 =	simm.s32 $0x8;
	s14 =	simm.s32 $0x5;
	[smem:$0x7FF] =	sst s1  }
0x7: {  	s15 =	smul.u32 $0x4E20, s6;
	s5 =	sadd.s32 $0x16000, s0;
	s2 =	sand.u32 $0x1, s2  }
0x8: {  	s4 =	sadd.s32 $0x3D200, s0;
	s7 =	sadd.s32 $0x64400, s0;
	s8 =	smul.u32 $0x5000, s6  }
0x9: {  	s20 =	sor.u32 $0x70, s6;
	_ =	strace $0x8000004A;
	[dreg:$0x4] =	wrdreg s4  }
0xa: {  	s16 =	ssub.s32 $0x2, s2;
	s10 =	sshll.u32 s2, $0x6;
	s21 =	smul.u32 $0x5000, s20  }
0xb: {  	p0 =	sgt.u32 s20, $0x7C;
	s4 =	simm.s32 $0x2;
	s1 =	sshrl.u32 s15, $0x3  }
0xc: {  	s20 =	simm.s32 $0x4;
	v0 =	vmov s2;
	s2 =	simm.s32 $0x0;
	s1 =	sadd.s32 s1, s0  }
0xd: {  	s17 =	sshrl.u32 s16, $0x1;
	s19 =	sshrl.u32 s8, $0x2;
	s18 =	sadd.s32 $0x2600, s1  }
0xe: {  	s0 =	ssub.s32 s16, s17;
	s1 =	sadd.s32 $0xC240, s1;
	[dreg:$0x5] =	wrdreg s18  }
0xf: {  	s8 =	simm.s32 $0x6;
	s0 =	smax.u32 s0, $0x1;
	[dreg:$0x6] =	wrdreg s1  }
0x10: {  	s15 =	simm.s32 $0x9;
	[dreg:$0x7] =	wrdreg s0;
	s1 =	sadd.s32 s19, s3  }
0x11: {  	s16 =	simm.s32 $0xA;
	s22 =	sadd.s32 $0x14000, s1;
	[dreg:$0x8] =	wrdreg s1  }
0x12: {  	s17 =	simm.s32 $0xE;
	s23 =	sadd.s32 $0x28000, s1;
	[dreg:$0x9] =	wrdreg s22  }
0x13: {  	s0 =	sshrl.u32 s21, $0x2;
	s24 =	sadd.s32 $0x3C000, s1;
	[dreg:$0xa] =	wrdreg s23  }
0x14: {  	s21 =	simm.s32 $0x10040;
	s25 =	sadd.s32 $0x50000, s1;
	[dreg:$0xb] =	wrdreg s24  }
.Ltmp0:
0x15: {  	s26 =	sadd.s32 $0x64000, s1;
	[dreg:$0xc] =	wrdreg s25;
	(pc) =	sbr.rel .LBB2_1-.Ltmp0, $4  }
0x16: {  	s18 =	simm.s32 $0x40;
	s1 =	sadd.s32 $0x78000, s1;
	[dreg:$0xd] =	wrdreg s26  }
0x17: {  	s19 =	simm.s32 $0x80;
	s0 =	sadd.s32 s0, s3;
	[dreg:$0xe] =	wrdreg s1  }
0x18: {  	[dreg:$0xf] =	wrdreg s0;
	s23 =	simm.s32 $0x4E20;
	s22 =	simm.s32 $0xD  }
0x19: {  	v1 =	vimm.f32 $0.0e+00;
	s25 =	simm.s32 $0x50;
	s26 =	simm.s32 $0x9C40;
	s0 =	simm.s32 $0xD840  }
.LBB2_13:
0x1a: {  	s2 =	rddreg [dreg:$0x10]  }
0x1b: {  	s1 =	rddreg [dreg:$0x7];
	s2 =	sadd.s32 $0x1, s2  }
0x1c: {  	p1 =	sne.s32 s2, s1  }
.Ltmp1:
0x1d: {  	_ = 	snop;
	(pc) =	sbr.rel @!p1 .LBB2_14-.Ltmp1, $2  }
0x1e: {  	_ =	sdelay $0x2  }
0x1f: {  	s23 =	simm.s32 $0x4E20  }
.LBB2_1:
0x20: {  	s1 =	simm.s32 $0x0;
	s12 =	rddreg [dreg:$0x5]  }
0x21: {  	[tilespmem:s1], [sflag:$0xB] =	stream.linear.gather [hbm4b:s12+s1], $0x4E20, $0x38;
	[tilespmem:$0x1C9A0] =	vst v63  }
0x22: {  	s24 =	rddreg [dreg:$0x6]  }
0x23: {  	[tilespmem:s23], [sflag:$0xC] =	stream.linear.gather [hbm4b:s24+s1], $0x4E20, $0x38;
	[tilespmem:$0x1C9A0] =	vst v63  }
0x24: {  	[dreg:$0x10] =	wrdreg s2;
	s2 =	simm.s32 $0x100;
	s1 =	simm.s32 $0x0  }
.LBB2_2:
0x25: {  	p1 =	sne.s32 s2, $0x4F00;
	[tilespmem:s1+$0x10070] =	vst v1;
	s12 =	smov.u32 s2;
	s2 =	sadd.s32 $0x100, s2  }
.Ltmp2:
0x26: {  	[tilespmem:s1+$0x10060] =	vst v1;
	(pc) =	sbr.rel @p1 .LBB2_2-.Ltmp2, $3  }
0x27: {  	[tilespmem:s1+$0x10040] =	vst v1  }
0x28: {  	[tilespmem:s1+$0x10050] =	vst v1;
	_ =	sdelay $0x1  }
0x29: {  	s1 =	sshra.s32 s12, $0x2  }
0x2a: {  	[tilespmem:s1+$0x10070] =	vst v1  }
0x2b: {  	[tilespmem:s1+$0x10060] =	vst v1  }
0x2c: {  	[tilespmem:s1+$0x10040] =	vst v1  }
0x2d: {  	[tilespmem:s1+$0x10050] =	vst v1;
	s2 =	rddreg [dreg:$0x8]  }
0x2e: {  	[spmem:s2] =	stream.linear.scatter [tilespmem:s21], [sflag:$0xD], $0x1400, $0x38;
	[tilespmem:$0x1C9A0] =	vst v63  }
0x2f: {  	_ =	swait.ge [sflag:s22], $0x1400  }
0x30: {  	[sflag:s22] =	ssyncset.done $0x0  }
0x31: {  	s12 =	rddreg [dreg:$0x9];
	[sflag:s22] =	ssyncadd.s32 $0xFFFFEC00  }
0x32: {  	[spmem:s12] =	stream.linear.scatter [tilespmem:s21], [sflag:$0xD], $0x1400, $0x38;
	[tilespmem:$0x1C9A0] =	vst v63  }
0x33: {  	_ =	swait.ge [sflag:s22], $0x1400  }
0x34: {  	[sflag:s22] =	ssyncset.done $0x0  }
0x35: {  	s24 =	rddreg [dreg:$0xa];
	[sflag:s22] =	ssyncadd.s32 $0xFFFFEC00  }
0x36: {  	[spmem:s24] =	stream.linear.scatter [tilespmem:s21], [sflag:$0xD], $0x1400, $0x38;
	[tilespmem:$0x1C9A0] =	vst v63  }
0x37: {  	_ =	swait.ge [sflag:s22], $0x1400  }
0x38: {  	[sflag:s22] =	ssyncset.done $0x0  }
0x39: {  	s2 =	rddreg [dreg:$0xb];
	[sflag:s22] =	ssyncadd.s32 $0xFFFFEC00  }
0x3a: {  	[spmem:s2] =	stream.linear.scatter [tilespmem:s21], [sflag:$0xD], $0x1400, $0x38;
	[tilespmem:$0x1C9A0] =	vst v63  }
0x3b: {  	_ =	swait.ge [sflag:s22], $0x1400  }
0x3c: {  	[sflag:s22] =	ssyncset.done $0x0  }
0x3d: {  	s12 =	rddreg [dreg:$0xc];
	[sflag:s22] =	ssyncadd.s32 $0xFFFFEC00  }
0x3e: {  	[spmem:s12] =	stream.linear.scatter [tilespmem:s21], [sflag:$0xD], $0x1400, $0x38;
	[tilespmem:$0x1C9A0] =	vst v63  }
0x3f: {  	_ =	swait.ge [sflag:s22], $0x1400  }
0x40: {  	[sflag:s22] =	ssyncset.done $0x0  }
0x41: {  	s24 =	rddreg [dreg:$0xd];
	[sflag:s22] =	ssyncadd.s32 $0xFFFFEC00  }
0x42: {  	[spmem:s24] =	stream.linear.scatter [tilespmem:s21], [sflag:$0xD], $0x1400, $0x38;
	[tilespmem:$0x1C9A0] =	vst v63  }
0x43: {  	_ =	swait.ge [sflag:s22], $0x1400  }
0x44: {  	[sflag:s22] =	ssyncset.done $0x0  }
0x45: {  	s2 =	rddreg [dreg:$0xe];
	[sflag:s22] =	ssyncadd.s32 $0xFFFFEC00  }
0x46: {  	[spmem:s2] =	stream.linear.scatter [tilespmem:s21], [sflag:$0xD], $0x1400, $0x38;
	[tilespmem:$0x1C9A0] =	vst v63  }
0x47: {  	_ =	swait.ge [sflag:s22], $0x1400  }
0x48: {  	[sflag:s22] =	ssyncset.done $0x0  }
0x49: {  	s1 =	simm.s32 @!p0 $0x10040;
	s2 =	rddreg [dreg:$0xf];
	[sflag:s22] =	ssyncadd.s32 $0xFFFFEC00  }
0x4a: {  	[spmem:s2] =	stream.linear.scatter @!p0 [tilespmem:s1], [sflag:$0xD], $0x1400, $0x38;
	[tilespmem:$0x1C9A0] =	vst v63  }
0x4b: {  	s1 =	simm.s32 @!p0 $0xD  }
0x4c: {  	_ =	swait.ge @!p0 [sflag:s1], $0x1400  }
0x4d: {  	[sflag:s1] =	ssyncset.done @!p0 $0x0  }
0x4e: {  	s12 =	simm.s32 $0xB;
	[sflag:s1] =	ssyncadd.s32 @!p0 $0xFFFFEC00  }
0x4f: {  	_ =	swait.ge [sflag:s12], $0x4E20  }
0x50: {  	[sflag:s12] =	ssyncset.done $0x0  }
0x51: {  	s24 =	simm.s32 $0xC;
	[sflag:s12] =	ssyncadd.s32 $0xFFFFB1E0  }
0x52: {  	_ =	swait.ge [sflag:s24], $0x4E20  }
0x53: {  	[sflag:s24] =	ssyncset.done $0x0  }
0x54: {  	s2 =	simm.s32 $0x0;
	[sflag:s24] =	ssyncadd.s32 $0xFFFFB1E0  }
0x55: {  	v4 =	vld [tilespmem:s2+$0x0]  }
0x56: {  	v5 =	vld [tilespmem:s2+$0x10]  }
0x57: {  	v3 =	vld [tilespmem:s2+$0x20]  }
0x58: {  	s1 =	simm.s32 $0x140;
	v2 =	vld [tilespmem:s2+$0x30]  }
.LBB2_4:
0x59: {  	p1 =	sne.s32 s1, $0x13740;
	v6 =	vld [tilespmem:s2+$0x40]  }
0x5a: {  	v4 =	vshll.u32 v4, $0x1  }
0x5b: {  	v4 =	vor.u32 v0, v4;
	v5 =	vshll.u32 v5, $0x1  }
.Ltmp3:
0x5c: {  	s12 =	sshra.s32 s1, $0x2;
	[tilespmem:s2+$0x0] =	vst v4;
	v5 =	vor.u32 v0, v5;
	v3 =	vshll.u32 v3, $0x1;
	(pc) =	sbr.rel @p1 .LBB2_4-.Ltmp3, $4  }
0x5d: {  	v4 =	vld [tilespmem:s12+$0x0];
	[tilespmem:s2+$0x10] =	vst v5;
	v3 =	vor.u32 v0, v3;
	v2 =	vshll.u32 v2, $0x1  }
0x5e: {  	v5 =	vld [tilespmem:s12+$0x10];
	[tilespmem:s2+$0x20] =	vst v3;
	v2 =	vor.u32 v0, v2;
	v6 =	vshll.u32 v6, $0x1  }
0x5f: {  	v3 =	vld [tilespmem:s12+$0x20];
	[tilespmem:s2+$0x30] =	vst v2;
	v6 =	vor.u32 v0, v6  }
0x60: {  	s1 =	sadd.s32 $0x140, s1;
	v2 =	vld [tilespmem:s12+$0x30];
	[tilespmem:s2+$0x40] =	vst v6;
	s2 =	smov.u32 s12  }
0x61: {  	v6 =	vld [tilespmem:s2+$0x40]  }
0x62: {  	v4 =	vshll.u32 v4, $0x1  }
0x63: {  	v4 =	vor.u32 v0, v4;
	v5 =	vshll.u32 v5, $0x1  }
0x64: {  	[tilespmem:s2+$0x0] =	vst v4;
	v63 =	vor.u32 v0, v5;
	v3 =	vshll.u32 v3, $0x1  }
0x65: {  	[tilespmem:s2+$0x10] =	vst v63;
	v3 =	vor.u32 v0, v3;
	v2 =	vshll.u32 v2, $0x1  }
0x66: {  	[tilespmem:s2+$0x20] =	vst v3;
	v2 =	vor.u32 v0, v2;
	v3 =	vshll.u32 v6, $0x1  }
0x67: {  	[tilespmem:s2+$0x30] =	vst v2;
	v2 =	vor.u32 v0, v3  }
0x68: {  	[tilespmem:s2+$0x40] =	vst v2  }
0x69: {  	s1 =	simm.s32 $0x0;
	[bflag:$0x0] =	sbarrier.arrive $0xFFFF  }
0x6a: {  	[tilespmem:s26], [sflag:$0x1] =	stream.indirect.gather [hbm4b:s5+s25], $0x40, s1, s25, $0xb8;
	[tilespmem:$0x1C9A0] =	vst v63  }
0x6b: {  	_ = 	snop  }
0x6c: {  	[tilespmem:s28], [sflag:$0x2] =	stream.indirect.gather [hbm4b:s5+s25], $0x40, s25, s25, $0xb8;
	[tilespmem:$0x1C9A0] =	vst v63  }
0x6d: {  	s2 =	simm.s32 $0xA0  }
0x6e: {  	[tilespmem:s30], [sflag:$0x3] =	stream.indirect.gather [hbm4b:s5+s25], $0x40, s2, s25, $0xb8;
	[tilespmem:$0x1C9A0] =	vst v63  }
0x6f: {  	s12 =	simm.s32 $0xF0  }
0x70: {  	[tilespmem:s0], [sflag:$0x4] =	stream.indirect.gather [hbm4b:s5+s25], $0x40, s12, s25, $0xb8;
	[tilespmem:$0x1C9A0] =	vst v63  }
0x71: {  	_ =	swait.ge [sflag:s29], $0x1400  }
0x72: {  	[sflag:s29] =	ssyncset.done $0x0  }
0x73: {  	[sflag:s29] =	ssyncadd.s32 $0xFFFFEC00  }
0x74: {  	[spmem:s3] =	stream.indirect.scatter.add.f32 [tilespmem:s26], [sflag:$0x6], $0x40, s23, s25, $0xb8;
	[tilespmem:$0x1C9A0] =	vst v63  }
0x75: {  	s24 =	simm.s32 $0x140  }
0x76: {  	[tilespmem:s31], [sflag:$0x5] =	stream.indirect.gather [hbm4b:s5+s25], $0x40, s24, s25, $0xb8;
	[tilespmem:$0x1C9A0] =	vst v63  }
0x77: {  	_ =	swait.ge [sflag:s4], $0x1400  }
0x78: {  	[sflag:s4] =	ssyncset.done $0x0  }
0x79: {  	s2 =	simm.s32 $0x4E70;
	[sflag:s4] =	ssyncadd.s32 $0xFFFFEC00  }
0x7a: {  	[spmem:s3] =	stream.indirect.scatter.add.f32 [tilespmem:s28], [sflag:$0x7], $0x40, s2, s25, $0xb8;
	[tilespmem:$0x1C9A0] =	vst v63  }
0x7b: {  	_ =	swait.ge [sflag:s8], $0x1400  }
0x7c: {  	[sflag:s8] =	ssyncset.done $0x0  }
0x7d: {  	s12 =	simm.s32 $0x190;
	[sflag:s8] =	ssyncadd.s32 $0xFFFFEC00  }
0x7e: {  	[tilespmem:s26], [sflag:$0x1] =	stream.indirect.gather [hbm4b:s5+s25], $0x40, s12, s25, $0xb8;
	[tilespmem:$0x1C9A0] =	vst v63  }
0x7f: {  	_ =	swait.ge [sflag:s9], $0x1400  }
0x80: {  	[sflag:s9] =	ssyncset.done $0x0  }
0x81: {  	s23 =	simm.s32 $0x4EC0;
	[sflag:s9] =	ssyncadd.s32 $0xFFFFEC00  }
0x82: {  	[spmem:s3] =	stream.indirect.scatter.add.f32 [tilespmem:s30], [sflag:$0x8], $0x40, s23, s25, $0xb8;
	[tilespmem:$0x1C9A0] =	vst v63  }
0x83: {  	_ =	swait.ge [sflag:s11], $0x1400  }
0x84: {  	[sflag:s11] =	ssyncset.done $0x0  }
0x85: {  	s24 =	simm.s32 $0x1E0;
	[sflag:s11] =	ssyncadd.s32 $0xFFFFEC00  }
0x86: {  	[tilespmem:s28], [sflag:$0x2] =	stream.indirect.gather [hbm4b:s5+s25], $0x40, s24, s25, $0xb8;
	[tilespmem:$0x1C9A0] =	vst v63  }
0x87: {  	_ =	swait.ge [sflag:s20], $0x1400  }
0x88: {  	[sflag:s20] =	ssyncset.done $0x0  }
0x89: {  	s2 =	simm.s32 $0x4F10;
	[sflag:s20] =	ssyncadd.s32 $0xFFFFEC00  }
0x8a: {  	[spmem:s3] =	stream.indirect.scatter.add.f32 [tilespmem:s0], [sflag:$0x9], $0x40, s2, s25, $0xb8;
	[tilespmem:$0x1C9A0] =	vst v63  }
0x8b: {  	_ =	swait.ge [sflag:s13], $0x1400  }
0x8c: {  	[sflag:s13] =	ssyncset.done $0x0  }
0x8d: {  	s12 =	simm.s32 $0x230;
	[sflag:s13] =	ssyncadd.s32 $0xFFFFEC00  }
0x8e: {  	[tilespmem:s30], [sflag:$0x3] =	stream.indirect.gather [hbm4b:s5+s25], $0x40, s12, s25, $0xb8;
	[tilespmem:$0x1C9A0] =	vst v63  }
0x8f: {  	_ =	swait.ge [sflag:s14], $0x1400  }
0x90: {  	[sflag:s14] =	ssyncset.done $0x0  }
0x91: {  	s23 =	simm.s32 $0x4F60;
	[sflag:s14] =	ssyncadd.s32 $0xFFFFEC00  }
0x92: {  	[spmem:s3] =	stream.indirect.scatter.add.f32 [tilespmem:s31], [sflag:$0xA], $0x40, s23, s25, $0xb8;
	[tilespmem:$0x1C9A0] =	vst v63  }
0x93: {  	_ =	swait.ge [sflag:s15], $0x1400  }
0x94: {  	[sflag:s15] =	ssyncset.done $0x0  }
0x95: {  	s24 =	simm.s32 $0x280;
	[sflag:s15] =	ssyncadd.s32 $0xFFFFEC00  }
0x96: {  	[tilespmem:s0], [sflag:$0x4] =	stream.indirect.gather [hbm4b:s5+s25], $0x40, s24, s25, $0xb8;
	[tilespmem:$0x1C9A0] =	vst v63  }
0x97: {  	_ =	swait.ge [sflag:s29], $0x1400  }
0x98: {  	[sflag:s29] =	ssyncset.done $0x0  }
0x99: {  	s2 =	simm.s32 $0x4FB0;
	[sflag:s29] =	ssyncadd.s32 $0xFFFFEC00  }
0x9a: {  	[spmem:s3] =	stream.indirect.scatter.add.f32 [tilespmem:s26], [sflag:$0x6], $0x40, s2, s25, $0xb8;
	[tilespmem:$0x1C9A0] =	vst v63  }
0x9b: {  	_ =	swait.ge [sflag:s16], $0x1400  }
0x9c: {  	[sflag:s16] =	ssyncset.done $0x0  }
0x9d: {  	s12 =	simm.s32 $0x2D0;
	[sflag:s16] =	ssyncadd.s32 $0xFFFFEC00  }
0x9e: {  	[tilespmem:s31], [sflag:$0x5] =	stream.indirect.gather [hbm4b:s5+s25], $0x40, s12, s25, $0xb8;
	[tilespmem:$0x1C9A0] =	vst v63  }
0x9f: {  	_ =	swait.ge [sflag:s4], $0x1400  }
0xa0: {  	[sflag:s4] =	ssyncset.done $0x0  }
0xa1: {  	s23 =	simm.s32 $0x5000;
	[sflag:s4] =	ssyncadd.s32 $0xFFFFEC00  }
0xa2: {  	[spmem:s3] =	stream.indirect.scatter.add.f32 [tilespmem:s28], [sflag:$0x7], $0x40, s23, s25, $0xb8;
	[tilespmem:$0x1C9A0] =	vst v63  }
0xa3: {  	_ =	swait.ge [sflag:s8], $0x1400  }
0xa4: {  	[sflag:s8] =	ssyncset.done $0x0  }
0xa5: {  	s24 =	simm.s32 $0x320;
	[sflag:s8] =	ssyncadd.s32 $0xFFFFEC00  }
0xa6: {  	[tilespmem:s26], [sflag:$0x1] =	stream.indirect.gather [hbm4b:s5+s25], $0x40, s24, s25, $0xb8;
	[tilespmem:$0x1C9A0] =	vst v63  }
0xa7: {  	_ =	swait.ge [sflag:s9], $0x1400  }
0xa8: {  	[sflag:s9] =	ssyncset.done $0x0  }
0xa9: {  	s2 =	simm.s32 $0x5050;
	[sflag:s9] =	ssyncadd.s32 $0xFFFFEC00  }
0xaa: {  	[spmem:s3] =	stream.indirect.scatter.add.f32 [tilespmem:s30], [sflag:$0x8], $0x40, s2, s25, $0xb8;
	[tilespmem:$0x1C9A0] =	vst v63  }
0xab: {  	_ =	swait.ge [sflag:s11], $0x1400  }
0xac: {  	[sflag:s11] =	ssyncset.done $0x0  }
0xad: {  	s12 =	simm.s32 $0x370;
	[sflag:s11] =	ssyncadd.s32 $0xFFFFEC00  }
0xae: {  	[tilespmem:s28], [sflag:$0x2] =	stream.indirect.gather [hbm4b:s5+s25], $0x40, s12, s25, $0xb8;
	[tilespmem:$0x1C9A0] =	vst v63  }
0xaf: {  	_ =	swait.ge [sflag:s20], $0x1400  }
0xb0: {  	[sflag:s20] =	ssyncset.done $0x0  }
0xb1: {  	s23 =	simm.s32 $0x50A0;
	[sflag:s20] =	ssyncadd.s32 $0xFFFFEC00  }
0xb2: {  	[spmem:s3] =	stream.indirect.scatter.add.f32 [tilespmem:s0], [sflag:$0x9], $0x40, s23, s25, $0xb8;
	[tilespmem:$0x1C9A0] =	vst v63  }
0xb3: {  	_ =	swait.ge [sflag:s13], $0x1400  }
0xb4: {  	[sflag:s13] =	ssyncset.done $0x0  }
0xb5: {  	s24 =	simm.s32 $0x3C0;
	[sflag:s13] =	ssyncadd.s32 $0xFFFFEC00  }
0xb6: {  	[tilespmem:s30], [sflag:$0x3] =	stream.indirect.gather [hbm4b:s5+s25], $0x40, s24, s25, $0xb8;
	[tilespmem:$0x1C9A0] =	vst v63  }
0xb7: {  	_ =	swait.ge [sflag:s14], $0x1400  }
0xb8: {  	[sflag:s14] =	ssyncset.done $0x0  }
0xb9: {  	s1 =	simm.s32 $0x50F0;
	s2 =	simm.s32 $0x640;
	[sflag:s14] =	ssyncadd.s32 $0xFFFFEC00  }
.LBB2_6:
0xba: {  	[spmem:s3] =	stream.indirect.scatter.add.f32 [tilespmem:s31], [sflag:$0xA], $0x40, s1, s25, $0xb8;
	[tilespmem:$0x1C9A0] =	vst v63  }
0xbb: {  	s1 =	smov.u32 s2;
	s2 =	sadd.s32 $0x640, s2;
	_ =	swait.ge [sflag:s15], $0x1400  }
0xbc: {  	s24 =	sshra.s32 s1, $0x2;
	p1 =	sne.s32 s2, $0x12C00;
	[sflag:s15] =	ssyncset.done $0x0  }
0xbd: {  	s1 =	sadd.s32 $0x280, s24;
	[sflag:s15] =	ssyncadd.s32 $0xFFFFEC00  }
0xbe: {  	[tilespmem:s0], [sflag:$0x4] =	stream.indirect.gather [hbm4b:s5+s25], $0x40, s1, s25, $0xb8;
	[tilespmem:$0x1C9A0] =	vst v63  }
0xbf: {  	_ =	swait.ge [sflag:s29], $0x1400  }
0xc0: {  	[sflag:s29] =	ssyncset.done $0x0  }
0xc1: {  	s1 =	sadd.s32 $0x4FB0, s24;
	[sflag:s29] =	ssyncadd.s32 $0xFFFFEC00  }
0xc2: {  	[spmem:s3] =	stream.indirect.scatter.add.f32 [tilespmem:s26], [sflag:$0x6], $0x40, s1, s25, $0xb8;
	[tilespmem:$0x1C9A0] =	vst v63  }
0xc3: {  	_ =	swait.ge [sflag:s16], $0x1400  }
0xc4: {  	[sflag:s16] =	ssyncset.done $0x0  }
0xc5: {  	s1 =	sadd.s32 $0x2D0, s24;
	[sflag:s16] =	ssyncadd.s32 $0xFFFFEC00  }
0xc6: {  	[tilespmem:s31], [sflag:$0x5] =	stream.indirect.gather [hbm4b:s5+s25], $0x40, s1, s25, $0xb8;
	[tilespmem:$0x1C9A0] =	vst v63  }
0xc7: {  	_ =	swait.ge [sflag:s4], $0x1400  }
0xc8: {  	[sflag:s4] =	ssyncset.done $0x0  }
0xc9: {  	s1 =	sadd.s32 $0x5000, s24;
	[sflag:s4] =	ssyncadd.s32 $0xFFFFEC00  }
0xca: {  	[spmem:s3] =	stream.indirect.scatter.add.f32 [tilespmem:s28], [sflag:$0x7], $0x40, s1, s25, $0xb8;
	[tilespmem:$0x1C9A0] =	vst v63  }
0xcb: {  	_ =	swait.ge [sflag:s8], $0x1400  }
0xcc: {  	[sflag:s8] =	ssyncset.done $0x0  }
0xcd: {  	s1 =	sadd.s32 $0x320, s24;
	[sflag:s8] =	ssyncadd.s32 $0xFFFFEC00  }
0xce: {  	[tilespmem:s26], [sflag:$0x1] =	stream.indirect.gather [hbm4b:s5+s25], $0x40, s1, s25, $0xb8;
	[tilespmem:$0x1C9A0] =	vst v63  }
0xcf: {  	_ =	swait.ge [sflag:s9], $0x1400  }
0xd0: {  	[sflag:s9] =	ssyncset.done $0x0  }
0xd1: {  	s1 =	sadd.s32 $0x5050, s24;
	[sflag:s9] =	ssyncadd.s32 $0xFFFFEC00  }
0xd2: {  	[spmem:s3] =	stream.indirect.scatter.add.f32 [tilespmem:s30], [sflag:$0x8], $0x40, s1, s25, $0xb8;
	[tilespmem:$0x1C9A0] =	vst v63  }
0xd3: {  	_ =	swait.ge [sflag:s11], $0x1400  }
0xd4: {  	[sflag:s11] =	ssyncset.done $0x0  }
0xd5: {  	s1 =	sadd.s32 $0x370, s24;
	[sflag:s11] =	ssyncadd.s32 $0xFFFFEC00  }
0xd6: {  	[tilespmem:s28], [sflag:$0x2] =	stream.indirect.gather [hbm4b:s5+s25], $0x40, s1, s25, $0xb8;
	[tilespmem:$0x1C9A0] =	vst v63  }
0xd7: {  	_ =	swait.ge [sflag:s20], $0x1400  }
0xd8: {  	[sflag:s20] =	ssyncset.done $0x0  }
0xd9: {  	s1 =	sadd.s32 $0x50A0, s24;
	[sflag:s20] =	ssyncadd.s32 $0xFFFFEC00  }
0xda: {  	[spmem:s3] =	stream.indirect.scatter.add.f32 [tilespmem:s0], [sflag:$0x9], $0x40, s1, s25, $0xb8;
	[tilespmem:$0x1C9A0] =	vst v63  }
0xdb: {  	_ =	swait.ge [sflag:s13], $0x1400  }
0xdc: {  	[sflag:s13] =	ssyncset.done $0x0  }
.Ltmp4:
0xdd: {  	s1 =	sadd.s32 $0x3C0, s24;
	[sflag:s13] =	ssyncadd.s32 $0xFFFFEC00;
	(pc) =	sbr.rel @p1 .LBB2_6-.Ltmp4, $4  }
0xde: {  	[tilespmem:s30], [sflag:$0x3] =	stream.indirect.gather [hbm4b:s5+s25], $0x40, s1, s25, $0xb8;
	[tilespmem:$0x1C9A0] =	vst v63  }
0xdf: {  	_ =	swait.ge [sflag:s14], $0x1400  }
0xe0: {  	[sflag:s14] =	ssyncset.done $0x0  }
0xe1: {  	s1 =	sadd.s32 $0x50F0, s24;
	[sflag:s14] =	ssyncadd.s32 $0xFFFFEC00  }
0xe2: {  	[spmem:s3] =	stream.indirect.scatter.add.f32 [tilespmem:s31], [sflag:$0xA], $0x40, s1, s25, $0xb8;
	[tilespmem:$0x1C9A0] =	vst v63  }
0xe3: {  	_ =	swait.ge [sflag:s15], $0x1400  }
0xe4: {  	s1 =	sshra.s32 s2, $0x2;
	[sflag:s15] =	ssyncset.done $0x0  }
0xe5: {  	s2 =	sadd.s32 $0x280, s1;
	[sflag:s15] =	ssyncadd.s32 $0xFFFFEC00  }
0xe6: {  	[tilespmem:s0], [sflag:$0x4] =	stream.indirect.gather [hbm4b:s5+s25], $0x40, s2, s25, $0xb8;
	[tilespmem:$0x1C9A0] =	vst v63  }
0xe7: {  	_ =	swait.ge [sflag:s29], $0x1400  }
0xe8: {  	[sflag:s29] =	ssyncset.done $0x0  }
0xe9: {  	s23 =	sadd.s32 $0x4FB0, s1;
	[sflag:s29] =	ssyncadd.s32 $0xFFFFEC00  }
0xea: {  	[spmem:s3] =	stream.indirect.scatter.add.f32 [tilespmem:s26], [sflag:$0x6], $0x40, s23, s25, $0xb8;
	[tilespmem:$0x1C9A0] =	vst v63  }
0xeb: {  	_ =	swait.ge [sflag:s16], $0x1400  }
0xec: {  	[sflag:s16] =	ssyncset.done $0x0  }
0xed: {  	s24 =	simm.s32 $0x4DD0;
	[sflag:s16] =	ssyncadd.s32 $0xFFFFEC00  }
0xee: {  	[tilespmem:s31], [sflag:$0x5] =	stream.indirect.gather [hbm4b:s5+s25], $0x40, s24, s25, $0xb8;
	[tilespmem:$0x1C9A0] =	vst v63  }
0xef: {  	_ =	swait.ge [sflag:s4], $0x1400  }
0xf0: {  	[sflag:s4] =	ssyncset.done $0x0  }
0xf1: {  	s12 =	sadd.s32 $0x5000, s1;
	[sflag:s4] =	ssyncadd.s32 $0xFFFFEC00  }
0xf2: {  	[spmem:s3] =	stream.indirect.scatter.add.f32 [tilespmem:s28], [sflag:$0x7], $0x40, s12, s25, $0xb8;
	[tilespmem:$0x1C9A0] =	vst v63  }
0xf3: {  	_ =	swait.ge [sflag:s9], $0x1400  }
0xf4: {  	[sflag:s9] =	ssyncset.done $0x0  }
0xf5: {  	s23 =	sadd.s32 $0x5050, s1;
	[sflag:s9] =	ssyncadd.s32 $0xFFFFEC00  }
0xf6: {  	[spmem:s3] =	stream.indirect.scatter.add.f32 [tilespmem:s30], [sflag:$0x8], $0x40, s23, s25, $0xb8;
	[tilespmem:$0x1C9A0] =	vst v63  }
0xf7: {  	_ =	swait.ge [sflag:s20], $0x1400  }
0xf8: {  	[sflag:s20] =	ssyncset.done $0x0  }
0xf9: {  	s1 =	sadd.s32 $0x50A0, s1;
	[sflag:s20] =	ssyncadd.s32 $0xFFFFEC00  }
0xfa: {  	[spmem:s3] =	stream.indirect.scatter.add.f32 [tilespmem:s0], [sflag:$0x9], $0x40, s1, s25, $0xb8;
	[tilespmem:$0x1C9A0] =	vst v63  }
0xfb: {  	_ =	swait.ge [sflag:s14], $0x1400  }
0xfc: {  	[sflag:s14] =	ssyncset.done $0x0  }
0xfd: {  	s24 =	simm.s32 $0x9BF0;
	[sflag:s14] =	ssyncadd.s32 $0xFFFFEC00  }
0xfe: {  	[spmem:s3] =	stream.indirect.scatter.add.f32 [tilespmem:s31], [sflag:$0xA], $0x40, s24, s25, $0xb8;
	[tilespmem:$0x1C9A0] =	vst v63  }
0xff: {  	_ =	swait.ge [sflag:s8], $0x1400  }
0x100: {  	[sflag:s8] =	ssyncset.done $0x0  }
0x101: {  	[sflag:s8] =	ssyncadd.s32 $0xFFFFEC00  }
0x102: {  	_ =	swait.ge [sflag:s11], $0x1400  }
0x103: {  	[sflag:s11] =	ssyncset.done $0x0  }
0x104: {  	[sflag:s11] =	ssyncadd.s32 $0xFFFFEC00  }
0x105: {  	_ =	swait.ge [sflag:s13], $0x1400  }
0x106: {  	[sflag:s13] =	ssyncset.done $0x0  }
0x107: {  	[sflag:s13] =	ssyncadd.s32 $0xFFFFEC00  }
0x108: {  	_ =	swait.ge [sflag:s15], $0x1400  }
0x109: {  	[sflag:s15] =	ssyncset.done $0x0  }
0x10a: {  	[sflag:s15] =	ssyncadd.s32 $0xFFFFEC00  }
.Ltmp5:
0x10b: {  	_ =	swait.ge [sflag:s16], $0x1400;
	(pc) =	sbr.rel .LBB2_8-.Ltmp5, $4  }
0x10c: {  	[sflag:s16] =	ssyncset.done $0x0  }
0x10d: {  	[sflag:s16] =	ssyncadd.s32 $0xFFFFEC00  }
0x10e: {  	[bflag:$0x0] =	sbarrier.arrive $0xFFFF  }
0x10f: {  	s2 =	simm.s32 $0x0  }
.LBB2_12:
0x110: {  	s2 =	sadd.s32 $0x1, s2  }
0x111: {  	p1 =	sne.s32 s2, $0x8  }
.Ltmp6:
0x112: {  	_ = 	snop;
	(pc) =	sbr.rel @!p1 .LBB2_13-.Ltmp6, $1  }
0x113: {  	_ =	sdelay $0x3  }
.LBB2_8:
0x114: {  	s1 =	sshll.u32 s2, $0x4  }
0x115: {  	s1 =	sor.u32 s6, s1  }
0x116: {  	p1 =	sgt.u32 s1, $0x7C  }
.Ltmp7:
0x117: {  	_ = 	snop;
	(pc) =	sbr.rel @p1 .LBB2_12-.Ltmp7, $1  }
0x118: {  	_ =	sdelay $0x3  }
0x119: {  	s12 =	smul.u32 $0x5000, s1;
	_ =	sdelay $0x1  }
0x11a: {  	s12 =	sshra.s32 s12, $0x2  }
0x11b: {  	s1 =	smul.u32 $0x2800, s1;
	s12 =	sadd.s32 s12, s3  }
0x11c: {  	[tilespmem:s21], [sflag:$0xE] =	stream.linear.gather [spmem:s12], $0x1400, $0x38;
	[tilespmem:$0x1C9A0] =	vst v63  }
0x11d: {  	s6 =	sor.u32 s10, s1;
	_ =	swait.ge [sflag:s17], $0x1400  }
0x11e: {  	s24 =	sshrl.u32 s6, $0x3;
	[sflag:s17] =	ssyncset.done $0x0;
	s6 =	rddreg [dreg:$0x4]  }
0x11f: {  	s23 =	simm.s32 $0x1B0A0;
	[sflag:s17] =	ssyncadd.s32 $0xFFFFEC00;
	s12 =	sadd.s32 s6, s24  }
0x120: {  	[tilespmem:s23], [sflag:$0xE] =	stream.strided.gather [hbm4b:s12+s18], $0x1400, s19, s18, $0x38;
	[tilespmem:$0x1C9A0] =	vst v63  }
0x121: {  	s1 =	sshrl.u32 s1, $0x3;
	_ =	swait.ge [sflag:s17], $0x1400  }
0x122: {  	s1 =	sadd.s32 s7, s1;
	[sflag:s17] =	ssyncset.done $0x0  }
0x123: {  	s23 =	simm.s32 $0x1C4A0;
	s12 =	simm.s32 $0x10;
	[sflag:s17] =	ssyncadd.s32 $0xFFFFEC00  }
0x124: {  	[tilespmem:s23], [sflag:$0xE] =	stream.strided.gather [hbm4b:s1+s12], $0x500, s19, s12, $0x38;
	[tilespmem:$0x1C9A0] =	vst v63  }
0x125: {  	_ =	swait.ge [sflag:s17], $0x500  }
0x126: {  	[sflag:s17] =	ssyncset.done $0x0  }
0x127: {  	s12 =	simm.s32 $0x0;
	[sflag:s17] =	ssyncadd.s32 $0xFFFFFB00  }
0x128: {  	v2 =	vld [tilespmem:s12+$0x1B0B0]  }
0x129: {  	v3 =	vld [tilespmem:s12+$0x1B0D0]  }
0x12a: {  	v4 =	vld [tilespmem:s12+$0x10070]  }
0x12b: {  	v6 =	vld [tilespmem:s12+$0x10040]  }
0x12c: {  	v5 =	vld [tilespmem:s12+$0x10060]  }
0x12d: {  	v7 =	vld [tilespmem:s23+$0x0]  }
0x12e: {  	v10 =	vld [tilespmem:s12+$0x10050]  }
0x12f: {  	v9 =	vld [tilespmem:s12+$0x1B0A0]  }
0x130: {  	s1 =	simm.s32 $0x100;
	v8 =	vld [tilespmem:s12+$0x1B0C0]  }
.LBB2_10:
0x131: {  	p1 =	sne.s32 s1, $0x4F00  }
0x132: {  	s23 =	sadd.s32 $0x10, s23;
	s6 =	smov.u32 s1;
	s1 =	sadd.s32 $0x100, s1  }
0x133: {  	v6 =	vmul.f32 v6, v7;
	v4 =	vmul.f32 v4, v7  }
0x134: {  	v5 =	vmul.f32 v5, v7;
	v10 =	vmul.f32 v10, v7  }
0x135: {  	s6 =	sshra.s32 s6, $0x2;
	v6 =	vadd.f32 v9, v6;
	v4 =	vadd.f32 v3, v4  }
0x136: {  	v7 =	vadd.f32 v2, v10;
	v2 =	vld [tilespmem:s6+$0x1B0B0];
	v5 =	vadd.f32 v8, v5  }
0x137: {  	v3 =	vld [tilespmem:s6+$0x1B0D0];
	[tilespmem:s12+$0x10070] =	vst v4  }
0x138: {  	v4 =	vld [tilespmem:s6+$0x10070];
	[tilespmem:s12+$0x10040] =	vst v6  }
0x139: {  	v6 =	vld [tilespmem:s6+$0x10040];
	[tilespmem:s12+$0x10060] =	vst v5  }
.Ltmp8:
0x13a: {  	v5 =	vld [tilespmem:s6+$0x10060];
	[tilespmem:s12+$0x10050] =	vst v7;
	s12 =	smov.u32 s6;
	(pc) =	sbr.rel @p1 .LBB2_10-.Ltmp8, $4  }
0x13b: {  	v7 =	vld [tilespmem:s23+$0x0]  }
0x13c: {  	v10 =	vld [tilespmem:s12+$0x10050]  }
0x13d: {  	v9 =	vld [tilespmem:s12+$0x1B0A0]  }
0x13e: {  	v8 =	vld [tilespmem:s12+$0x1B0C0]  }
0x13f: {  	_ = 	snop  }
0x140: {  	v4 =	vmul.f32 v4, v7  }
0x141: {  	v6 =	vmul.f32 v6, v7  }
0x142: {  	v5 =	vmul.f32 v5, v7;
	v3 =	vadd.f32 v3, v4  }
0x143: {  	v63 =	vmul.f32 v10, v7;
	v6 =	vadd.f32 v9, v6  }
0x144: {  	v5 =	vadd.f32 v8, v5;
	[tilespmem:s12+$0x10070] =	vst v3  }
0x145: {  	v2 =	vadd.f32 v2, v63;
	[tilespmem:s12+$0x10040] =	vst v6  }
0x146: {  	s1 =	rddreg [dreg:$0x1];
	[tilespmem:s12+$0x10060] =	vst v5  }
.Ltmp9:
0x147: {  	s1 =	sadd.s32 s1, s24;
	[tilespmem:s12+$0x10050] =	vst v2;
	(pc) =	sbr.rel .LBB2_12-.Ltmp9, $4  }
0x148: {  	[hbm4b:s1+s18] =	stream.strided.scatter [tilespmem:s21], [sflag:$0xD], $0x1400, s19, s18, $0x38;
	[tilespmem:$0x1C9A0] =	vst v63  }
0x149: {  	_ =	swait.ge [sflag:s22], $0x1400  }
0x14a: {  	[sflag:s22] =	ssyncset.done $0x0  }
0x14b: {  	s6 =	stileid.u32;
	[sflag:s22] =	ssyncadd.s32 $0xFFFFEC00  }
.LBB2_14:
0x14c: {  	_ =	sfence.sel $0x180000  }
0x14d: {  	[bflag:$0x0] =	sbarrier.arrive $0xFFFF  }
0x14e: {  	_ =	strace $0x9000004A  }
0x14f: {  	[bflag:$0x2] =	sbarrier.arrive $0xFFFF  }
0x150: {  	p0 =	sne.s32 s6, $0x0;
	s0 =	rddreg [dreg:$0x3]  }
0x151: {  	s0 =	sadd.s32 @!p0 $0x100000, s0  }
0x152: {  	[sflag:s0] =	ssyncadd.tile.s32 @!p0 $0x1;
	_ =	shalt  }
.Lfunc_end2:
_tile_overlayer_lowered:
.L_overlay_start_2:
0x153: {  	(tag) =	ssettag $0x2  }
0x154: {  	s0 =	rddreg [dreg:$0x0];
	s2 =	stileid.u32  }
0x155: {  	s1 =	rddreg [dreg:$0x1];
	p0 =	sne.s32 s2, $0x0  }
0x156: {  	s3 =	rddreg [dreg:$0x2];
	[bflag:$0x3] =	sbarrier.arrive $0xFFFF;
	s2 =	simm.s32 @!p0 $0x1C0D  }
0x157: {  	[timem:s3], [sflag:s2] =	dma.local @!p0 [hbm:s0], s1  }
0x158: {  	s0 =	simm.s32 @!p0 $0xD  }
0x159: {  	_ =	swait.ge @!p0 [sflag:s0], s1  }
0x15a: {  	s1 =	ssub.s32 @!p0 $0x0, s1;
	[sflag:s0] =	ssyncset.done @!p0 $0x0  }
0x15b: {  	[sflag:s0] =	ssyncadd.s32 @!p0 s1  }
0x15c: {  	[bflag:$0x3] =	sbarrier.arrive $0xFFFF  }
0x15d: {  	_ =	shalt  }

</sc_bundles>
